<compile_context>
chip_gen: v7x
topology: tpu7x:2x2x1
jax: 0.10.2.dev20260603
libtpu: 0.0.44.dev20260713+nightly
codegen_flags: <defaults>
</compile_context>

<pallas_src>
import functools

import jax
import jax.numpy as jnp
from jax import lax
from jax.experimental import pallas as pl
from jax.experimental.pallas import tpu as pltpu
from jax.experimental.pallas import tpu_sc as plsc

HORSE_COUNT = 1000000
NDIM = 16
BATCH = 16384
CTX = 6

NC = 2
NS = 16
NW = NC * NS

CHUNK = 128
ROWS_W = BATCH // NW
CH_W = ROWS_W * 8 // CHUNK


def _sc_gather_body(xi_ref, ti_ref, ew_ref, eo_ref, g_ref, t_ref,
                    xi_v, ti_v, buf_v, sem_g):
    c = lax.axis_index("c")
    s = lax.axis_index("s")
    w = s * NC + c
    pltpu.sync_copy(xi_ref.at[pl.ds(w * CH_W, CH_W)], xi_v)
    pltpu.sync_copy(ti_ref.at[pl.ds(w * CH_W, CH_W)], ti_v)
    for tab_ref, idx_v, out_ref in (
        (ew_ref, xi_v, g_ref),
        (eo_ref, ti_v, t_ref),
    ):
        cps = [pltpu.async_copy(tab_ref.at[idx_v.at[j]], buf_v.at[j], sem_g)
               for j in range(CH_W)]
        for cp in cps:
            cp.wait()
        pltpu.sync_copy(buf_v, out_ref.at[pl.ds(w * CH_W, CH_W)])


@functools.cache
def _sc_gather():
    mesh = plsc.VectorSubcoreMesh(
        core_axis_name="c", subcore_axis_name="s", num_cores=NC, num_subcores=NS
    )
    return pl.kernel(
        _sc_gather_body,
        out_type=(
            jax.ShapeDtypeStruct((NW * CH_W, CHUNK, NDIM), jnp.float32),
            jax.ShapeDtypeStruct((NW * CH_W, CHUNK, NDIM), jnp.float32),
        ),
        mesh=mesh,
        scratch_types=(
            pltpu.VMEM((CH_W, CHUNK), jnp.int32),
            pltpu.VMEM((CH_W, CHUNK), jnp.int32),
            pltpu.VMEM((CH_W, CHUNK, NDIM), jnp.float32),
            pltpu.SemaphoreType.DMA,
        ),
        compiler_params=pltpu.CompilerParams(use_tc_tiling_on_sc=False),
    )



def _tc_dense(g_ref, t_ref, w_ref, b_ref, o_ref):
    g = g_ref[...]
    acc = jnp.dot(g, w_ref[...], preferred_element_type=jnp.float32)
    o = jnp.maximum(acc + b_ref[...], 0.0)
    a = jnp.sum(o * t_ref[...], axis=1)
    o_ref[...] = 1.0 / (1.0 + jnp.exp(-a))


_TC_BM = 2048

_tc_call = pl.pallas_call(
    _tc_dense,
    grid=(BATCH // _TC_BM,),
    in_specs=[
        pl.BlockSpec((_TC_BM, 128), lambda i: (i, 0)),
        pl.BlockSpec((_TC_BM, 128), lambda i: (i, 0)),
        pl.BlockSpec((128, 128), lambda i: (0, 0)),
        pl.BlockSpec((1, 128), lambda i: (0, 0)),
    ],
    out_specs=pl.BlockSpec((_TC_BM,), lambda i: (i,)),
    out_shape=jax.ShapeDtypeStruct((BATCH,), jnp.float32),
)


def kernel(x, target_id, embed_w, embed_out_w, fc1_w, fc1_b):
    xpad = (jnp.arange(BATCH * 2, dtype=jnp.int32) % HORSE_COUNT
            ).reshape(BATCH, 2)
    tpad = (jnp.arange(BATCH * 7, dtype=jnp.int32) % HORSE_COUNT
            ).reshape(BATCH, 7)
    xi = jnp.concatenate([x, xpad], axis=1).reshape(-1, CHUNK)
    ti = jnp.concatenate([target_id[:, None], tpad], axis=1).reshape(-1, CHUNK)

    graw, traw = _sc_gather()(xi, ti, embed_w, embed_out_w)
    g128 = graw.reshape(BATCH, 128)
    t128 = traw.reshape(BATCH, 128)

    w2 = jnp.zeros((128, 128), jnp.float32).at[:CTX * NDIM, :NDIM].set(fc1_w.T)
    b2 = jnp.zeros((1, 128), jnp.float32).at[0, :NDIM].set(fc1_b)
    return _tc_call(g128, t128, w2, b2)

# --- scband reference (transcript-rebuilt; emitter-appended) ---
"""Pipeline reference for scband-blood2-vec-20332375179901 (READ-ONLY COPY).

The authoritative reference and input builder live on the scoring server;
editing this copy changes nothing except your own understanding.
"""

import jax, jax.numpy as jnp
import numpy as np

HORSE_COUNT = 1000000
NDIM = 16
BATCH = 16384
CTX = 6

def setup_inputs(seed: int = 0) -> dict:
    key = jax.random.key(seed)
    k1, k2, k3, k4, k5, k6 = jax.random.split(key, 6)
    x = jax.random.randint(k1, (BATCH, CTX), 0, HORSE_COUNT, dtype=jnp.int64 if jax.config.jax_enable_x64 else jnp.int32).astype(jnp.int32)
    target_id = jax.random.randint(k2, (BATCH,), 0, HORSE_COUNT).astype(jnp.int32)
    int_range = 0.5 / NDIM
    embed_w = jax.random.uniform(k3, (HORSE_COUNT, NDIM), dtype=jnp.float32, minval=-int_range, maxval=int_range)
    embed_out_w = jnp.zeros((HORSE_COUNT, NDIM), dtype=jnp.float32)
    # torch.nn.Linear(6*ndim, ndim): weight [ndim, 6*ndim], bias [ndim]
    bound = 1.0 / np.sqrt(6 * NDIM)
    fc1_w = jax.random.uniform(k4, (NDIM, 6 * NDIM), dtype=jnp.float32, minval=-bound, maxval=bound)
    fc1_b = jax.random.uniform(k5, (NDIM,), dtype=jnp.float32, minval=-bound, maxval=bound)
    return {"x": x, "target_id": target_id, "embed_w": embed_w, "embed_out_w": embed_out_w, "fc1_w": fc1_w, "fc1_b": fc1_b}

def reference(x, target_id, embed_w, embed_out_w, fc1_w, fc1_b):
    out = jnp.take(embed_w, x, axis=0)            # [B, 6, ndim] gather
    out = out.reshape((out.shape[0], -1))          # [B, 6*ndim]
    out = jax.nn.relu(out @ fc1_w.T + fc1_b)       # [B, ndim]
    target = jnp.take(embed_out_w, target_id, axis=0)  # [B, ndim] gather
    a = out * target
    a = jnp.sum(a, axis=1)
    a = jax.nn.sigmoid(a)
    return a

if __name__ == "__main__":
    import jax
    _d = setup_inputs()
    print(jax.jit(kernel)(*tuple(_d.values())))

</pallas_src>

<mosaic_0001>
#map = affine_map<(d0, d1) -> (0, 0)>
#map1 = affine_map<(d0, d1) -> (0, 0, 0)>
module attributes {stable_mosaic.version = 14 : i64} {
  func.func @_sc_gather_body(%arg0: i32, %arg1: i32, %arg2: memref<1024x128xi32, #tpu.memory_space<hbm>>, %arg3: memref<1024x128xi32, #tpu.memory_space<hbm>>, %arg4: memref<1000000x16xf32, #tpu.memory_space<hbm>>, %arg5: memref<1000000x16xf32, #tpu.memory_space<hbm>>, %arg6: memref<1024x128x16xf32, #tpu.memory_space<hbm>>, %arg7: memref<1024x128x16xf32, #tpu.memory_space<hbm>>, %arg8: memref<32x128xi32, #tpu.memory_space<vmem>>, %arg9: memref<32x128xi32, #tpu.memory_space<vmem>>, %arg10: memref<32x128x16xf32, #tpu.memory_space<vmem>>, %arg11: memref<!tpu.dma_semaphore, #tpu.memory_space<semaphore_mem>>) attributes {dimension_semantics = [#tpu.dimension_semantics<core_parallel>, #tpu.dimension_semantics<subcore_parallel>], iteration_bounds = array<i64: 2, 16>, scalar_prefetch = 0 : i64, scratch_operands = 4 : i64, tpu.core_type = #tpu.core_type<sc_vector_subcore>, window_params = [{transform_indices = #map}, {transform_indices = #map}, {transform_indices = #map}, {transform_indices = #map}, {transform_indices = #map1}, {transform_indices = #map1}]} {
    %mul3A = arith.constant 2 : i32
    %mul3A_0 = arith.muli %arg1, %mul3A : i32
    %add3A = arith.addi %mul3A_0, %arg0 : i32
    %mul3A_1 = arith.constant 32 : i32
    %mul3A_2 = arith.muli %add3A, %mul3A_1 : i32
    "tpu.region"() ({
      %run_scoped3A = tpu.sem_alloc : memref<!tpu.dma_semaphore, #tpu.memory_space<semaphore_mem>>
      %dma_start3A_1543 = arith.constant 0 : i32
      %dma_start3A_1544 = tpu.memref_slice %arg2[%mul3A_2, %dma_start3A_1543] : memref<1024x128xi32, #tpu.memory_space<hbm>> -> memref<32x128xi32, #tpu.memory_space<hbm>>
      %dma_start3A_1545 = arith.constant 0 : i32
      %dma_start3A_1546 = tpu.memref_slice %arg2[%mul3A_2, %dma_start3A_1545] : memref<1024x128xi32, #tpu.memory_space<hbm>> -> memref<32x128xi32, #tpu.memory_space<hbm>>
      tpu.enqueue_dma source(%dma_start3A_1546 : memref<32x128xi32, #tpu.memory_space<hbm>>) target(%arg8 : memref<32x128xi32, #tpu.memory_space<vmem>>) target_semaphore(%run_scoped3A : memref<!tpu.dma_semaphore, #tpu.memory_space<semaphore_mem>>)
      %dma_wait3A_1547 = arith.constant 0 : i32
      %dma_wait3A_1548 = tpu.memref_slice %arg2[%mul3A_2, %dma_wait3A_1547] : memref<1024x128xi32, #tpu.memory_space<hbm>> -> memref<32x128xi32, #tpu.memory_space<hbm>>
      %dma_wait3A_1549 = arith.constant 0 : i32
      %dma_wait3A_1550 = tpu.memref_slice %arg2[%mul3A_2, %dma_wait3A_1549] : memref<1024x128xi32, #tpu.memory_space<hbm>> -> memref<32x128xi32, #tpu.memory_space<hbm>>
      tpu.wait_dma2 semaphore(%run_scoped3A : memref<!tpu.dma_semaphore, #tpu.memory_space<semaphore_mem>>) src(%dma_wait3A_1550 : memref<32x128xi32, #tpu.memory_space<hbm>>) dst(%arg8 : memref<32x128xi32, #tpu.memory_space<vmem>>)
      tpu.yield
    }) : () -> ()
    %mul3A_3 = arith.constant 32 : i32
    %mul3A_4 = arith.muli %add3A, %mul3A_3 : i32
    "tpu.region"() ({
      %run_scoped3A = tpu.sem_alloc : memref<!tpu.dma_semaphore, #tpu.memory_space<semaphore_mem>>
      %dma_start3A_1543 = arith.constant 0 : i32
      %dma_start3A_1544 = tpu.memref_slice %arg3[%mul3A_4, %dma_start3A_1543] : memref<1024x128xi32, #tpu.memory_space<hbm>> -> memref<32x128xi32, #tpu.memory_space<hbm>>
      %dma_start3A_1545 = arith.constant 0 : i32
      %dma_start3A_1546 = tpu.memref_slice %arg3[%mul3A_4, %dma_start3A_1545] : memref<1024x128xi32, #tpu.memory_space<hbm>> -> memref<32x128xi32, #tpu.memory_space<hbm>>
      tpu.enqueue_dma source(%dma_start3A_1546 : memref<32x128xi32, #tpu.memory_space<hbm>>) target(%arg9 : memref<32x128xi32, #tpu.memory_space<vmem>>) target_semaphore(%run_scoped3A : memref<!tpu.dma_semaphore, #tpu.memory_space<semaphore_mem>>)
      %dma_wait3A_1547 = arith.constant 0 : i32
      %dma_wait3A_1548 = tpu.memref_slice %arg3[%mul3A_4, %dma_wait3A_1547] : memref<1024x128xi32, #tpu.memory_space<hbm>> -> memref<32x128xi32, #tpu.memory_space<hbm>>
      %dma_wait3A_1549 = arith.constant 0 : i32
      %dma_wait3A_1550 = tpu.memref_slice %arg3[%mul3A_4, %dma_wait3A_1549] : memref<1024x128xi32, #tpu.memory_space<hbm>> -> memref<32x128xi32, #tpu.memory_space<hbm>>
      tpu.wait_dma2 semaphore(%run_scoped3A : memref<!tpu.dma_semaphore, #tpu.memory_space<semaphore_mem>>) src(%dma_wait3A_1550 : memref<32x128xi32, #tpu.memory_space<hbm>>) dst(%arg9 : memref<32x128xi32, #tpu.memory_space<vmem>>)
      tpu.yield
    }) : () -> ()
    %dma_start3A = arith.constant 0 : i32
    %dma_start3A_5 = arith.constant 0 : i32
    %dma_start3A_6 = arith.constant 0 : i32
    %dma_start3A_7 = arith.constant 0 : i32
    %dma_start3A_8 = tpu.memref_slice %arg10[%dma_start3A_5, %dma_start3A_6, %dma_start3A_7] : memref<32x128x16xf32, #tpu.memory_space<vmem>> -> memref<1x128x16xf32, #tpu.memory_space<vmem>>
    %dma_start3A_9 = tpu.memref_squeeze %dma_start3A_8 : memref<1x128x16xf32, #tpu.memory_space<vmem>> -> memref<128x16xf32, #tpu.memory_space<vmem>>
    %dma_start3A_10 = arith.constant 0 : i32
    %dma_start3A_11 = tpu.memref_slice %arg8[%dma_start3A, %dma_start3A_10] : memref<32x128xi32, #tpu.memory_space<vmem>> -> memref<1x128xi32, #tpu.memory_space<vmem>>
    %dma_start3A_12 = tpu.memref_squeeze %dma_start3A_11 : memref<1x128xi32, #tpu.memory_space<vmem>> -> memref<128xi32, #tpu.memory_space<vmem>>
    %dma_start3A_13 = arith.constant 0 : i32
    %dma_start3A_14 = arith.constant 0 : i32
    %dma_start3A_15 = tpu.memref_slice %arg4[%dma_start3A_13, %dma_start3A_14] : memref<1000000x16xf32, #tpu.memory_space<hbm>> -> memref<1000000x16xf32, #tpu.memory_space<hbm>>
    tpu.enqueue_indirect_dma source(%dma_start3A_15 : memref<1000000x16xf32, #tpu.memory_space<hbm>>) target(%dma_start3A_9 : memref<128x16xf32, #tpu.memory_space<vmem>>) offsets(%dma_start3A_12 : memref<128xi32, #tpu.memory_space<vmem>>) semaphore(%arg11 : memref<!tpu.dma_semaphore, #tpu.memory_space<semaphore_mem>>)
    %dma_start3A_16 = arith.constant 1 : i32
    %dma_start3A_17 = arith.constant 1 : i32
    %dma_start3A_18 = arith.constant 0 : i32
    %dma_start3A_19 = arith.constant 0 : i32
    %dma_start3A_20 = tpu.memref_slice %arg10[%dma_start3A_17, %dma_start3A_18, %dma_start3A_19] : memref<32x128x16xf32, #tpu.memory_space<vmem>> -> memref<1x128x16xf32, #tpu.memory_space<vmem>>
    %dma_start3A_21 = tpu.memref_squeeze %dma_start3A_20 : memref<1x128x16xf32, #tpu.memory_space<vmem>> -> memref<128x16xf32, #tpu.memory_space<vmem>>
    %dma_start3A_22 = arith.constant 0 : i32
    %dma_start3A_23 = tpu.memref_slice %arg8[%dma_start3A_16, %dma_start3A_22] : memref<32x128xi32, #tpu.memory_space<vmem>> -> memref<1x128xi32, #tpu.memory_space<vmem>>
    %dma_start3A_24 = tpu.memref_squeeze %dma_start3A_23 : memref<1x128xi32, #tpu.memory_space<vmem>> -> memref<128xi32, #tpu.memory_space<vmem>>
    %dma_start3A_25 = arith.constant 0 : i32
    %dma_start3A_26 = arith.constant 0 : i32
    %dma_start3A_27 = tpu.memref_slice %arg4[%dma_start3A_25, %dma_start3A_26] : memref<1000000x16xf32, #tpu.memory_space<hbm>> -> memref<1000000x16xf32, #tpu.memory_space<hbm>>
    tpu.enqueue_indirect_dma source(%dma_start3A_27 : memref<1000000x16xf32, #tpu.memory_space<hbm>>) target(%dma_start3A_21 : memref<128x16xf32, #tpu.memory_space<vmem>>) offsets(%dma_start3A_24 : memref<128xi32, #tpu.memory_space<vmem>>) semaphore(%arg11 : memref<!tpu.dma_semaphore, #tpu.memory_space<semaphore_mem>>)
    %dma_start3A_28 = arith.constant 2 : i32
    %dma_start3A_29 = arith.constant 2 : i32
    %dma_start3A_30 = arith.constant 0 : i32
    %dma_start3A_31 = arith.constant 0 : i32
    %dma_start3A_32 = tpu.memref_slice %arg10[%dma_start3A_29, %dma_start3A_30, %dma_start3A_31] : memref<32x128x16xf32, #tpu.memory_space<vmem>> -> memref<1x128x16xf32, #tpu.memory_space<vmem>>
    %dma_start3A_33 = tpu.memref_squeeze %dma_start3A_32 : memref<1x128x16xf32, #tpu.memory_space<vmem>> -> memref<128x16xf32, #tpu.memory_space<vmem>>
    %dma_start3A_34 = arith.constant 0 : i32
    %dma_start3A_35 = tpu.memref_slice %arg8[%dma_start3A_28, %dma_start3A_34] : memref<32x128xi32, #tpu.memory_space<vmem>> -> memref<1x128xi32, #tpu.memory_space<vmem>>
    %dma_start3A_36 = tpu.memref_squeeze %dma_start3A_35 : memref<1x128xi32, #tpu.memory_space<vmem>> -> memref<128xi32, #tpu.memory_space<vmem>>
    %dma_start3A_37 = arith.constant 0 : i32
    %dma_start3A_38 = arith.constant 0 : i32
    %dma_start3A_39 = tpu.memref_slice %arg4[%dma_start3A_37, %dma_start3A_38] : memref<1000000x16xf32, #tpu.memory_space<hbm>> -> memref<1000000x16xf32, #tpu.memory_space<hbm>>
    tpu.enqueue_indirect_dma source(%dma_start3A_39 : memref<1000000x16xf32, #tpu.memory_space<hbm>>) target(%dma_start3A_33 : memref<128x16xf32, #tpu.memory_space<vmem>>) offsets(%dma_start3A_36 : memref<128xi32, #tpu.memory_space<vmem>>) semaphore(%arg11 : memref<!tpu.dma_semaphore, #tpu.memory_space<semaphore_mem>>)
    %dma_start3A_40 = arith.constant 3 : i32
    %dma_start3A_41 = arith.constant 3 : i32
    %dma_start3A_42 = arith.constant 0 : i32
    %dma_start3A_43 = arith.constant 0 : i32
    %dma_start3A_44 = tpu.memref_slice %arg10[%dma_start3A_41, %dma_start3A_42, %dma_start3A_43] : memref<32x128x16xf32, #tpu.memory_space<vmem>> -> memref<1x128x16xf32, #tpu.memory_space<vmem>>
    %dma_start3A_45 = tpu.memref_squeeze %dma_start3A_44 : memref<1x128x16xf32, #tpu.memory_space<vmem>> -> memref<128x16xf32, #tpu.memory_space<vmem>>
    %dma_start3A_46 = arith.constant 0 : i32
    %dma_start3A_47 = tpu.memref_slice %arg8[%dma_start3A_40, %dma_start3A_46] : memref<32x128xi32, #tpu.memory_space<vmem>> -> memref<1x128xi32, #tpu.memory_space<vmem>>
    %dma_start3A_48 = tpu.memref_squeeze %dma_start3A_47 : memref<1x128xi32, #tpu.memory_space<vmem>> -> memref<128xi32, #tpu.memory_space<vmem>>
    %dma_start3A_49 = arith.constant 0 : i32
    %dma_start3A_50 = arith.constant 0 : i32
    %dma_start3A_51 = tpu.memref_slice %arg4[%dma_start3A_49, %dma_start3A_50] : memref<1000000x16xf32, #tpu.memory_space<hbm>> -> memref<1000000x16xf32, #tpu.memory_space<hbm>>
    tpu.enqueue_indirect_dma source(%dma_start3A_51 : memref<1000000x16xf32, #tpu.memory_space<hbm>>) target(%dma_start3A_45 : memref<128x16xf32, #tpu.memory_space<vmem>>) offsets(%dma_start3A_48 : memref<128xi32, #tpu.memory_space<vmem>>) semaphore(%arg11 : memref<!tpu.dma_semaphore, #tpu.memory_space<semaphore_mem>>)
    %dma_start3A_52 = arith.constant 4 : i32
    %dma_start3A_53 = arith.constant 4 : i32
    %dma_start3A_54 = arith.constant 0 : i32
    %dma_start3A_55 = arith.constant 0 : i32
    %dma_start3A_56 = tpu.memref_slice %arg10[%dma_start3A_53, %dma_start3A_54, %dma_start3A_55] : memref<32x128x16xf32, #tpu.memory_space<vmem>> -> memref<1x128x16xf32, #tpu.memory_space<vmem>>
    %dma_start3A_57 = tpu.memref_squeeze %dma_start3A_56 : memref<1x128x16xf32, #tpu.memory_space<vmem>> -> memref<128x16xf32, #tpu.memory_space<vmem>>
    %dma_start3A_58 = arith.constant 0 : i32
    %dma_start3A_59 = tpu.memref_slice %arg8[%dma_start3A_52, %dma_start3A_58] : memref<32x128xi32, #tpu.memory_space<vmem>> -> memref<1x128xi32, #tpu.memory_space<vmem>>
    %dma_start3A_60 = tpu.memref_squeeze %dma_start3A_59 : memref<1x128xi32, #tpu.memory_space<vmem>> -> memref<128xi32, #tpu.memory_space<vmem>>
    %dma_start3A_61 = arith.constant 0 : i32
    %dma_start3A_62 = arith.constant 0 : i32
    %dma_start3A_63 = tpu.memref_slice %arg4[%dma_start3A_61, %dma_start3A_62] : memref<1000000x16xf32, #tpu.memory_space<hbm>> -> memref<1000000x16xf32, #tpu.memory_space<hbm>>
    tpu.enqueue_indirect_dma source(%dma_start3A_63 : memref<1000000x16xf32, #tpu.memory_space<hbm>>) target(%dma_start3A_57 : memref<128x16xf32, #tpu.memory_space<vmem>>) offsets(%dma_start3A_60 : memref<128xi32, #tpu.memory_space<vmem>>) semaphore(%arg11 : memref<!tpu.dma_semaphore, #tpu.memory_space<semaphore_mem>>)
    %dma_start3A_64 = arith.constant 5 : i32
    %dma_start3A_65 = arith.constant 5 : i32
    %dma_start3A_66 = arith.constant 0 : i32
    %dma_start3A_67 = arith.constant 0 : i32
    %dma_start3A_68 = tpu.memref_slice %arg10[%dma_start3A_65, %dma_start3A_66, %dma_start3A_67] : memref<32x128x16xf32, #tpu.memory_space<vmem>> -> memref<1x128x16xf32, #tpu.memory_space<vmem>>
    %dma_start3A_69 = tpu.memref_squeeze %dma_start3A_68 : memref<1x128x16xf32, #tpu.memory_space<vmem>> -> memref<128x16xf32, #tpu.memory_space<vmem>>
    %dma_start3A_70 = arith.constant 0 : i32
    %dma_start3A_71 = tpu.memref_slice %arg8[%dma_start3A_64, %dma_start3A_70] : memref<32x128xi32, #tpu.memory_space<vmem>> -> memref<1x128xi32, #tpu.memory_space<vmem>>
    %dma_start3A_72 = tpu.memref_squeeze %dma_start3A_71 : memref<1x128xi32, #tpu.memory_space<vmem>> -> memref<128xi32, #tpu.memory_space<vmem>>
    %dma_start3A_73 = arith.constant 0 : i32
    %dma_start3A_74 = arith.constant 0 : i32
    %dma_start3A_75 = tpu.memref_slice %arg4[%dma_start3A_73, %dma_start3A_74] : memref<1000000x16xf32, #tpu.memory_space<hbm>> -> memref<1000000x16xf32, #tpu.memory_space<hbm>>
    tpu.enqueue_indirect_dma source(%dma_start3A_75 : memref<1000000x16xf32, #tpu.memory_space<hbm>>) target(%dma_start3A_69 : memref<128x16xf32, #tpu.memory_space<vmem>>) offsets(%dma_start3A_72 : memref<128xi32, #tpu.memory_space<vmem>>) semaphore(%arg11 : memref<!tpu.dma_semaphore, #tpu.memory_space<semaphore_mem>>)
    %dma_start3A_76 = arith.constant 6 : i32
    %dma_start3A_77 = arith.constant 6 : i32
    %dma_start3A_78 = arith.constant 0 : i32
    %dma_start3A_79 = arith.constant 0 : i32
    %dma_start3A_80 = tpu.memref_slice %arg10[%dma_start3A_77, %dma_start3A_78, %dma_start3A_79] : memref<32x128x16xf32, #tpu.memory_space<vmem>> -> memref<1x128x16xf32, #tpu.memory_space<vmem>>
    %dma_start3A_81 = tpu.memref_squeeze %dma_start3A_80 : memref<1x128x16xf32, #tpu.memory_space<vmem>> -> memref<128x16xf32, #tpu.memory_space<vmem>>
    %dma_start3A_82 = arith.constant 0 : i32
    %dma_start3A_83 = tpu.memref_slice %arg8[%dma_start3A_76, %dma_start3A_82] : memref<32x128xi32, #tpu.memory_space<vmem>> -> memref<1x128xi32, #tpu.memory_space<vmem>>
    %dma_start3A_84 = tpu.memref_squeeze %dma_start3A_83 : memref<1x128xi32, #tpu.memory_space<vmem>> -> memref<128xi32, #tpu.memory_space<vmem>>
    %dma_start3A_85 = arith.constant 0 : i32
    %dma_start3A_86 = arith.constant 0 : i32
    %dma_start3A_87 = tpu.memref_slice %arg4[%dma_start3A_85, %dma_start3A_86] : memref<1000000x16xf32, #tpu.memory_space<hbm>> -> memref<1000000x16xf32, #tpu.memory_space<hbm>>
    tpu.enqueue_indirect_dma source(%dma_start3A_87 : memref<1000000x16xf32, #tpu.memory_space<hbm>>) target(%dma_start3A_81 : memref<128x16xf32, #tpu.memory_space<vmem>>) offsets(%dma_start3A_84 : memref<128xi32, #tpu.memory_space<vmem>>) semaphore(%arg11 : memref<!tpu.dma_semaphore, #tpu.memory_space<semaphore_mem>>)
    %dma_start3A_88 = arith.constant 7 : i32
    %dma_start3A_89 = arith.constant 7 : i32
    %dma_start3A_90 = arith.constant 0 : i32
    %dma_start3A_91 = arith.constant 0 : i32
    %dma_start3A_92 = tpu.memref_slice %arg10[%dma_start3A_89, %dma_start3A_90, %dma_start3A_91] : memref<32x128x16xf32, #tpu.memory_space<vmem>> -> memref<1x128x16xf32, #tpu.memory_space<vmem>>
    %dma_start3A_93 = tpu.memref_squeeze %dma_start3A_92 : memref<1x128x16xf32, #tpu.memory_space<vmem>> -> memref<128x16xf32, #tpu.memory_space<vmem>>
    %dma_start3A_94 = arith.constant 0 : i32
    %dma_start3A_95 = tpu.memref_slice %arg8[%dma_start3A_88, %dma_start3A_94] : memref<32x128xi32, #tpu.memory_space<vmem>> -> memref<1x128xi32, #tpu.memory_space<vmem>>
    %dma_start3A_96 = tpu.memref_squeeze %dma_start3A_95 : memref<1x128xi32, #tpu.memory_space<vmem>> -> memref<128xi32, #tpu.memory_space<vmem>>
    %dma_start3A_97 = arith.constant 0 : i32
    %dma_start3A_98 = arith.constant 0 : i32
    %dma_start3A_99 = tpu.memref_slice %arg4[%dma_start3A_97, %dma_start3A_98] : memref<1000000x16xf32, #tpu.memory_space<hbm>> -> memref<1000000x16xf32, #tpu.memory_space<hbm>>
    tpu.enqueue_indirect_dma source(%dma_start3A_99 : memref<1000000x16xf32, #tpu.memory_space<hbm>>) target(%dma_start3A_93 : memref<128x16xf32, #tpu.memory_space<vmem>>) offsets(%dma_start3A_96 : memref<128xi32, #tpu.memory_space<vmem>>) semaphore(%arg11 : memref<!tpu.dma_semaphore, #tpu.memory_space<semaphore_mem>>)
    %dma_start3A_100 = arith.constant 8 : i32
    %dma_start3A_101 = arith.constant 8 : i32
    %dma_start3A_102 = arith.constant 0 : i32
    %dma_start3A_103 = arith.constant 0 : i32
    %dma_start3A_104 = tpu.memref_slice %arg10[%dma_start3A_101, %dma_start3A_102, %dma_start3A_103] : memref<32x128x16xf32, #tpu.memory_space<vmem>> -> memref<1x128x16xf32, #tpu.memory_space<vmem>>
    %dma_start3A_105 = tpu.memref_squeeze %dma_start3A_104 : memref<1x128x16xf32, #tpu.memory_space<vmem>> -> memref<128x16xf32, #tpu.memory_space<vmem>>
    %dma_start3A_106 = arith.constant 0 : i32
    %dma_start3A_107 = tpu.memref_slice %arg8[%dma_start3A_100, %dma_start3A_106] : memref<32x128xi32, #tpu.memory_space<vmem>> -> memref<1x128xi32, #tpu.memory_space<vmem>>
    %dma_start3A_108 = tpu.memref_squeeze %dma_start3A_107 : memref<1x128xi32, #tpu.memory_space<vmem>> -> memref<128xi32, #tpu.memory_space<vmem>>
    %dma_start3A_109 = arith.constant 0 : i32
    %dma_start3A_110 = arith.constant 0 : i32
    %dma_start3A_111 = tpu.memref_slice %arg4[%dma_start3A_109, %dma_start3A_110] : memref<1000000x16xf32, #tpu.memory_space<hbm>> -> memref<1000000x16xf32, #tpu.memory_space<hbm>>
    tpu.enqueue_indirect_dma source(%dma_start3A_111 : memref<1000000x16xf32, #tpu.memory_space<hbm>>) target(%dma_start3A_105 : memref<128x16xf32, #tpu.memory_space<vmem>>) offsets(%dma_start3A_108 : memref<128xi32, #tpu.memory_space<vmem>>) semaphore(%arg11 : memref<!tpu.dma_semaphore, #tpu.memory_space<semaphore_mem>>)
    %dma_start3A_112 = arith.constant 9 : i32
    %dma_start3A_113 = arith.constant 9 : i32
    %dma_start3A_114 = arith.constant 0 : i32
    %dma_start3A_115 = arith.constant 0 : i32
    %dma_start3A_116 = tpu.memref_slice %arg10[%dma_start3A_113, %dma_start3A_114, %dma_start3A_115] : memref<32x128x16xf32, #tpu.memory_space<vmem>> -> memref<1x128x16xf32, #tpu.memory_space<vmem>>
    %dma_start3A_117 = tpu.memref_squeeze %dma_start3A_116 : memref<1x128x16xf32, #tpu.memory_space<vmem>> -> memref<128x16xf32, #tpu.memory_space<vmem>>
    %dma_start3A_118 = arith.constant 0 : i32
    %dma_start3A_119 = tpu.memref_slice %arg8[%dma_start3A_112, %dma_start3A_118] : memref<32x128xi32, #tpu.memory_space<vmem>> -> memref<1x128xi32, #tpu.memory_space<vmem>>
    %dma_start3A_120 = tpu.memref_squeeze %dma_start3A_119 : memref<1x128xi32, #tpu.memory_space<vmem>> -> memref<128xi32, #tpu.memory_space<vmem>>
    %dma_start3A_121 = arith.constant 0 : i32
    %dma_start3A_122 = arith.constant 0 : i32
    %dma_start3A_123 = tpu.memref_slice %arg4[%dma_start3A_121, %dma_start3A_122] : memref<1000000x16xf32, #tpu.memory_space<hbm>> -> memref<1000000x16xf32, #tpu.memory_space<hbm>>
    tpu.enqueue_indirect_dma source(%dma_start3A_123 : memref<1000000x16xf32, #tpu.memory_space<hbm>>) target(%dma_start3A_117 : memref<128x16xf32, #tpu.memory_space<vmem>>) offsets(%dma_start3A_120 : memref<128xi32, #tpu.memory_space<vmem>>) semaphore(%arg11 : memref<!tpu.dma_semaphore, #tpu.memory_space<semaphore_mem>>)
    %dma_start3A_124 = arith.constant 10 : i32
    %dma_start3A_125 = arith.constant 10 : i32
    %dma_start3A_126 = arith.constant 0 : i32
    %dma_start3A_127 = arith.constant 0 : i32
    %dma_start3A_128 = tpu.memref_slice %arg10[%dma_start3A_125, %dma_start3A_126, %dma_start3A_127] : memref<32x128x16xf32, #tpu.memory_space<vmem>> -> memref<1x128x16xf32, #tpu.memory_space<vmem>>
    %dma_start3A_129 = tpu.memref_squeeze %dma_start3A_128 : memref<1x128x16xf32, #tpu.memory_space<vmem>> -> memref<128x16xf32, #tpu.memory_space<vmem>>
    %dma_start3A_130 = arith.constant 0 : i32
    %dma_start3A_131 = tpu.memref_slice %arg8[%dma_start3A_124, %dma_start3A_130] : memref<32x128xi32, #tpu.memory_space<vmem>> -> memref<1x128xi32, #tpu.memory_space<vmem>>
    %dma_start3A_132 = tpu.memref_squeeze %dma_start3A_131 : memref<1x128xi32, #tpu.memory_space<vmem>> -> memref<128xi32, #tpu.memory_space<vmem>>
    %dma_start3A_133 = arith.constant 0 : i32
    %dma_start3A_134 = arith.constant 0 : i32
    %dma_start3A_135 = tpu.memref_slice %arg4[%dma_start3A_133, %dma_start3A_134] : memref<1000000x16xf32, #tpu.memory_space<hbm>> -> memref<1000000x16xf32, #tpu.memory_space<hbm>>
    tpu.enqueue_indirect_dma source(%dma_start3A_135 : memref<1000000x16xf32, #tpu.memory_space<hbm>>) target(%dma_start3A_129 : memref<128x16xf32, #tpu.memory_space<vmem>>) offsets(%dma_start3A_132 : memref<128xi32, #tpu.memory_space<vmem>>) semaphore(%arg11 : memref<!tpu.dma_semaphore, #tpu.memory_space<semaphore_mem>>)
    %dma_start3A_136 = arith.constant 11 : i32
    %dma_start3A_137 = arith.constant 11 : i32
    %dma_start3A_138 = arith.constant 0 : i32
    %dma_start3A_139 = arith.constant 0 : i32
    %dma_start3A_140 = tpu.memref_slice %arg10[%dma_start3A_137, %dma_start3A_138, %dma_start3A_139] : memref<32x128x16xf32, #tpu.memory_space<vmem>> -> memref<1x128x16xf32, #tpu.memory_space<vmem>>
    %dma_start3A_141 = tpu.memref_squeeze %dma_start3A_140 : memref<1x128x16xf32, #tpu.memory_space<vmem>> -> memref<128x16xf32, #tpu.memory_space<vmem>>
    %dma_start3A_142 = arith.constant 0 : i32
    %dma_start3A_143 = tpu.memref_slice %arg8[%dma_start3A_136, %dma_start3A_142] : memref<32x128xi32, #tpu.memory_space<vmem>> -> memref<1x128xi32, #tpu.memory_space<vmem>>
    %dma_start3A_144 = tpu.memref_squeeze %dma_start3A_143 : memref<1x128xi32, #tpu.memory_space<vmem>> -> memref<128xi32, #tpu.memory_space<vmem>>
    %dma_start3A_145 = arith.constant 0 : i32
    %dma_start3A_146 = arith.constant 0 : i32
    %dma_start3A_147 = tpu.memref_slice %arg4[%dma_start3A_145, %dma_start3A_146] : memref<1000000x16xf32, #tpu.memory_space<hbm>> -> memref<1000000x16xf32, #tpu.memory_space<hbm>>
    tpu.enqueue_indirect_dma source(%dma_start3A_147 : memref<1000000x16xf32, #tpu.memory_space<hbm>>) target(%dma_start3A_141 : memref<128x16xf32, #tpu.memory_space<vmem>>) offsets(%dma_start3A_144 : memref<128xi32, #tpu.memory_space<vmem>>) semaphore(%arg11 : memref<!tpu.dma_semaphore, #tpu.memory_space<semaphore_mem>>)
    %dma_start3A_148 = arith.constant 12 : i32
    %dma_start3A_149 = arith.constant 12 : i32
    %dma_start3A_150 = arith.constant 0 : i32
    %dma_start3A_151 = arith.constant 0 : i32
    %dma_start3A_152 = tpu.memref_slice %arg10[%dma_start3A_149, %dma_start3A_150, %dma_start3A_151] : memref<32x128x16xf32, #tpu.memory_space<vmem>> -> memref<1x128x16xf32, #tpu.memory_space<vmem>>
    %dma_start3A_153 = tpu.memref_squeeze %dma_start3A_152 : memref<1x128x16xf32, #tpu.memory_space<vmem>> -> memref<128x16xf32, #tpu.memory_space<vmem>>
    %dma_start3A_154 = arith.constant 0 : i32
    %dma_start3A_155 = tpu.memref_slice %arg8[%dma_start3A_148, %dma_start3A_154] : memref<32x128xi32, #tpu.memory_space<vmem>> -> memref<1x128xi32, #tpu.memory_space<vmem>>
    %dma_start3A_156 = tpu.memref_squeeze %dma_start3A_155 : memref<1x128xi32, #tpu.memory_space<vmem>> -> memref<128xi32, #tpu.memory_space<vmem>>
    %dma_start3A_157 = arith.constant 0 : i32
    %dma_start3A_158 = arith.constant 0 : i32
    %dma_start3A_159 = tpu.memref_slice %arg4[%dma_start3A_157, %dma_start3A_158] : memref<1000000x16xf32, #tpu.memory_space<hbm>> -> memref<1000000x16xf32, #tpu.memory_space<hbm>>
    tpu.enqueue_indirect_dma source(%dma_start3A_159 : memref<1000000x16xf32, #tpu.memory_space<hbm>>) target(%dma_start3A_153 : memref<128x16xf32, #tpu.memory_space<vmem>>) offsets(%dma_start3A_156 : memref<128xi32, #tpu.memory_space<vmem>>) semaphore(%arg11 : memref<!tpu.dma_semaphore, #tpu.memory_space<semaphore_mem>>)
    %dma_start3A_160 = arith.constant 13 : i32
    %dma_start3A_161 = arith.constant 13 : i32
    %dma_start3A_162 = arith.constant 0 : i32
    %dma_start3A_163 = arith.constant 0 : i32
    %dma_start3A_164 = tpu.memref_slice %arg10[%dma_start3A_161, %dma_start3A_162, %dma_start3A_163] : memref<32x128x16xf32, #tpu.memory_space<vmem>> -> memref<1x128x16xf32, #tpu.memory_space<vmem>>
    %dma_start3A_165 = tpu.memref_squeeze %dma_start3A_164 : memref<1x128x16xf32, #tpu.memory_space<vmem>> -> memref<128x16xf32, #tpu.memory_space<vmem>>
    %dma_start3A_166 = arith.constant 0 : i32
    %dma_start3A_167 = tpu.memref_slice %arg8[%dma_start3A_160, %dma_start3A_166] : memref<32x128xi32, #tpu.memory_space<vmem>> -> memref<1x128xi32, #tpu.memory_space<vmem>>
    %dma_start3A_168 = tpu.memref_squeeze %dma_start3A_167 : memref<1x128xi32, #tpu.memory_space<vmem>> -> memref<128xi32, #tpu.memory_space<vmem>>
    %dma_start3A_169 = arith.constant 0 : i32
    %dma_start3A_170 = arith.constant 0 : i32
    %dma_start3A_171 = tpu.memref_slice %arg4[%dma_start3A_169, %dma_start3A_170] : memref<1000000x16xf32, #tpu.memory_space<hbm>> -> memref<1000000x16xf32, #tpu.memory_space<hbm>>
    tpu.enqueue_indirect_dma source(%dma_start3A_171 : memref<1000000x16xf32, #tpu.memory_space<hbm>>) target(%dma_start3A_165 : memref<128x16xf32, #tpu.memory_space<vmem>>) offsets(%dma_start3A_168 : memref<128xi32, #tpu.memory_space<vmem>>) semaphore(%arg11 : memref<!tpu.dma_semaphore, #tpu.memory_space<semaphore_mem>>)
    %dma_start3A_172 = arith.constant 14 : i32
    %dma_start3A_173 = arith.constant 14 : i32
    %dma_start3A_174 = arith.constant 0 : i32
    %dma_start3A_175 = arith.constant 0 : i32
    %dma_start3A_176 = tpu.memref_slice %arg10[%dma_start3A_173, %dma_start3A_174, %dma_start3A_175] : memref<32x128x16xf32, #tpu.memory_space<vmem>> -> memref<1x128x16xf32, #tpu.memory_space<vmem>>
    %dma_start3A_177 = tpu.memref_squeeze %dma_start3A_176 : memref<1x128x16xf32, #tpu.memory_space<vmem>> -> memref<128x16xf32, #tpu.memory_space<vmem>>
    %dma_start3A_178 = arith.constant 0 : i32
    %dma_start3A_179 = tpu.memref_slice %arg8[%dma_start3A_172, %dma_start3A_178] : memref<32x128xi32, #tpu.memory_space<vmem>> -> memref<1x128xi32, #tpu.memory_space<vmem>>
    %dma_start3A_180 = tpu.memref_squeeze %dma_start3A_179 : memref<1x128xi32, #tpu.memory_space<vmem>> -> memref<128xi32, #tpu.memory_space<vmem>>
    %dma_start3A_181 = arith.constant 0 : i32
    %dma_start3A_182 = arith.constant 0 : i32
    %dma_start3A_183 = tpu.memref_slice %arg4[%dma_start3A_181, %dma_start3A_182] : memref<1000000x16xf32, #tpu.memory_space<hbm>> -> memref<1000000x16xf32, #tpu.memory_space<hbm>>
    tpu.enqueue_indirect_dma source(%dma_start3A_183 : memref<1000000x16xf32, #tpu.memory_space<hbm>>) target(%dma_start3A_177 : memref<128x16xf32, #tpu.memory_space<vmem>>) offsets(%dma_start3A_180 : memref<128xi32, #tpu.memory_space<vmem>>) semaphore(%arg11 : memref<!tpu.dma_semaphore, #tpu.memory_space<semaphore_mem>>)
    %dma_start3A_184 = arith.constant 15 : i32
    %dma_start3A_185 = arith.constant 15 : i32
    %dma_start3A_186 = arith.constant 0 : i32
    %dma_start3A_187 = arith.constant 0 : i32
    %dma_start3A_188 = tpu.memref_slice %arg10[%dma_start3A_185, %dma_start3A_186, %dma_start3A_187] : memref<32x128x16xf32, #tpu.memory_space<vmem>> -> memref<1x128x16xf32, #tpu.memory_space<vmem>>
    %dma_start3A_189 = tpu.memref_squeeze %dma_start3A_188 : memref<1x128x16xf32, #tpu.memory_space<vmem>> -> memref<128x16xf32, #tpu.memory_space<vmem>>
    %dma_start3A_190 = arith.constant 0 : i32
    %dma_start3A_191 = tpu.memref_slice %arg8[%dma_start3A_184, %dma_start3A_190] : memref<32x128xi32, #tpu.memory_space<vmem>> -> memref<1x128xi32, #tpu.memory_space<vmem>>
    %dma_start3A_192 = tpu.memref_squeeze %dma_start3A_191 : memref<1x128xi32, #tpu.memory_space<vmem>> -> memref<128xi32, #tpu.memory_space<vmem>>
    %dma_start3A_193 = arith.constant 0 : i32
    %dma_start3A_194 = arith.constant 0 : i32
    %dma_start3A_195 = tpu.memref_slice %arg4[%dma_start3A_193, %dma_start3A_194] : memref<1000000x16xf32, #tpu.memory_space<hbm>> -> memref<1000000x16xf32, #tpu.memory_space<hbm>>
    tpu.enqueue_indirect_dma source(%dma_start3A_195 : memref<1000000x16xf32, #tpu.memory_space<hbm>>) target(%dma_start3A_189 : memref<128x16xf32, #tpu.memory_space<vmem>>) offsets(%dma_start3A_192 : memref<128xi32, #tpu.memory_space<vmem>>) semaphore(%arg11 : memref<!tpu.dma_semaphore, #tpu.memory_space<semaphore_mem>>)
    %dma_start3A_196 = arith.constant 16 : i32
    %dma_start3A_197 = arith.constant 16 : i32
    %dma_start3A_198 = arith.constant 0 : i32
    %dma_start3A_199 = arith.constant 0 : i32
    %dma_start3A_200 = tpu.memref_slice %arg10[%dma_start3A_197, %dma_start3A_198, %dma_start3A_199] : memref<32x128x16xf32, #tpu.memory_space<vmem>> -> memref<1x128x16xf32, #tpu.memory_space<vmem>>
    %dma_start3A_201 = tpu.memref_squeeze %dma_start3A_200 : memref<1x128x16xf32, #tpu.memory_space<vmem>> -> memref<128x16xf32, #tpu.memory_space<vmem>>
    %dma_start3A_202 = arith.constant 0 : i32
    %dma_start3A_203 = tpu.memref_slice %arg8[%dma_start3A_196, %dma_start3A_202] : memref<32x128xi32, #tpu.memory_space<vmem>> -> memref<1x128xi32, #tpu.memory_space<vmem>>
    %dma_start3A_204 = tpu.memref_squeeze %dma_start3A_203 : memref<1x128xi32, #tpu.memory_space<vmem>> -> memref<128xi32, #tpu.memory_space<vmem>>
    %dma_start3A_205 = arith.constant 0 : i32
    %dma_start3A_206 = arith.constant 0 : i32
    %dma_start3A_207 = tpu.memref_slice %arg4[%dma_start3A_205, %dma_start3A_206] : memref<1000000x16xf32, #tpu.memory_space<hbm>> -> memref<1000000x16xf32, #tpu.memory_space<hbm>>
    tpu.enqueue_indirect_dma source(%dma_start3A_207 : memref<1000000x16xf32, #tpu.memory_space<hbm>>) target(%dma_start3A_201 : memref<128x16xf32, #tpu.memory_space<vmem>>) offsets(%dma_start3A_204 : memref<128xi32, #tpu.memory_space<vmem>>) semaphore(%arg11 : memref<!tpu.dma_semaphore, #tpu.memory_space<semaphore_mem>>)
    %dma_start3A_208 = arith.constant 17 : i32
    %dma_start3A_209 = arith.constant 17 : i32
    %dma_start3A_210 = arith.constant 0 : i32
    %dma_start3A_211 = arith.constant 0 : i32
    %dma_start3A_212 = tpu.memref_slice %arg10[%dma_start3A_209, %dma_start3A_210, %dma_start3A_211] : memref<32x128x16xf32, #tpu.memory_space<vmem>> -> memref<1x128x16xf32, #tpu.memory_space<vmem>>
    %dma_start3A_213 = tpu.memref_squeeze %dma_start3A_212 : memref<1x128x16xf32, #tpu.memory_space<vmem>> -> memref<128x16xf32, #tpu.memory_space<vmem>>
    %dma_start3A_214 = arith.constant 0 : i32
    %dma_start3A_215 = tpu.memref_slice %arg8[%dma_start3A_208, %dma_start3A_214] : memref<32x128xi32, #tpu.memory_space<vmem>> -> memref<1x128xi32, #tpu.memory_space<vmem>>
    %dma_start3A_216 = tpu.memref_squeeze %dma_start3A_215 : memref<1x128xi32, #tpu.memory_space<vmem>> -> memref<128xi32, #tpu.memory_space<vmem>>
    %dma_start3A_217 = arith.constant 0 : i32
    %dma_start3A_218 = arith.constant 0 : i32
    %dma_start3A_219 = tpu.memref_slice %arg4[%dma_start3A_217, %dma_start3A_218] : memref<1000000x16xf32, #tpu.memory_space<hbm>> -> memref<1000000x16xf32, #tpu.memory_space<hbm>>
    tpu.enqueue_indirect_dma source(%dma_start3A_219 : memref<1000000x16xf32, #tpu.memory_space<hbm>>) target(%dma_start3A_213 : memref<128x16xf32, #tpu.memory_space<vmem>>) offsets(%dma_start3A_216 : memref<128xi32, #tpu.memory_space<vmem>>) semaphore(%arg11 : memref<!tpu.dma_semaphore, #tpu.memory_space<semaphore_mem>>)
    %dma_start3A_220 = arith.constant 18 : i32
    %dma_start3A_221 = arith.constant 18 : i32
    %dma_start3A_222 = arith.constant 0 : i32
    %dma_start3A_223 = arith.constant 0 : i32
    %dma_start3A_224 = tpu.memref_slice %arg10[%dma_start3A_221, %dma_start3A_222, %dma_start3A_223] : memref<32x128x16xf32, #tpu.memory_space<vmem>> -> memref<1x128x16xf32, #tpu.memory_space<vmem>>
    %dma_start3A_225 = tpu.memref_squeeze %dma_start3A_224 : memref<1x128x16xf32, #tpu.memory_space<vmem>> -> memref<128x16xf32, #tpu.memory_space<vmem>>
    %dma_start3A_226 = arith.constant 0 : i32
    %dma_start3A_227 = tpu.memref_slice %arg8[%dma_start3A_220, %dma_start3A_226] : memref<32x128xi32, #tpu.memory_space<vmem>> -> memref<1x128xi32, #tpu.memory_space<vmem>>
    %dma_start3A_228 = tpu.memref_squeeze %dma_start3A_227 : memref<1x128xi32, #tpu.memory_space<vmem>> -> memref<128xi32, #tpu.memory_space<vmem>>
    %dma_start3A_229 = arith.constant 0 : i32
    %dma_start3A_230 = arith.constant 0 : i32
    %dma_start3A_231 = tpu.memref_slice %arg4[%dma_start3A_229, %dma_start3A_230] : memref<1000000x16xf32, #tpu.memory_space<hbm>> -> memref<1000000x16xf32, #tpu.memory_space<hbm>>
    tpu.enqueue_indirect_dma source(%dma_start3A_231 : memref<1000000x16xf32, #tpu.memory_space<hbm>>) target(%dma_start3A_225 : memref<128x16xf32, #tpu.memory_space<vmem>>) offsets(%dma_start3A_228 : memref<128xi32, #tpu.memory_space<vmem>>) semaphore(%arg11 : memref<!tpu.dma_semaphore, #tpu.memory_space<semaphore_mem>>)
    %dma_start3A_232 = arith.constant 19 : i32
    %dma_start3A_233 = arith.constant 19 : i32
    %dma_start3A_234 = arith.constant 0 : i32
    %dma_start3A_235 = arith.constant 0 : i32
    %dma_start3A_236 = tpu.memref_slice %arg10[%dma_start3A_233, %dma_start3A_234, %dma_start3A_235] : memref<32x128x16xf32, #tpu.memory_space<vmem>> -> memref<1x128x16xf32, #tpu.memory_space<vmem>>
    %dma_start3A_237 = tpu.memref_squeeze %dma_start3A_236 : memref<1x128x16xf32, #tpu.memory_space<vmem>> -> memref<128x16xf32, #tpu.memory_space<vmem>>
    %dma_start3A_238 = arith.constant 0 : i32
    %dma_start3A_239 = tpu.memref_slice %arg8[%dma_start3A_232, %dma_start3A_238] : memref<32x128xi32, #tpu.memory_space<vmem>> -> memref<1x128xi32, #tpu.memory_space<vmem>>
    %dma_start3A_240 = tpu.memref_squeeze %dma_start3A_239 : memref<1x128xi32, #tpu.memory_space<vmem>> -> memref<128xi32, #tpu.memory_space<vmem>>
    %dma_start3A_241 = arith.constant 0 : i32
    %dma_start3A_242 = arith.constant 0 : i32
    %dma_start3A_243 = tpu.memref_slice %arg4[%dma_start3A_241, %dma_start3A_242] : memref<1000000x16xf32, #tpu.memory_space<hbm>> -> memref<1000000x16xf32, #tpu.memory_space<hbm>>
    tpu.enqueue_indirect_dma source(%dma_start3A_243 : memref<1000000x16xf32, #tpu.memory_space<hbm>>) target(%dma_start3A_237 : memref<128x16xf32, #tpu.memory_space<vmem>>) offsets(%dma_start3A_240 : memref<128xi32, #tpu.memory_space<vmem>>) semaphore(%arg11 : memref<!tpu.dma_semaphore, #tpu.memory_space<semaphore_mem>>)
    %dma_start3A_244 = arith.constant 20 : i32
    %dma_start3A_245 = arith.constant 20 : i32
    %dma_start3A_246 = arith.constant 0 : i32
    %dma_start3A_247 = arith.constant 0 : i32
    %dma_start3A_248 = tpu.memref_slice %arg10[%dma_start3A_245, %dma_start3A_246, %dma_start3A_247] : memref<32x128x16xf32, #tpu.memory_space<vmem>> -> memref<1x128x16xf32, #tpu.memory_space<vmem>>
    %dma_start3A_249 = tpu.memref_squeeze %dma_start3A_248 : memref<1x128x16xf32, #tpu.memory_space<vmem>> -> memref<128x16xf32, #tpu.memory_space<vmem>>
    %dma_start3A_250 = arith.constant 0 : i32
    %dma_start3A_251 = tpu.memref_slice %arg8[%dma_start3A_244, %dma_start3A_250] : memref<32x128xi32, #tpu.memory_space<vmem>> -> memref<1x128xi32, #tpu.memory_space<vmem>>
    %dma_start3A_252 = tpu.memref_squeeze %dma_start3A_251 : memref<1x128xi32, #tpu.memory_space<vmem>> -> memref<128xi32, #tpu.memory_space<vmem>>
    %dma_start3A_253 = arith.constant 0 : i32
    %dma_start3A_254 = arith.constant 0 : i32
    %dma_start3A_255 = tpu.memref_slice %arg4[%dma_start3A_253, %dma_start3A_254] : memref<1000000x16xf32, #tpu.memory_space<hbm>> -> memref<1000000x16xf32, #tpu.memory_space<hbm>>
    tpu.enqueue_indirect_dma source(%dma_start3A_255 : memref<1000000x16xf32, #tpu.memory_space<hbm>>) target(%dma_start3A_249 : memref<128x16xf32, #tpu.memory_space<vmem>>) offsets(%dma_start3A_252 : memref<128xi32, #tpu.memory_space<vmem>>) semaphore(%arg11 : memref<!tpu.dma_semaphore, #tpu.memory_space<semaphore_mem>>)
    %dma_start3A_256 = arith.constant 21 : i32
    %dma_start3A_257 = arith.constant 21 : i32
    %dma_start3A_258 = arith.constant 0 : i32
    %dma_start3A_259 = arith.constant 0 : i32
    %dma_start3A_260 = tpu.memref_slice %arg10[%dma_start3A_257, %dma_start3A_258, %dma_start3A_259] : memref<32x128x16xf32, #tpu.memory_space<vmem>> -> memref<1x128x16xf32, #tpu.memory_space<vmem>>
    %dma_start3A_261 = tpu.memref_squeeze %dma_start3A_260 : memref<1x128x16xf32, #tpu.memory_space<vmem>> -> memref<128x16xf32, #tpu.memory_space<vmem>>
    %dma_start3A_262 = arith.constant 0 : i32
    %dma_start3A_263 = tpu.memref_slice %arg8[%dma_start3A_256, %dma_start3A_262] : memref<32x128xi32, #tpu.memory_space<vmem>> -> memref<1x128xi32, #tpu.memory_space<vmem>>
    %dma_start3A_264 = tpu.memref_squeeze %dma_start3A_263 : memref<1x128xi32, #tpu.memory_space<vmem>> -> memref<128xi32, #tpu.memory_space<vmem>>
    %dma_start3A_265 = arith.constant 0 : i32
    %dma_start3A_266 = arith.constant 0 : i32
    %dma_start3A_267 = tpu.memref_slice %arg4[%dma_start3A_265, %dma_start3A_266] : memref<1000000x16xf32, #tpu.memory_space<hbm>> -> memref<1000000x16xf32, #tpu.memory_space<hbm>>
    tpu.enqueue_indirect_dma source(%dma_start3A_267 : memref<1000000x16xf32, #tpu.memory_space<hbm>>) target(%dma_start3A_261 : memref<128x16xf32, #tpu.memory_space<vmem>>) offsets(%dma_start3A_264 : memref<128xi32, #tpu.memory_space<vmem>>) semaphore(%arg11 : memref<!tpu.dma_semaphore, #tpu.memory_space<semaphore_mem>>)
    %dma_start3A_268 = arith.constant 22 : i32
    %dma_start3A_269 = arith.constant 22 : i32
    %dma_start3A_270 = arith.constant 0 : i32
    %dma_start3A_271 = arith.constant 0 : i32
    %dma_start3A_272 = tpu.memref_slice %arg10[%dma_start3A_269, %dma_start3A_270, %dma_start3A_271] : memref<32x128x16xf32, #tpu.memory_space<vmem>> -> memref<1x128x16xf32, #tpu.memory_space<vmem>>
    %dma_start3A_273 = tpu.memref_squeeze %dma_start3A_272 : memref<1x128x16xf32, #tpu.memory_space<vmem>> -> memref<128x16xf32, #tpu.memory_space<vmem>>
    %dma_start3A_274 = arith.constant 0 : i32
    %dma_start3A_275 = tpu.memref_slice %arg8[%dma_start3A_268, %dma_start3A_274] : memref<32x128xi32, #tpu.memory_space<vmem>> -> memref<1x128xi32, #tpu.memory_space<vmem>>
    %dma_start3A_276 = tpu.memref_squeeze %dma_start3A_275 : memref<1x128xi32, #tpu.memory_space<vmem>> -> memref<128xi32, #tpu.memory_space<vmem>>
    %dma_start3A_277 = arith.constant 0 : i32
    %dma_start3A_278 = arith.constant 0 : i32
    %dma_start3A_279 = tpu.memref_slice %arg4[%dma_start3A_277, %dma_start3A_278] : memref<1000000x16xf32, #tpu.memory_space<hbm>> -> memref<1000000x16xf32, #tpu.memory_space<hbm>>
    tpu.enqueue_indirect_dma source(%dma_start3A_279 : memref<1000000x16xf32, #tpu.memory_space<hbm>>) target(%dma_start3A_273 : memref<128x16xf32, #tpu.memory_space<vmem>>) offsets(%dma_start3A_276 : memref<128xi32, #tpu.memory_space<vmem>>) semaphore(%arg11 : memref<!tpu.dma_semaphore, #tpu.memory_space<semaphore_mem>>)
    %dma_start3A_280 = arith.constant 23 : i32
    %dma_start3A_281 = arith.constant 23 : i32
    %dma_start3A_282 = arith.constant 0 : i32
    %dma_start3A_283 = arith.constant 0 : i32
    %dma_start3A_284 = tpu.memref_slice %arg10[%dma_start3A_281, %dma_start3A_282, %dma_start3A_283] : memref<32x128x16xf32, #tpu.memory_space<vmem>> -> memref<1x128x16xf32, #tpu.memory_space<vmem>>
    %dma_start3A_285 = tpu.memref_squeeze %dma_start3A_284 : memref<1x128x16xf32, #tpu.memory_space<vmem>> -> memref<128x16xf32, #tpu.memory_space<vmem>>
    %dma_start3A_286 = arith.constant 0 : i32
    %dma_start3A_287 = tpu.memref_slice %arg8[%dma_start3A_280, %dma_start3A_286] : memref<32x128xi32, #tpu.memory_space<vmem>> -> memref<1x128xi32, #tpu.memory_space<vmem>>
    %dma_start3A_288 = tpu.memref_squeeze %dma_start3A_287 : memref<1x128xi32, #tpu.memory_space<vmem>> -> memref<128xi32, #tpu.memory_space<vmem>>
    %dma_start3A_289 = arith.constant 0 : i32
    %dma_start3A_290 = arith.constant 0 : i32
    %dma_start3A_291 = tpu.memref_slice %arg4[%dma_start3A_289, %dma_start3A_290] : memref<1000000x16xf32, #tpu.memory_space<hbm>> -> memref<1000000x16xf32, #tpu.memory_space<hbm>>
    tpu.enqueue_indirect_dma source(%dma_start3A_291 : memref<1000000x16xf32, #tpu.memory_space<hbm>>) target(%dma_start3A_285 : memref<128x16xf32, #tpu.memory_space<vmem>>) offsets(%dma_start3A_288 : memref<128xi32, #tpu.memory_space<vmem>>) semaphore(%arg11 : memref<!tpu.dma_semaphore, #tpu.memory_space<semaphore_mem>>)
    %dma_start3A_292 = arith.constant 24 : i32
    %dma_start3A_293 = arith.constant 24 : i32
    %dma_start3A_294 = arith.constant 0 : i32
    %dma_start3A_295 = arith.constant 0 : i32
    %dma_start3A_296 = tpu.memref_slice %arg10[%dma_start3A_293, %dma_start3A_294, %dma_start3A_295] : memref<32x128x16xf32, #tpu.memory_space<vmem>> -> memref<1x128x16xf32, #tpu.memory_space<vmem>>
    %dma_start3A_297 = tpu.memref_squeeze %dma_start3A_296 : memref<1x128x16xf32, #tpu.memory_space<vmem>> -> memref<128x16xf32, #tpu.memory_space<vmem>>
    %dma_start3A_298 = arith.constant 0 : i32
    %dma_start3A_299 = tpu.memref_slice %arg8[%dma_start3A_292, %dma_start3A_298] : memref<32x128xi32, #tpu.memory_space<vmem>> -> memref<1x128xi32, #tpu.memory_space<vmem>>
    %dma_start3A_300 = tpu.memref_squeeze %dma_start3A_299 : memref<1x128xi32, #tpu.memory_space<vmem>> -> memref<128xi32, #tpu.memory_space<vmem>>
    %dma_start3A_301 = arith.constant 0 : i32
    %dma_start3A_302 = arith.constant 0 : i32
    %dma_start3A_303 = tpu.memref_slice %arg4[%dma_start3A_301, %dma_start3A_302] : memref<1000000x16xf32, #tpu.memory_space<hbm>> -> memref<1000000x16xf32, #tpu.memory_space<hbm>>
    tpu.enqueue_indirect_dma source(%dma_start3A_303 : memref<1000000x16xf32, #tpu.memory_space<hbm>>) target(%dma_start3A_297 : memref<128x16xf32, #tpu.memory_space<vmem>>) offsets(%dma_start3A_300 : memref<128xi32, #tpu.memory_space<vmem>>) semaphore(%arg11 : memref<!tpu.dma_semaphore, #tpu.memory_space<semaphore_mem>>)
    %dma_start3A_304 = arith.constant 25 : i32
    %dma_start3A_305 = arith.constant 25 : i32
    %dma_start3A_306 = arith.constant 0 : i32
    %dma_start3A_307 = arith.constant 0 : i32
    %dma_start3A_308 = tpu.memref_slice %arg10[%dma_start3A_305, %dma_start3A_306, %dma_start3A_307] : memref<32x128x16xf32, #tpu.memory_space<vmem>> -> memref<1x128x16xf32, #tpu.memory_space<vmem>>
    %dma_start3A_309 = tpu.memref_squeeze %dma_start3A_308 : memref<1x128x16xf32, #tpu.memory_space<vmem>> -> memref<128x16xf32, #tpu.memory_space<vmem>>
    %dma_start3A_310 = arith.constant 0 : i32
    %dma_start3A_311 = tpu.memref_slice %arg8[%dma_start3A_304, %dma_start3A_310] : memref<32x128xi32, #tpu.memory_space<vmem>> -> memref<1x128xi32, #tpu.memory_space<vmem>>
    %dma_start3A_312 = tpu.memref_squeeze %dma_start3A_311 : memref<1x128xi32, #tpu.memory_space<vmem>> -> memref<128xi32, #tpu.memory_space<vmem>>
    %dma_start3A_313 = arith.constant 0 : i32
    %dma_start3A_314 = arith.constant 0 : i32
    %dma_start3A_315 = tpu.memref_slice %arg4[%dma_start3A_313, %dma_start3A_314] : memref<1000000x16xf32, #tpu.memory_space<hbm>> -> memref<1000000x16xf32, #tpu.memory_space<hbm>>
    tpu.enqueue_indirect_dma source(%dma_start3A_315 : memref<1000000x16xf32, #tpu.memory_space<hbm>>) target(%dma_start3A_309 : memref<128x16xf32, #tpu.memory_space<vmem>>) offsets(%dma_start3A_312 : memref<128xi32, #tpu.memory_space<vmem>>) semaphore(%arg11 : memref<!tpu.dma_semaphore, #tpu.memory_space<semaphore_mem>>)
    %dma_start3A_316 = arith.constant 26 : i32
    %dma_start3A_317 = arith.constant 26 : i32
    %dma_start3A_318 = arith.constant 0 : i32
    %dma_start3A_319 = arith.constant 0 : i32
    %dma_start3A_320 = tpu.memref_slice %arg10[%dma_start3A_317, %dma_start3A_318, %dma_start3A_319] : memref<32x128x16xf32, #tpu.memory_space<vmem>> -> memref<1x128x16xf32, #tpu.memory_space<vmem>>
    %dma_start3A_321 = tpu.memref_squeeze %dma_start3A_320 : memref<1x128x16xf32, #tpu.memory_space<vmem>> -> memref<128x16xf32, #tpu.memory_space<vmem>>
    %dma_start3A_322 = arith.constant 0 : i32
    %dma_start3A_323 = tpu.memref_slice %arg8[%dma_start3A_316, %dma_start3A_322] : memref<32x128xi32, #tpu.memory_space<vmem>> -> memref<1x128xi32, #tpu.memory_space<vmem>>
    %dma_start3A_324 = tpu.memref_squeeze %dma_start3A_323 : memref<1x128xi32, #tpu.memory_space<vmem>> -> memref<128xi32, #tpu.memory_space<vmem>>
    %dma_start3A_325 = arith.constant 0 : i32
    %dma_start3A_326 = arith.constant 0 : i32
    %dma_start3A_327 = tpu.memref_slice %arg4[%dma_start3A_325, %dma_start3A_326] : memref<1000000x16xf32, #tpu.memory_space<hbm>> -> memref<1000000x16xf32, #tpu.memory_space<hbm>>
    tpu.enqueue_indirect_dma source(%dma_start3A_327 : memref<1000000x16xf32, #tpu.memory_space<hbm>>) target(%dma_start3A_321 : memref<128x16xf32, #tpu.memory_space<vmem>>) offsets(%dma_start3A_324 : memref<128xi32, #tpu.memory_space<vmem>>) semaphore(%arg11 : memref<!tpu.dma_semaphore, #tpu.memory_space<semaphore_mem>>)
    %dma_start3A_328 = arith.constant 27 : i32
    %dma_start3A_329 = arith.constant 27 : i32
    %dma_start3A_330 = arith.constant 0 : i32
    %dma_start3A_331 = arith.constant 0 : i32
    %dma_start3A_332 = tpu.memref_slice %arg10[%dma_start3A_329, %dma_start3A_330, %dma_start3A_331] : memref<32x128x16xf32, #tpu.memory_space<vmem>> -> memref<1x128x16xf32, #tpu.memory_space<vmem>>
    %dma_start3A_333 = tpu.memref_squeeze %dma_start3A_332 : memref<1x128x16xf32, #tpu.memory_space<vmem>> -> memref<128x16xf32, #tpu.memory_space<vmem>>
    %dma_start3A_334 = arith.constant 0 : i32
    %dma_start3A_335 = tpu.memref_slice %arg8[%dma_start3A_328, %dma_start3A_334] : memref<32x128xi32, #tpu.memory_space<vmem>> -> memref<1x128xi32, #tpu.memory_space<vmem>>
    %dma_start3A_336 = tpu.memref_squeeze %dma_start3A_335 : memref<1x128xi32, #tpu.memory_space<vmem>> -> memref<128xi32, #tpu.memory_space<vmem>>
    %dma_start3A_337 = arith.constant 0 : i32
    %dma_start3A_338 = arith.constant 0 : i32
    %dma_start3A_339 = tpu.memref_slice %arg4[%dma_start3A_337, %dma_start3A_338] : memref<1000000x16xf32, #tpu.memory_space<hbm>> -> memref<1000000x16xf32, #tpu.memory_space<hbm>>
    tpu.enqueue_indirect_dma source(%dma_start3A_339 : memref<1000000x16xf32, #tpu.memory_space<hbm>>) target(%dma_start3A_333 : memref<128x16xf32, #tpu.memory_space<vmem>>) offsets(%dma_start3A_336 : memref<128xi32, #tpu.memory_space<vmem>>) semaphore(%arg11 : memref<!tpu.dma_semaphore, #tpu.memory_space<semaphore_mem>>)
    %dma_start3A_340 = arith.constant 28 : i32
    %dma_start3A_341 = arith.constant 28 : i32
    %dma_start3A_342 = arith.constant 0 : i32
    %dma_start3A_343 = arith.constant 0 : i32
    %dma_start3A_344 = tpu.memref_slice %arg10[%dma_start3A_341, %dma_start3A_342, %dma_start3A_343] : memref<32x128x16xf32, #tpu.memory_space<vmem>> -> memref<1x128x16xf32, #tpu.memory_space<vmem>>
    %dma_start3A_345 = tpu.memref_squeeze %dma_start3A_344 : memref<1x128x16xf32, #tpu.memory_space<vmem>> -> memref<128x16xf32, #tpu.memory_space<vmem>>
    %dma_start3A_346 = arith.constant 0 : i32
    %dma_start3A_347 = tpu.memref_slice %arg8[%dma_start3A_340, %dma_start3A_346] : memref<32x128xi32, #tpu.memory_space<vmem>> -> memref<1x128xi32, #tpu.memory_space<vmem>>
    %dma_start3A_348 = tpu.memref_squeeze %dma_start3A_347 : memref<1x128xi32, #tpu.memory_space<vmem>> -> memref<128xi32, #tpu.memory_space<vmem>>
    %dma_start3A_349 = arith.constant 0 : i32
    %dma_start3A_350 = arith.constant 0 : i32
    %dma_start3A_351 = tpu.memref_slice %arg4[%dma_start3A_349, %dma_start3A_350] : memref<1000000x16xf32, #tpu.memory_space<hbm>> -> memref<1000000x16xf32, #tpu.memory_space<hbm>>
    tpu.enqueue_indirect_dma source(%dma_start3A_351 : memref<1000000x16xf32, #tpu.memory_space<hbm>>) target(%dma_start3A_345 : memref<128x16xf32, #tpu.memory_space<vmem>>) offsets(%dma_start3A_348 : memref<128xi32, #tpu.memory_space<vmem>>) semaphore(%arg11 : memref<!tpu.dma_semaphore, #tpu.memory_space<semaphore_mem>>)
    %dma_start3A_352 = arith.constant 29 : i32
    %dma_start3A_353 = arith.constant 29 : i32
    %dma_start3A_354 = arith.constant 0 : i32
    %dma_start3A_355 = arith.constant 0 : i32
    %dma_start3A_356 = tpu.memref_slice %arg10[%dma_start3A_353, %dma_start3A_354, %dma_start3A_355] : memref<32x128x16xf32, #tpu.memory_space<vmem>> -> memref<1x128x16xf32, #tpu.memory_space<vmem>>
    %dma_start3A_357 = tpu.memref_squeeze %dma_start3A_356 : memref<1x128x16xf32, #tpu.memory_space<vmem>> -> memref<128x16xf32, #tpu.memory_space<vmem>>
    %dma_start3A_358 = arith.constant 0 : i32
    %dma_start3A_359 = tpu.memref_slice %arg8[%dma_start3A_352, %dma_start3A_358] : memref<32x128xi32, #tpu.memory_space<vmem>> -> memref<1x128xi32, #tpu.memory_space<vmem>>
    %dma_start3A_360 = tpu.memref_squeeze %dma_start3A_359 : memref<1x128xi32, #tpu.memory_space<vmem>> -> memref<128xi32, #tpu.memory_space<vmem>>
    %dma_start3A_361 = arith.constant 0 : i32
    %dma_start3A_362 = arith.constant 0 : i32
    %dma_start3A_363 = tpu.memref_slice %arg4[%dma_start3A_361, %dma_start3A_362] : memref<1000000x16xf32, #tpu.memory_space<hbm>> -> memref<1000000x16xf32, #tpu.memory_space<hbm>>
    tpu.enqueue_indirect_dma source(%dma_start3A_363 : memref<1000000x16xf32, #tpu.memory_space<hbm>>) target(%dma_start3A_357 : memref<128x16xf32, #tpu.memory_space<vmem>>) offsets(%dma_start3A_360 : memref<128xi32, #tpu.memory_space<vmem>>) semaphore(%arg11 : memref<!tpu.dma_semaphore, #tpu.memory_space<semaphore_mem>>)
    %dma_start3A_364 = arith.constant 30 : i32
    %dma_start3A_365 = arith.constant 30 : i32
    %dma_start3A_366 = arith.constant 0 : i32
    %dma_start3A_367 = arith.constant 0 : i32
    %dma_start3A_368 = tpu.memref_slice %arg10[%dma_start3A_365, %dma_start3A_366, %dma_start3A_367] : memref<32x128x16xf32, #tpu.memory_space<vmem>> -> memref<1x128x16xf32, #tpu.memory_space<vmem>>
    %dma_start3A_369 = tpu.memref_squeeze %dma_start3A_368 : memref<1x128x16xf32, #tpu.memory_space<vmem>> -> memref<128x16xf32, #tpu.memory_space<vmem>>
    %dma_start3A_370 = arith.constant 0 : i32
    %dma_start3A_371 = tpu.memref_slice %arg8[%dma_start3A_364, %dma_start3A_370] : memref<32x128xi32, #tpu.memory_space<vmem>> -> memref<1x128xi32, #tpu.memory_space<vmem>>
    %dma_start3A_372 = tpu.memref_squeeze %dma_start3A_371 : memref<1x128xi32, #tpu.memory_space<vmem>> -> memref<128xi32, #tpu.memory_space<vmem>>
    %dma_start3A_373 = arith.constant 0 : i32
    %dma_start3A_374 = arith.constant 0 : i32
    %dma_start3A_375 = tpu.memref_slice %arg4[%dma_start3A_373, %dma_start3A_374] : memref<1000000x16xf32, #tpu.memory_space<hbm>> -> memref<1000000x16xf32, #tpu.memory_space<hbm>>
    tpu.enqueue_indirect_dma source(%dma_start3A_375 : memref<1000000x16xf32, #tpu.memory_space<hbm>>) target(%dma_start3A_369 : memref<128x16xf32, #tpu.memory_space<vmem>>) offsets(%dma_start3A_372 : memref<128xi32, #tpu.memory_space<vmem>>) semaphore(%arg11 : memref<!tpu.dma_semaphore, #tpu.memory_space<semaphore_mem>>)
    %dma_start3A_376 = arith.constant 31 : i32
    %dma_start3A_377 = arith.constant 31 : i32
    %dma_start3A_378 = arith.constant 0 : i32
    %dma_start3A_379 = arith.constant 0 : i32
    %dma_start3A_380 = tpu.memref_slice %arg10[%dma_start3A_377, %dma_start3A_378, %dma_start3A_379] : memref<32x128x16xf32, #tpu.memory_space<vmem>> -> memref<1x128x16xf32, #tpu.memory_space<vmem>>
    %dma_start3A_381 = tpu.memref_squeeze %dma_start3A_380 : memref<1x128x16xf32, #tpu.memory_space<vmem>> -> memref<128x16xf32, #tpu.memory_space<vmem>>
    %dma_start3A_382 = arith.constant 0 : i32
    %dma_start3A_383 = tpu.memref_slice %arg8[%dma_start3A_376, %dma_start3A_382] : memref<32x128xi32, #tpu.memory_space<vmem>> -> memref<1x128xi32, #tpu.memory_space<vmem>>
    %dma_start3A_384 = tpu.memref_squeeze %dma_start3A_383 : memref<1x128xi32, #tpu.memory_space<vmem>> -> memref<128xi32, #tpu.memory_space<vmem>>
    %dma_start3A_385 = arith.constant 0 : i32
    %dma_start3A_386 = arith.constant 0 : i32
    %dma_start3A_387 = tpu.memref_slice %arg4[%dma_start3A_385, %dma_start3A_386] : memref<1000000x16xf32, #tpu.memory_space<hbm>> -> memref<1000000x16xf32, #tpu.memory_space<hbm>>
    tpu.enqueue_indirect_dma source(%dma_start3A_387 : memref<1000000x16xf32, #tpu.memory_space<hbm>>) target(%dma_start3A_381 : memref<128x16xf32, #tpu.memory_space<vmem>>) offsets(%dma_start3A_384 : memref<128xi32, #tpu.memory_space<vmem>>) semaphore(%arg11 : memref<!tpu.dma_semaphore, #tpu.memory_space<semaphore_mem>>)
    %dma_wait3A = arith.constant 0 : i32
    %dma_wait3A_388 = arith.constant 0 : i32
    %dma_wait3A_389 = arith.constant 0 : i32
    %dma_wait3A_390 = arith.constant 0 : i32
    %dma_wait3A_391 = tpu.memref_slice %arg10[%dma_wait3A_388, %dma_wait3A_389, %dma_wait3A_390] : memref<32x128x16xf32, #tpu.memory_space<vmem>> -> memref<1x128x16xf32, #tpu.memory_space<vmem>>
    %dma_wait3A_392 = tpu.memref_squeeze %dma_wait3A_391 : memref<1x128x16xf32, #tpu.memory_space<vmem>> -> memref<128x16xf32, #tpu.memory_space<vmem>>
    %dma_wait3A_393 = arith.constant 0 : i32
    %dma_wait3A_394 = tpu.memref_slice %arg8[%dma_wait3A, %dma_wait3A_393] : memref<32x128xi32, #tpu.memory_space<vmem>> -> memref<1x128xi32, #tpu.memory_space<vmem>>
    %dma_wait3A_395 = tpu.memref_squeeze %dma_wait3A_394 : memref<1x128xi32, #tpu.memory_space<vmem>> -> memref<128xi32, #tpu.memory_space<vmem>>
    %dma_wait3A_396 = arith.constant 0 : i32
    %dma_wait3A_397 = arith.constant 0 : i32
    %dma_wait3A_398 = tpu.memref_slice %arg4[%dma_wait3A_396, %dma_wait3A_397] : memref<1000000x16xf32, #tpu.memory_space<hbm>> -> memref<1000000x16xf32, #tpu.memory_space<hbm>>
    tpu.wait_indirect_dma semaphore(%arg11 : memref<!tpu.dma_semaphore, #tpu.memory_space<semaphore_mem>>) src(%dma_wait3A_398 : memref<1000000x16xf32, #tpu.memory_space<hbm>>) dst(%dma_wait3A_392 : memref<128x16xf32, #tpu.memory_space<vmem>>)
    %dma_wait3A_399 = arith.constant 1 : i32
    %dma_wait3A_400 = arith.constant 1 : i32
    %dma_wait3A_401 = arith.constant 0 : i32
    %dma_wait3A_402 = arith.constant 0 : i32
    %dma_wait3A_403 = tpu.memref_slice %arg10[%dma_wait3A_400, %dma_wait3A_401, %dma_wait3A_402] : memref<32x128x16xf32, #tpu.memory_space<vmem>> -> memref<1x128x16xf32, #tpu.memory_space<vmem>>
    %dma_wait3A_404 = tpu.memref_squeeze %dma_wait3A_403 : memref<1x128x16xf32, #tpu.memory_space<vmem>> -> memref<128x16xf32, #tpu.memory_space<vmem>>
    %dma_wait3A_405 = arith.constant 0 : i32
    %dma_wait3A_406 = tpu.memref_slice %arg8[%dma_wait3A_399, %dma_wait3A_405] : memref<32x128xi32, #tpu.memory_space<vmem>> -> memref<1x128xi32, #tpu.memory_space<vmem>>
    %dma_wait3A_407 = tpu.memref_squeeze %dma_wait3A_406 : memref<1x128xi32, #tpu.memory_space<vmem>> -> memref<128xi32, #tpu.memory_space<vmem>>
    %dma_wait3A_408 = arith.constant 0 : i32
    %dma_wait3A_409 = arith.constant 0 : i32
    %dma_wait3A_410 = tpu.memref_slice %arg4[%dma_wait3A_408, %dma_wait3A_409] : memref<1000000x16xf32, #tpu.memory_space<hbm>> -> memref<1000000x16xf32, #tpu.memory_space<hbm>>
    tpu.wait_indirect_dma semaphore(%arg11 : memref<!tpu.dma_semaphore, #tpu.memory_space<semaphore_mem>>) src(%dma_wait3A_410 : memref<1000000x16xf32, #tpu.memory_space<hbm>>) dst(%dma_wait3A_404 : memref<128x16xf32, #tpu.memory_space<vmem>>)
    %dma_wait3A_411 = arith.constant 2 : i32
    %dma_wait3A_412 = arith.constant 2 : i32
    %dma_wait3A_413 = arith.constant 0 : i32
    %dma_wait3A_414 = arith.constant 0 : i32
    %dma_wait3A_415 = tpu.memref_slice %arg10[%dma_wait3A_412, %dma_wait3A_413, %dma_wait3A_414] : memref<32x128x16xf32, #tpu.memory_space<vmem>> -> memref<1x128x16xf32, #tpu.memory_space<vmem>>
    %dma_wait3A_416 = tpu.memref_squeeze %dma_wait3A_415 : memref<1x128x16xf32, #tpu.memory_space<vmem>> -> memref<128x16xf32, #tpu.memory_space<vmem>>
    %dma_wait3A_417 = arith.constant 0 : i32
    %dma_wait3A_418 = tpu.memref_slice %arg8[%dma_wait3A_411, %dma_wait3A_417] : memref<32x128xi32, #tpu.memory_space<vmem>> -> memref<1x128xi32, #tpu.memory_space<vmem>>
    %dma_wait3A_419 = tpu.memref_squeeze %dma_wait3A_418 : memref<1x128xi32, #tpu.memory_space<vmem>> -> memref<128xi32, #tpu.memory_space<vmem>>
    %dma_wait3A_420 = arith.constant 0 : i32
    %dma_wait3A_421 = arith.constant 0 : i32
    %dma_wait3A_422 = tpu.memref_slice %arg4[%dma_wait3A_420, %dma_wait3A_421] : memref<1000000x16xf32, #tpu.memory_space<hbm>> -> memref<1000000x16xf32, #tpu.memory_space<hbm>>
    tpu.wait_indirect_dma semaphore(%arg11 : memref<!tpu.dma_semaphore, #tpu.memory_space<semaphore_mem>>) src(%dma_wait3A_422 : memref<1000000x16xf32, #tpu.memory_space<hbm>>) dst(%dma_wait3A_416 : memref<128x16xf32, #tpu.memory_space<vmem>>)
    %dma_wait3A_423 = arith.constant 3 : i32
    %dma_wait3A_424 = arith.constant 3 : i32
    %dma_wait3A_425 = arith.constant 0 : i32
    %dma_wait3A_426 = arith.constant 0 : i32
    %dma_wait3A_427 = tpu.memref_slice %arg10[%dma_wait3A_424, %dma_wait3A_425, %dma_wait3A_426] : memref<32x128x16xf32, #tpu.memory_space<vmem>> -> memref<1x128x16xf32, #tpu.memory_space<vmem>>
    %dma_wait3A_428 = tpu.memref_squeeze %dma_wait3A_427 : memref<1x128x16xf32, #tpu.memory_space<vmem>> -> memref<128x16xf32, #tpu.memory_space<vmem>>
    %dma_wait3A_429 = arith.constant 0 : i32
    %dma_wait3A_430 = tpu.memref_slice %arg8[%dma_wait3A_423, %dma_wait3A_429] : memref<32x128xi32, #tpu.memory_space<vmem>> -> memref<1x128xi32, #tpu.memory_space<vmem>>
    %dma_wait3A_431 = tpu.memref_squeeze %dma_wait3A_430 : memref<1x128xi32, #tpu.memory_space<vmem>> -> memref<128xi32, #tpu.memory_space<vmem>>
    %dma_wait3A_432 = arith.constant 0 : i32
    %dma_wait3A_433 = arith.constant 0 : i32
    %dma_wait3A_434 = tpu.memref_slice %arg4[%dma_wait3A_432, %dma_wait3A_433] : memref<1000000x16xf32, #tpu.memory_space<hbm>> -> memref<1000000x16xf32, #tpu.memory_space<hbm>>
    tpu.wait_indirect_dma semaphore(%arg11 : memref<!tpu.dma_semaphore, #tpu.memory_space<semaphore_mem>>) src(%dma_wait3A_434 : memref<1000000x16xf32, #tpu.memory_space<hbm>>) dst(%dma_wait3A_428 : memref<128x16xf32, #tpu.memory_space<vmem>>)
    %dma_wait3A_435 = arith.constant 4 : i32
    %dma_wait3A_436 = arith.constant 4 : i32
    %dma_wait3A_437 = arith.constant 0 : i32
    %dma_wait3A_438 = arith.constant 0 : i32
    %dma_wait3A_439 = tpu.memref_slice %arg10[%dma_wait3A_436, %dma_wait3A_437, %dma_wait3A_438] : memref<32x128x16xf32, #tpu.memory_space<vmem>> -> memref<1x128x16xf32, #tpu.memory_space<vmem>>
    %dma_wait3A_440 = tpu.memref_squeeze %dma_wait3A_439 : memref<1x128x16xf32, #tpu.memory_space<vmem>> -> memref<128x16xf32, #tpu.memory_space<vmem>>
    %dma_wait3A_441 = arith.constant 0 : i32
    %dma_wait3A_442 = tpu.memref_slice %arg8[%dma_wait3A_435, %dma_wait3A_441] : memref<32x128xi32, #tpu.memory_space<vmem>> -> memref<1x128xi32, #tpu.memory_space<vmem>>
    %dma_wait3A_443 = tpu.memref_squeeze %dma_wait3A_442 : memref<1x128xi32, #tpu.memory_space<vmem>> -> memref<128xi32, #tpu.memory_space<vmem>>
    %dma_wait3A_444 = arith.constant 0 : i32
    %dma_wait3A_445 = arith.constant 0 : i32
    %dma_wait3A_446 = tpu.memref_slice %arg4[%dma_wait3A_444, %dma_wait3A_445] : memref<1000000x16xf32, #tpu.memory_space<hbm>> -> memref<1000000x16xf32, #tpu.memory_space<hbm>>
    tpu.wait_indirect_dma semaphore(%arg11 : memref<!tpu.dma_semaphore, #tpu.memory_space<semaphore_mem>>) src(%dma_wait3A_446 : memref<1000000x16xf32, #tpu.memory_space<hbm>>) dst(%dma_wait3A_440 : memref<128x16xf32, #tpu.memory_space<vmem>>)
    %dma_wait3A_447 = arith.constant 5 : i32
    %dma_wait3A_448 = arith.constant 5 : i32
    %dma_wait3A_449 = arith.constant 0 : i32
    %dma_wait3A_450 = arith.constant 0 : i32
    %dma_wait3A_451 = tpu.memref_slice %arg10[%dma_wait3A_448, %dma_wait3A_449, %dma_wait3A_450] : memref<32x128x16xf32, #tpu.memory_space<vmem>> -> memref<1x128x16xf32, #tpu.memory_space<vmem>>
    %dma_wait3A_452 = tpu.memref_squeeze %dma_wait3A_451 : memref<1x128x16xf32, #tpu.memory_space<vmem>> -> memref<128x16xf32, #tpu.memory_space<vmem>>
    %dma_wait3A_453 = arith.constant 0 : i32
    %dma_wait3A_454 = tpu.memref_slice %arg8[%dma_wait3A_447, %dma_wait3A_453] : memref<32x128xi32, #tpu.memory_space<vmem>> -> memref<1x128xi32, #tpu.memory_space<vmem>>
    %dma_wait3A_455 = tpu.memref_squeeze %dma_wait3A_454 : memref<1x128xi32, #tpu.memory_space<vmem>> -> memref<128xi32, #tpu.memory_space<vmem>>
    %dma_wait3A_456 = arith.constant 0 : i32
    %dma_wait3A_457 = arith.constant 0 : i32
    %dma_wait3A_458 = tpu.memref_slice %arg4[%dma_wait3A_456, %dma_wait3A_457] : memref<1000000x16xf32, #tpu.memory_space<hbm>> -> memref<1000000x16xf32, #tpu.memory_space<hbm>>
    tpu.wait_indirect_dma semaphore(%arg11 : memref<!tpu.dma_semaphore, #tpu.memory_space<semaphore_mem>>) src(%dma_wait3A_458 : memref<1000000x16xf32, #tpu.memory_space<hbm>>) dst(%dma_wait3A_452 : memref<128x16xf32, #tpu.memory_space<vmem>>)
    %dma_wait3A_459 = arith.constant 6 : i32
    %dma_wait3A_460 = arith.constant 6 : i32
    %dma_wait3A_461 = arith.constant 0 : i32
    %dma_wait3A_462 = arith.constant 0 : i32
    %dma_wait3A_463 = tpu.memref_slice %arg10[%dma_wait3A_460, %dma_wait3A_461, %dma_wait3A_462] : memref<32x128x16xf32, #tpu.memory_space<vmem>> -> memref<1x128x16xf32, #tpu.memory_space<vmem>>
    %dma_wait3A_464 = tpu.memref_squeeze %dma_wait3A_463 : memref<1x128x16xf32, #tpu.memory_space<vmem>> -> memref<128x16xf32, #tpu.memory_space<vmem>>
    %dma_wait3A_465 = arith.constant 0 : i32
    %dma_wait3A_466 = tpu.memref_slice %arg8[%dma_wait3A_459, %dma_wait3A_465] : memref<32x128xi32, #tpu.memory_space<vmem>> -> memref<1x128xi32, #tpu.memory_space<vmem>>
    %dma_wait3A_467 = tpu.memref_squeeze %dma_wait3A_466 : memref<1x128xi32, #tpu.memory_space<vmem>> -> memref<128xi32, #tpu.memory_space<vmem>>
    %dma_wait3A_468 = arith.constant 0 : i32
    %dma_wait3A_469 = arith.constant 0 : i32
    %dma_wait3A_470 = tpu.memref_slice %arg4[%dma_wait3A_468, %dma_wait3A_469] : memref<1000000x16xf32, #tpu.memory_space<hbm>> -> memref<1000000x16xf32, #tpu.memory_space<hbm>>
    tpu.wait_indirect_dma semaphore(%arg11 : memref<!tpu.dma_semaphore, #tpu.memory_space<semaphore_mem>>) src(%dma_wait3A_470 : memref<1000000x16xf32, #tpu.memory_space<hbm>>) dst(%dma_wait3A_464 : memref<128x16xf32, #tpu.memory_space<vmem>>)
    %dma_wait3A_471 = arith.constant 7 : i32
    %dma_wait3A_472 = arith.constant 7 : i32
    %dma_wait3A_473 = arith.constant 0 : i32
    %dma_wait3A_474 = arith.constant 0 : i32
    %dma_wait3A_475 = tpu.memref_slice %arg10[%dma_wait3A_472, %dma_wait3A_473, %dma_wait3A_474] : memref<32x128x16xf32, #tpu.memory_space<vmem>> -> memref<1x128x16xf32, #tpu.memory_space<vmem>>
    %dma_wait3A_476 = tpu.memref_squeeze %dma_wait3A_475 : memref<1x128x16xf32, #tpu.memory_space<vmem>> -> memref<128x16xf32, #tpu.memory_space<vmem>>
    %dma_wait3A_477 = arith.constant 0 : i32
    %dma_wait3A_478 = tpu.memref_slice %arg8[%dma_wait3A_471, %dma_wait3A_477] : memref<32x128xi32, #tpu.memory_space<vmem>> -> memref<1x128xi32, #tpu.memory_space<vmem>>
    %dma_wait3A_479 = tpu.memref_squeeze %dma_wait3A_478 : memref<1x128xi32, #tpu.memory_space<vmem>> -> memref<128xi32, #tpu.memory_space<vmem>>
    %dma_wait3A_480 = arith.constant 0 : i32
    %dma_wait3A_481 = arith.constant 0 : i32
    %dma_wait3A_482 = tpu.memref_slice %arg4[%dma_wait3A_480, %dma_wait3A_481] : memref<1000000x16xf32, #tpu.memory_space<hbm>> -> memref<1000000x16xf32, #tpu.memory_space<hbm>>
    tpu.wait_indirect_dma semaphore(%arg11 : memref<!tpu.dma_semaphore, #tpu.memory_space<semaphore_mem>>) src(%dma_wait3A_482 : memref<1000000x16xf32, #tpu.memory_space<hbm>>) dst(%dma_wait3A_476 : memref<128x16xf32, #tpu.memory_space<vmem>>)
    %dma_wait3A_483 = arith.constant 8 : i32
    %dma_wait3A_484 = arith.constant 8 : i32
    %dma_wait3A_485 = arith.constant 0 : i32
    %dma_wait3A_486 = arith.constant 0 : i32
    %dma_wait3A_487 = tpu.memref_slice %arg10[%dma_wait3A_484, %dma_wait3A_485, %dma_wait3A_486] : memref<32x128x16xf32, #tpu.memory_space<vmem>> -> memref<1x128x16xf32, #tpu.memory_space<vmem>>
    %dma_wait3A_488 = tpu.memref_squeeze %dma_wait3A_487 : memref<1x128x16xf32, #tpu.memory_space<vmem>> -> memref<128x16xf32, #tpu.memory_space<vmem>>
    %dma_wait3A_489 = arith.constant 0 : i32
    %dma_wait3A_490 = tpu.memref_slice %arg8[%dma_wait3A_483, %dma_wait3A_489] : memref<32x128xi32, #tpu.memory_space<vmem>> -> memref<1x128xi32, #tpu.memory_space<vmem>>
    %dma_wait3A_491 = tpu.memref_squeeze %dma_wait3A_490 : memref<1x128xi32, #tpu.memory_space<vmem>> -> memref<128xi32, #tpu.memory_space<vmem>>
    %dma_wait3A_492 = arith.constant 0 : i32
    %dma_wait3A_493 = arith.constant 0 : i32
    %dma_wait3A_494 = tpu.memref_slice %arg4[%dma_wait3A_492, %dma_wait3A_493] : memref<1000000x16xf32, #tpu.memory_space<hbm>> -> memref<1000000x16xf32, #tpu.memory_space<hbm>>
    tpu.wait_indirect_dma semaphore(%arg11 : memref<!tpu.dma_semaphore, #tpu.memory_space<semaphore_mem>>) src(%dma_wait3A_494 : memref<1000000x16xf32, #tpu.memory_space<hbm>>) dst(%dma_wait3A_488 : memref<128x16xf32, #tpu.memory_space<vmem>>)
    %dma_wait3A_495 = arith.constant 9 : i32
    %dma_wait3A_496 = arith.constant 9 : i32
    %dma_wait3A_497 = arith.constant 0 : i32
    %dma_wait3A_498 = arith.constant 0 : i32
    %dma_wait3A_499 = tpu.memref_slice %arg10[%dma_wait3A_496, %dma_wait3A_497, %dma_wait3A_498] : memref<32x128x16xf32, #tpu.memory_space<vmem>> -> memref<1x128x16xf32, #tpu.memory_space<vmem>>
    %dma_wait3A_500 = tpu.memref_squeeze %dma_wait3A_499 : memref<1x128x16xf32, #tpu.memory_space<vmem>> -> memref<128x16xf32, #tpu.memory_space<vmem>>
    %dma_wait3A_501 = arith.constant 0 : i32
    %dma_wait3A_502 = tpu.memref_slice %arg8[%dma_wait3A_495, %dma_wait3A_501] : memref<32x128xi32, #tpu.memory_space<vmem>> -> memref<1x128xi32, #tpu.memory_space<vmem>>
    %dma_wait3A_503 = tpu.memref_squeeze %dma_wait3A_502 : memref<1x128xi32, #tpu.memory_space<vmem>> -> memref<128xi32, #tpu.memory_space<vmem>>
    %dma_wait3A_504 = arith.constant 0 : i32
    %dma_wait3A_505 = arith.constant 0 : i32
    %dma_wait3A_506 = tpu.memref_slice %arg4[%dma_wait3A_504, %dma_wait3A_505] : memref<1000000x16xf32, #tpu.memory_space<hbm>> -> memref<1000000x16xf32, #tpu.memory_space<hbm>>
    tpu.wait_indirect_dma semaphore(%arg11 : memref<!tpu.dma_semaphore, #tpu.memory_space<semaphore_mem>>) src(%dma_wait3A_506 : memref<1000000x16xf32, #tpu.memory_space<hbm>>) dst(%dma_wait3A_500 : memref<128x16xf32, #tpu.memory_space<vmem>>)
    %dma_wait3A_507 = arith.constant 10 : i32
    %dma_wait3A_508 = arith.constant 10 : i32
    %dma_wait3A_509 = arith.constant 0 : i32
    %dma_wait3A_510 = arith.constant 0 : i32
    %dma_wait3A_511 = tpu.memref_slice %arg10[%dma_wait3A_508, %dma_wait3A_509, %dma_wait3A_510] : memref<32x128x16xf32, #tpu.memory_space<vmem>> -> memref<1x128x16xf32, #tpu.memory_space<vmem>>
    %dma_wait3A_512 = tpu.memref_squeeze %dma_wait3A_511 : memref<1x128x16xf32, #tpu.memory_space<vmem>> -> memref<128x16xf32, #tpu.memory_space<vmem>>
    %dma_wait3A_513 = arith.constant 0 : i32
    %dma_wait3A_514 = tpu.memref_slice %arg8[%dma_wait3A_507, %dma_wait3A_513] : memref<32x128xi32, #tpu.memory_space<vmem>> -> memref<1x128xi32, #tpu.memory_space<vmem>>
    %dma_wait3A_515 = tpu.memref_squeeze %dma_wait3A_514 : memref<1x128xi32, #tpu.memory_space<vmem>> -> memref<128xi32, #tpu.memory_space<vmem>>
    %dma_wait3A_516 = arith.constant 0 : i32
    %dma_wait3A_517 = arith.constant 0 : i32
    %dma_wait3A_518 = tpu.memref_slice %arg4[%dma_wait3A_516, %dma_wait3A_517] : memref<1000000x16xf32, #tpu.memory_space<hbm>> -> memref<1000000x16xf32, #tpu.memory_space<hbm>>
    tpu.wait_indirect_dma semaphore(%arg11 : memref<!tpu.dma_semaphore, #tpu.memory_space<semaphore_mem>>) src(%dma_wait3A_518 : memref<1000000x16xf32, #tpu.memory_space<hbm>>) dst(%dma_wait3A_512 : memref<128x16xf32, #tpu.memory_space<vmem>>)
    %dma_wait3A_519 = arith.constant 11 : i32
    %dma_wait3A_520 = arith.constant 11 : i32
    %dma_wait3A_521 = arith.constant 0 : i32
    %dma_wait3A_522 = arith.constant 0 : i32
    %dma_wait3A_523 = tpu.memref_slice %arg10[%dma_wait3A_520, %dma_wait3A_521, %dma_wait3A_522] : memref<32x128x16xf32, #tpu.memory_space<vmem>> -> memref<1x128x16xf32, #tpu.memory_space<vmem>>
    %dma_wait3A_524 = tpu.memref_squeeze %dma_wait3A_523 : memref<1x128x16xf32, #tpu.memory_space<vmem>> -> memref<128x16xf32, #tpu.memory_space<vmem>>
    %dma_wait3A_525 = arith.constant 0 : i32
    %dma_wait3A_526 = tpu.memref_slice %arg8[%dma_wait3A_519, %dma_wait3A_525] : memref<32x128xi32, #tpu.memory_space<vmem>> -> memref<1x128xi32, #tpu.memory_space<vmem>>
    %dma_wait3A_527 = tpu.memref_squeeze %dma_wait3A_526 : memref<1x128xi32, #tpu.memory_space<vmem>> -> memref<128xi32, #tpu.memory_space<vmem>>
    %dma_wait3A_528 = arith.constant 0 : i32
    %dma_wait3A_529 = arith.constant 0 : i32
    %dma_wait3A_530 = tpu.memref_slice %arg4[%dma_wait3A_528, %dma_wait3A_529] : memref<1000000x16xf32, #tpu.memory_space<hbm>> -> memref<1000000x16xf32, #tpu.memory_space<hbm>>
    tpu.wait_indirect_dma semaphore(%arg11 : memref<!tpu.dma_semaphore, #tpu.memory_space<semaphore_mem>>) src(%dma_wait3A_530 : memref<1000000x16xf32, #tpu.memory_space<hbm>>) dst(%dma_wait3A_524 : memref<128x16xf32, #tpu.memory_space<vmem>>)
    %dma_wait3A_531 = arith.constant 12 : i32
    %dma_wait3A_532 = arith.constant 12 : i32
    %dma_wait3A_533 = arith.constant 0 : i32
    %dma_wait3A_534 = arith.constant 0 : i32
    %dma_wait3A_535 = tpu.memref_slice %arg10[%dma_wait3A_532, %dma_wait3A_533, %dma_wait3A_534] : memref<32x128x16xf32, #tpu.memory_space<vmem>> -> memref<1x128x16xf32, #tpu.memory_space<vmem>>
    %dma_wait3A_536 = tpu.memref_squeeze %dma_wait3A_535 : memref<1x128x16xf32, #tpu.memory_space<vmem>> -> memref<128x16xf32, #tpu.memory_space<vmem>>
    %dma_wait3A_537 = arith.constant 0 : i32
    %dma_wait3A_538 = tpu.memref_slice %arg8[%dma_wait3A_531, %dma_wait3A_537] : memref<32x128xi32, #tpu.memory_space<vmem>> -> memref<1x128xi32, #tpu.memory_space<vmem>>
    %dma_wait3A_539 = tpu.memref_squeeze %dma_wait3A_538 : memref<1x128xi32, #tpu.memory_space<vmem>> -> memref<128xi32, #tpu.memory_space<vmem>>
    %dma_wait3A_540 = arith.constant 0 : i32
    %dma_wait3A_541 = arith.constant 0 : i32
    %dma_wait3A_542 = tpu.memref_slice %arg4[%dma_wait3A_540, %dma_wait3A_541] : memref<1000000x16xf32, #tpu.memory_space<hbm>> -> memref<1000000x16xf32, #tpu.memory_space<hbm>>
    tpu.wait_indirect_dma semaphore(%arg11 : memref<!tpu.dma_semaphore, #tpu.memory_space<semaphore_mem>>) src(%dma_wait3A_542 : memref<1000000x16xf32, #tpu.memory_space<hbm>>) dst(%dma_wait3A_536 : memref<128x16xf32, #tpu.memory_space<vmem>>)
    %dma_wait3A_543 = arith.constant 13 : i32
    %dma_wait3A_544 = arith.constant 13 : i32
    %dma_wait3A_545 = arith.constant 0 : i32
    %dma_wait3A_546 = arith.constant 0 : i32
    %dma_wait3A_547 = tpu.memref_slice %arg10[%dma_wait3A_544, %dma_wait3A_545, %dma_wait3A_546] : memref<32x128x16xf32, #tpu.memory_space<vmem>> -> memref<1x128x16xf32, #tpu.memory_space<vmem>>
    %dma_wait3A_548 = tpu.memref_squeeze %dma_wait3A_547 : memref<1x128x16xf32, #tpu.memory_space<vmem>> -> memref<128x16xf32, #tpu.memory_space<vmem>>
    %dma_wait3A_549 = arith.constant 0 : i32
    %dma_wait3A_550 = tpu.memref_slice %arg8[%dma_wait3A_543, %dma_wait3A_549] : memref<32x128xi32, #tpu.memory_space<vmem>> -> memref<1x128xi32, #tpu.memory_space<vmem>>
    %dma_wait3A_551 = tpu.memref_squeeze %dma_wait3A_550 : memref<1x128xi32, #tpu.memory_space<vmem>> -> memref<128xi32, #tpu.memory_space<vmem>>
    %dma_wait3A_552 = arith.constant 0 : i32
    %dma_wait3A_553 = arith.constant 0 : i32
    %dma_wait3A_554 = tpu.memref_slice %arg4[%dma_wait3A_552, %dma_wait3A_553] : memref<1000000x16xf32, #tpu.memory_space<hbm>> -> memref<1000000x16xf32, #tpu.memory_space<hbm>>
    tpu.wait_indirect_dma semaphore(%arg11 : memref<!tpu.dma_semaphore, #tpu.memory_space<semaphore_mem>>) src(%dma_wait3A_554 : memref<1000000x16xf32, #tpu.memory_space<hbm>>) dst(%dma_wait3A_548 : memref<128x16xf32, #tpu.memory_space<vmem>>)
    %dma_wait3A_555 = arith.constant 14 : i32
    %dma_wait3A_556 = arith.constant 14 : i32
    %dma_wait3A_557 = arith.constant 0 : i32
    %dma_wait3A_558 = arith.constant 0 : i32
    %dma_wait3A_559 = tpu.memref_slice %arg10[%dma_wait3A_556, %dma_wait3A_557, %dma_wait3A_558] : memref<32x128x16xf32, #tpu.memory_space<vmem>> -> memref<1x128x16xf32, #tpu.memory_space<vmem>>
    %dma_wait3A_560 = tpu.memref_squeeze %dma_wait3A_559 : memref<1x128x16xf32, #tpu.memory_space<vmem>> -> memref<128x16xf32, #tpu.memory_space<vmem>>
    %dma_wait3A_561 = arith.constant 0 : i32
    %dma_wait3A_562 = tpu.memref_slice %arg8[%dma_wait3A_555, %dma_wait3A_561] : memref<32x128xi32, #tpu.memory_space<vmem>> -> memref<1x128xi32, #tpu.memory_space<vmem>>
    %dma_wait3A_563 = tpu.memref_squeeze %dma_wait3A_562 : memref<1x128xi32, #tpu.memory_space<vmem>> -> memref<128xi32, #tpu.memory_space<vmem>>
    %dma_wait3A_564 = arith.constant 0 : i32
    %dma_wait3A_565 = arith.constant 0 : i32
    %dma_wait3A_566 = tpu.memref_slice %arg4[%dma_wait3A_564, %dma_wait3A_565] : memref<1000000x16xf32, #tpu.memory_space<hbm>> -> memref<1000000x16xf32, #tpu.memory_space<hbm>>
    tpu.wait_indirect_dma semaphore(%arg11 : memref<!tpu.dma_semaphore, #tpu.memory_space<semaphore_mem>>) src(%dma_wait3A_566 : memref<1000000x16xf32, #tpu.memory_space<hbm>>) dst(%dma_wait3A_560 : memref<128x16xf32, #tpu.memory_space<vmem>>)
    %dma_wait3A_567 = arith.constant 15 : i32
    %dma_wait3A_568 = arith.constant 15 : i32
    %dma_wait3A_569 = arith.constant 0 : i32
    %dma_wait3A_570 = arith.constant 0 : i32
    %dma_wait3A_571 = tpu.memref_slice %arg10[%dma_wait3A_568, %dma_wait3A_569, %dma_wait3A_570] : memref<32x128x16xf32, #tpu.memory_space<vmem>> -> memref<1x128x16xf32, #tpu.memory_space<vmem>>
    %dma_wait3A_572 = tpu.memref_squeeze %dma_wait3A_571 : memref<1x128x16xf32, #tpu.memory_space<vmem>> -> memref<128x16xf32, #tpu.memory_space<vmem>>
    %dma_wait3A_573 = arith.constant 0 : i32
    %dma_wait3A_574 = tpu.memref_slice %arg8[%dma_wait3A_567, %dma_wait3A_573] : memref<32x128xi32, #tpu.memory_space<vmem>> -> memref<1x128xi32, #tpu.memory_space<vmem>>
    %dma_wait3A_575 = tpu.memref_squeeze %dma_wait3A_574 : memref<1x128xi32, #tpu.memory_space<vmem>> -> memref<128xi32, #tpu.memory_space<vmem>>
    %dma_wait3A_576 = arith.constant 0 : i32
    %dma_wait3A_577 = arith.constant 0 : i32
    %dma_wait3A_578 = tpu.memref_slice %arg4[%dma_wait3A_576, %dma_wait3A_577] : memref<1000000x16xf32, #tpu.memory_space<hbm>> -> memref<1000000x16xf32, #tpu.memory_space<hbm>>
    tpu.wait_indirect_dma semaphore(%arg11 : memref<!tpu.dma_semaphore, #tpu.memory_space<semaphore_mem>>) src(%dma_wait3A_578 : memref<1000000x16xf32, #tpu.memory_space<hbm>>) dst(%dma_wait3A_572 : memref<128x16xf32, #tpu.memory_space<vmem>>)
    %dma_wait3A_579 = arith.constant 16 : i32
    %dma_wait3A_580 = arith.constant 16 : i32
    %dma_wait3A_581 = arith.constant 0 : i32
    %dma_wait3A_582 = arith.constant 0 : i32
    %dma_wait3A_583 = tpu.memref_slice %arg10[%dma_wait3A_580, %dma_wait3A_581, %dma_wait3A_582] : memref<32x128x16xf32, #tpu.memory_space<vmem>> -> memref<1x128x16xf32, #tpu.memory_space<vmem>>
    %dma_wait3A_584 = tpu.memref_squeeze %dma_wait3A_583 : memref<1x128x16xf32, #tpu.memory_space<vmem>> -> memref<128x16xf32, #tpu.memory_space<vmem>>
    %dma_wait3A_585 = arith.constant 0 : i32
    %dma_wait3A_586 = tpu.memref_slice %arg8[%dma_wait3A_579, %dma_wait3A_585] : memref<32x128xi32, #tpu.memory_space<vmem>> -> memref<1x128xi32, #tpu.memory_space<vmem>>
    %dma_wait3A_587 = tpu.memref_squeeze %dma_wait3A_586 : memref<1x128xi32, #tpu.memory_space<vmem>> -> memref<128xi32, #tpu.memory_space<vmem>>
    %dma_wait3A_588 = arith.constant 0 : i32
    %dma_wait3A_589 = arith.constant 0 : i32
    %dma_wait3A_590 = tpu.memref_slice %arg4[%dma_wait3A_588, %dma_wait3A_589] : memref<1000000x16xf32, #tpu.memory_space<hbm>> -> memref<1000000x16xf32, #tpu.memory_space<hbm>>
    tpu.wait_indirect_dma semaphore(%arg11 : memref<!tpu.dma_semaphore, #tpu.memory_space<semaphore_mem>>) src(%dma_wait3A_590 : memref<1000000x16xf32, #tpu.memory_space<hbm>>) dst(%dma_wait3A_584 : memref<128x16xf32, #tpu.memory_space<vmem>>)
    %dma_wait3A_591 = arith.constant 17 : i32
    %dma_wait3A_592 = arith.constant 17 : i32
    %dma_wait3A_593 = arith.constant 0 : i32
    %dma_wait3A_594 = arith.constant 0 : i32
    %dma_wait3A_595 = tpu.memref_slice %arg10[%dma_wait3A_592, %dma_wait3A_593, %dma_wait3A_594] : memref<32x128x16xf32, #tpu.memory_space<vmem>> -> memref<1x128x16xf32, #tpu.memory_space<vmem>>
    %dma_wait3A_596 = tpu.memref_squeeze %dma_wait3A_595 : memref<1x128x16xf32, #tpu.memory_space<vmem>> -> memref<128x16xf32, #tpu.memory_space<vmem>>
    %dma_wait3A_597 = arith.constant 0 : i32
    %dma_wait3A_598 = tpu.memref_slice %arg8[%dma_wait3A_591, %dma_wait3A_597] : memref<32x128xi32, #tpu.memory_space<vmem>> -> memref<1x128xi32, #tpu.memory_space<vmem>>
    %dma_wait3A_599 = tpu.memref_squeeze %dma_wait3A_598 : memref<1x128xi32, #tpu.memory_space<vmem>> -> memref<128xi32, #tpu.memory_space<vmem>>
    %dma_wait3A_600 = arith.constant 0 : i32
    %dma_wait3A_601 = arith.constant 0 : i32
    %dma_wait3A_602 = tpu.memref_slice %arg4[%dma_wait3A_600, %dma_wait3A_601] : memref<1000000x16xf32, #tpu.memory_space<hbm>> -> memref<1000000x16xf32, #tpu.memory_space<hbm>>
    tpu.wait_indirect_dma semaphore(%arg11 : memref<!tpu.dma_semaphore, #tpu.memory_space<semaphore_mem>>) src(%dma_wait3A_602 : memref<1000000x16xf32, #tpu.memory_space<hbm>>) dst(%dma_wait3A_596 : memref<128x16xf32, #tpu.memory_space<vmem>>)
    %dma_wait3A_603 = arith.constant 18 : i32
    %dma_wait3A_604 = arith.constant 18 : i32
    %dma_wait3A_605 = arith.constant 0 : i32
    %dma_wait3A_606 = arith.constant 0 : i32
    %dma_wait3A_607 = tpu.memref_slice %arg10[%dma_wait3A_604, %dma_wait3A_605, %dma_wait3A_606] : memref<32x128x16xf32, #tpu.memory_space<vmem>> -> memref<1x128x16xf32, #tpu.memory_space<vmem>>
    %dma_wait3A_608 = tpu.memref_squeeze %dma_wait3A_607 : memref<1x128x16xf32, #tpu.memory_space<vmem>> -> memref<128x16xf32, #tpu.memory_space<vmem>>
    %dma_wait3A_609 = arith.constant 0 : i32
    %dma_wait3A_610 = tpu.memref_slice %arg8[%dma_wait3A_603, %dma_wait3A_609] : memref<32x128xi32, #tpu.memory_space<vmem>> -> memref<1x128xi32, #tpu.memory_space<vmem>>
    %dma_wait3A_611 = tpu.memref_squeeze %dma_wait3A_610 : memref<1x128xi32, #tpu.memory_space<vmem>> -> memref<128xi32, #tpu.memory_space<vmem>>
    %dma_wait3A_612 = arith.constant 0 : i32
    %dma_wait3A_613 = arith.constant 0 : i32
    %dma_wait3A_614 = tpu.memref_slice %arg4[%dma_wait3A_612, %dma_wait3A_613] : memref<1000000x16xf32, #tpu.memory_space<hbm>> -> memref<1000000x16xf32, #tpu.memory_space<hbm>>
    tpu.wait_indirect_dma semaphore(%arg11 : memref<!tpu.dma_semaphore, #tpu.memory_space<semaphore_mem>>) src(%dma_wait3A_614 : memref<1000000x16xf32, #tpu.memory_space<hbm>>) dst(%dma_wait3A_608 : memref<128x16xf32, #tpu.memory_space<vmem>>)
    %dma_wait3A_615 = arith.constant 19 : i32
    %dma_wait3A_616 = arith.constant 19 : i32
    %dma_wait3A_617 = arith.constant 0 : i32
    %dma_wait3A_618 = arith.constant 0 : i32
    %dma_wait3A_619 = tpu.memref_slice %arg10[%dma_wait3A_616, %dma_wait3A_617, %dma_wait3A_618] : memref<32x128x16xf32, #tpu.memory_space<vmem>> -> memref<1x128x16xf32, #tpu.memory_space<vmem>>
    %dma_wait3A_620 = tpu.memref_squeeze %dma_wait3A_619 : memref<1x128x16xf32, #tpu.memory_space<vmem>> -> memref<128x16xf32, #tpu.memory_space<vmem>>
    %dma_wait3A_621 = arith.constant 0 : i32
    %dma_wait3A_622 = tpu.memref_slice %arg8[%dma_wait3A_615, %dma_wait3A_621] : memref<32x128xi32, #tpu.memory_space<vmem>> -> memref<1x128xi32, #tpu.memory_space<vmem>>
    %dma_wait3A_623 = tpu.memref_squeeze %dma_wait3A_622 : memref<1x128xi32, #tpu.memory_space<vmem>> -> memref<128xi32, #tpu.memory_space<vmem>>
    %dma_wait3A_624 = arith.constant 0 : i32
    %dma_wait3A_625 = arith.constant 0 : i32
    %dma_wait3A_626 = tpu.memref_slice %arg4[%dma_wait3A_624, %dma_wait3A_625] : memref<1000000x16xf32, #tpu.memory_space<hbm>> -> memref<1000000x16xf32, #tpu.memory_space<hbm>>
    tpu.wait_indirect_dma semaphore(%arg11 : memref<!tpu.dma_semaphore, #tpu.memory_space<semaphore_mem>>) src(%dma_wait3A_626 : memref<1000000x16xf32, #tpu.memory_space<hbm>>) dst(%dma_wait3A_620 : memref<128x16xf32, #tpu.memory_space<vmem>>)
    %dma_wait3A_627 = arith.constant 20 : i32
    %dma_wait3A_628 = arith.constant 20 : i32
    %dma_wait3A_629 = arith.constant 0 : i32
    %dma_wait3A_630 = arith.constant 0 : i32
    %dma_wait3A_631 = tpu.memref_slice %arg10[%dma_wait3A_628, %dma_wait3A_629, %dma_wait3A_630] : memref<32x128x16xf32, #tpu.memory_space<vmem>> -> memref<1x128x16xf32, #tpu.memory_space<vmem>>
    %dma_wait3A_632 = tpu.memref_squeeze %dma_wait3A_631 : memref<1x128x16xf32, #tpu.memory_space<vmem>> -> memref<128x16xf32, #tpu.memory_space<vmem>>
    %dma_wait3A_633 = arith.constant 0 : i32
    %dma_wait3A_634 = tpu.memref_slice %arg8[%dma_wait3A_627, %dma_wait3A_633] : memref<32x128xi32, #tpu.memory_space<vmem>> -> memref<1x128xi32, #tpu.memory_space<vmem>>
    %dma_wait3A_635 = tpu.memref_squeeze %dma_wait3A_634 : memref<1x128xi32, #tpu.memory_space<vmem>> -> memref<128xi32, #tpu.memory_space<vmem>>
    %dma_wait3A_636 = arith.constant 0 : i32
    %dma_wait3A_637 = arith.constant 0 : i32
    %dma_wait3A_638 = tpu.memref_slice %arg4[%dma_wait3A_636, %dma_wait3A_637] : memref<1000000x16xf32, #tpu.memory_space<hbm>> -> memref<1000000x16xf32, #tpu.memory_space<hbm>>
    tpu.wait_indirect_dma semaphore(%arg11 : memref<!tpu.dma_semaphore, #tpu.memory_space<semaphore_mem>>) src(%dma_wait3A_638 : memref<1000000x16xf32, #tpu.memory_space<hbm>>) dst(%dma_wait3A_632 : memref<128x16xf32, #tpu.memory_space<vmem>>)
    %dma_wait3A_639 = arith.constant 21 : i32
    %dma_wait3A_640 = arith.constant 21 : i32
    %dma_wait3A_641 = arith.constant 0 : i32
    %dma_wait3A_642 = arith.constant 0 : i32
    %dma_wait3A_643 = tpu.memref_slice %arg10[%dma_wait3A_640, %dma_wait3A_641, %dma_wait3A_642] : memref<32x128x16xf32, #tpu.memory_space<vmem>> -> memref<1x128x16xf32, #tpu.memory_space<vmem>>
    %dma_wait3A_644 = tpu.memref_squeeze %dma_wait3A_643 : memref<1x128x16xf32, #tpu.memory_space<vmem>> -> memref<128x16xf32, #tpu.memory_space<vmem>>
    %dma_wait3A_645 = arith.constant 0 : i32
    %dma_wait3A_646 = tpu.memref_slice %arg8[%dma_wait3A_639, %dma_wait3A_645] : memref<32x128xi32, #tpu.memory_space<vmem>> -> memref<1x128xi32, #tpu.memory_space<vmem>>
    %dma_wait3A_647 = tpu.memref_squeeze %dma_wait3A_646 : memref<1x128xi32, #tpu.memory_space<vmem>> -> memref<128xi32, #tpu.memory_space<vmem>>
    %dma_wait3A_648 = arith.constant 0 : i32
    %dma_wait3A_649 = arith.constant 0 : i32
    %dma_wait3A_650 = tpu.memref_slice %arg4[%dma_wait3A_648, %dma_wait3A_649] : memref<1000000x16xf32, #tpu.memory_space<hbm>> -> memref<1000000x16xf32, #tpu.memory_space<hbm>>
    tpu.wait_indirect_dma semaphore(%arg11 : memref<!tpu.dma_semaphore, #tpu.memory_space<semaphore_mem>>) src(%dma_wait3A_650 : memref<1000000x16xf32, #tpu.memory_space<hbm>>) dst(%dma_wait3A_644 : memref<128x16xf32, #tpu.memory_space<vmem>>)
    %dma_wait3A_651 = arith.constant 22 : i32
    %dma_wait3A_652 = arith.constant 22 : i32
    %dma_wait3A_653 = arith.constant 0 : i32
    %dma_wait3A_654 = arith.constant 0 : i32
    %dma_wait3A_655 = tpu.memref_slice %arg10[%dma_wait3A_652, %dma_wait3A_653, %dma_wait3A_654] : memref<32x128x16xf32, #tpu.memory_space<vmem>> -> memref<1x128x16xf32, #tpu.memory_space<vmem>>
    %dma_wait3A_656 = tpu.memref_squeeze %dma_wait3A_655 : memref<1x128x16xf32, #tpu.memory_space<vmem>> -> memref<128x16xf32, #tpu.memory_space<vmem>>
    %dma_wait3A_657 = arith.constant 0 : i32
    %dma_wait3A_658 = tpu.memref_slice %arg8[%dma_wait3A_651, %dma_wait3A_657] : memref<32x128xi32, #tpu.memory_space<vmem>> -> memref<1x128xi32, #tpu.memory_space<vmem>>
    %dma_wait3A_659 = tpu.memref_squeeze %dma_wait3A_658 : memref<1x128xi32, #tpu.memory_space<vmem>> -> memref<128xi32, #tpu.memory_space<vmem>>
    %dma_wait3A_660 = arith.constant 0 : i32
    %dma_wait3A_661 = arith.constant 0 : i32
    %dma_wait3A_662 = tpu.memref_slice %arg4[%dma_wait3A_660, %dma_wait3A_661] : memref<1000000x16xf32, #tpu.memory_space<hbm>> -> memref<1000000x16xf32, #tpu.memory_space<hbm>>
    tpu.wait_indirect_dma semaphore(%arg11 : memref<!tpu.dma_semaphore, #tpu.memory_space<semaphore_mem>>) src(%dma_wait3A_662 : memref<1000000x16xf32, #tpu.memory_space<hbm>>) dst(%dma_wait3A_656 : memref<128x16xf32, #tpu.memory_space<vmem>>)
    %dma_wait3A_663 = arith.constant 23 : i32
    %dma_wait3A_664 = arith.constant 23 : i32
    %dma_wait3A_665 = arith.constant 0 : i32
    %dma_wait3A_666 = arith.constant 0 : i32
    %dma_wait3A_667 = tpu.memref_slice %arg10[%dma_wait3A_664, %dma_wait3A_665, %dma_wait3A_666] : memref<32x128x16xf32, #tpu.memory_space<vmem>> -> memref<1x128x16xf32, #tpu.memory_space<vmem>>
    %dma_wait3A_668 = tpu.memref_squeeze %dma_wait3A_667 : memref<1x128x16xf32, #tpu.memory_space<vmem>> -> memref<128x16xf32, #tpu.memory_space<vmem>>
    %dma_wait3A_669 = arith.constant 0 : i32
    %dma_wait3A_670 = tpu.memref_slice %arg8[%dma_wait3A_663, %dma_wait3A_669] : memref<32x128xi32, #tpu.memory_space<vmem>> -> memref<1x128xi32, #tpu.memory_space<vmem>>
    %dma_wait3A_671 = tpu.memref_squeeze %dma_wait3A_670 : memref<1x128xi32, #tpu.memory_space<vmem>> -> memref<128xi32, #tpu.memory_space<vmem>>
    %dma_wait3A_672 = arith.constant 0 : i32
    %dma_wait3A_673 = arith.constant 0 : i32
    %dma_wait3A_674 = tpu.memref_slice %arg4[%dma_wait3A_672, %dma_wait3A_673] : memref<1000000x16xf32, #tpu.memory_space<hbm>> -> memref<1000000x16xf32, #tpu.memory_space<hbm>>
    tpu.wait_indirect_dma semaphore(%arg11 : memref<!tpu.dma_semaphore, #tpu.memory_space<semaphore_mem>>) src(%dma_wait3A_674 : memref<1000000x16xf32, #tpu.memory_space<hbm>>) dst(%dma_wait3A_668 : memref<128x16xf32, #tpu.memory_space<vmem>>)
    %dma_wait3A_675 = arith.constant 24 : i32
    %dma_wait3A_676 = arith.constant 24 : i32
    %dma_wait3A_677 = arith.constant 0 : i32
    %dma_wait3A_678 = arith.constant 0 : i32
    %dma_wait3A_679 = tpu.memref_slice %arg10[%dma_wait3A_676, %dma_wait3A_677, %dma_wait3A_678] : memref<32x128x16xf32, #tpu.memory_space<vmem>> -> memref<1x128x16xf32, #tpu.memory_space<vmem>>
    %dma_wait3A_680 = tpu.memref_squeeze %dma_wait3A_679 : memref<1x128x16xf32, #tpu.memory_space<vmem>> -> memref<128x16xf32, #tpu.memory_space<vmem>>
    %dma_wait3A_681 = arith.constant 0 : i32
    %dma_wait3A_682 = tpu.memref_slice %arg8[%dma_wait3A_675, %dma_wait3A_681] : memref<32x128xi32, #tpu.memory_space<vmem>> -> memref<1x128xi32, #tpu.memory_space<vmem>>
    %dma_wait3A_683 = tpu.memref_squeeze %dma_wait3A_682 : memref<1x128xi32, #tpu.memory_space<vmem>> -> memref<128xi32, #tpu.memory_space<vmem>>
    %dma_wait3A_684 = arith.constant 0 : i32
    %dma_wait3A_685 = arith.constant 0 : i32
    %dma_wait3A_686 = tpu.memref_slice %arg4[%dma_wait3A_684, %dma_wait3A_685] : memref<1000000x16xf32, #tpu.memory_space<hbm>> -> memref<1000000x16xf32, #tpu.memory_space<hbm>>
    tpu.wait_indirect_dma semaphore(%arg11 : memref<!tpu.dma_semaphore, #tpu.memory_space<semaphore_mem>>) src(%dma_wait3A_686 : memref<1000000x16xf32, #tpu.memory_space<hbm>>) dst(%dma_wait3A_680 : memref<128x16xf32, #tpu.memory_space<vmem>>)
    %dma_wait3A_687 = arith.constant 25 : i32
    %dma_wait3A_688 = arith.constant 25 : i32
    %dma_wait3A_689 = arith.constant 0 : i32
    %dma_wait3A_690 = arith.constant 0 : i32
    %dma_wait3A_691 = tpu.memref_slice %arg10[%dma_wait3A_688, %dma_wait3A_689, %dma_wait3A_690] : memref<32x128x16xf32, #tpu.memory_space<vmem>> -> memref<1x128x16xf32, #tpu.memory_space<vmem>>
    %dma_wait3A_692 = tpu.memref_squeeze %dma_wait3A_691 : memref<1x128x16xf32, #tpu.memory_space<vmem>> -> memref<128x16xf32, #tpu.memory_space<vmem>>
    %dma_wait3A_693 = arith.constant 0 : i32
    %dma_wait3A_694 = tpu.memref_slice %arg8[%dma_wait3A_687, %dma_wait3A_693] : memref<32x128xi32, #tpu.memory_space<vmem>> -> memref<1x128xi32, #tpu.memory_space<vmem>>
    %dma_wait3A_695 = tpu.memref_squeeze %dma_wait3A_694 : memref<1x128xi32, #tpu.memory_space<vmem>> -> memref<128xi32, #tpu.memory_space<vmem>>
    %dma_wait3A_696 = arith.constant 0 : i32
    %dma_wait3A_697 = arith.constant 0 : i32
    %dma_wait3A_698 = tpu.memref_slice %arg4[%dma_wait3A_696, %dma_wait3A_697] : memref<1000000x16xf32, #tpu.memory_space<hbm>> -> memref<1000000x16xf32, #tpu.memory_space<hbm>>
    tpu.wait_indirect_dma semaphore(%arg11 : memref<!tpu.dma_semaphore, #tpu.memory_space<semaphore_mem>>) src(%dma_wait3A_698 : memref<1000000x16xf32, #tpu.memory_space<hbm>>) dst(%dma_wait3A_692 : memref<128x16xf32, #tpu.memory_space<vmem>>)
    %dma_wait3A_699 = arith.constant 26 : i32
    %dma_wait3A_700 = arith.constant 26 : i32
    %dma_wait3A_701 = arith.constant 0 : i32
    %dma_wait3A_702 = arith.constant 0 : i32
    %dma_wait3A_703 = tpu.memref_slice %arg10[%dma_wait3A_700, %dma_wait3A_701, %dma_wait3A_702] : memref<32x128x16xf32, #tpu.memory_space<vmem>> -> memref<1x128x16xf32, #tpu.memory_space<vmem>>
    %dma_wait3A_704 = tpu.memref_squeeze %dma_wait3A_703 : memref<1x128x16xf32, #tpu.memory_space<vmem>> -> memref<128x16xf32, #tpu.memory_space<vmem>>
    %dma_wait3A_705 = arith.constant 0 : i32
    %dma_wait3A_706 = tpu.memref_slice %arg8[%dma_wait3A_699, %dma_wait3A_705] : memref<32x128xi32, #tpu.memory_space<vmem>> -> memref<1x128xi32, #tpu.memory_space<vmem>>
    %dma_wait3A_707 = tpu.memref_squeeze %dma_wait3A_706 : memref<1x128xi32, #tpu.memory_space<vmem>> -> memref<128xi32, #tpu.memory_space<vmem>>
    %dma_wait3A_708 = arith.constant 0 : i32
    %dma_wait3A_709 = arith.constant 0 : i32
    %dma_wait3A_710 = tpu.memref_slice %arg4[%dma_wait3A_708, %dma_wait3A_709] : memref<1000000x16xf32, #tpu.memory_space<hbm>> -> memref<1000000x16xf32, #tpu.memory_space<hbm>>
    tpu.wait_indirect_dma semaphore(%arg11 : memref<!tpu.dma_semaphore, #tpu.memory_space<semaphore_mem>>) src(%dma_wait3A_710 : memref<1000000x16xf32, #tpu.memory_space<hbm>>) dst(%dma_wait3A_704 : memref<128x16xf32, #tpu.memory_space<vmem>>)
    %dma_wait3A_711 = arith.constant 27 : i32
    %dma_wait3A_712 = arith.constant 27 : i32
    %dma_wait3A_713 = arith.constant 0 : i32
    %dma_wait3A_714 = arith.constant 0 : i32
    %dma_wait3A_715 = tpu.memref_slice %arg10[%dma_wait3A_712, %dma_wait3A_713, %dma_wait3A_714] : memref<32x128x16xf32, #tpu.memory_space<vmem>> -> memref<1x128x16xf32, #tpu.memory_space<vmem>>
    %dma_wait3A_716 = tpu.memref_squeeze %dma_wait3A_715 : memref<1x128x16xf32, #tpu.memory_space<vmem>> -> memref<128x16xf32, #tpu.memory_space<vmem>>
    %dma_wait3A_717 = arith.constant 0 : i32
    %dma_wait3A_718 = tpu.memref_slice %arg8[%dma_wait3A_711, %dma_wait3A_717] : memref<32x128xi32, #tpu.memory_space<vmem>> -> memref<1x128xi32, #tpu.memory_space<vmem>>
    %dma_wait3A_719 = tpu.memref_squeeze %dma_wait3A_718 : memref<1x128xi32, #tpu.memory_space<vmem>> -> memref<128xi32, #tpu.memory_space<vmem>>
    %dma_wait3A_720 = arith.constant 0 : i32
    %dma_wait3A_721 = arith.constant 0 : i32
    %dma_wait3A_722 = tpu.memref_slice %arg4[%dma_wait3A_720, %dma_wait3A_721] : memref<1000000x16xf32, #tpu.memory_space<hbm>> -> memref<1000000x16xf32, #tpu.memory_space<hbm>>
    tpu.wait_indirect_dma semaphore(%arg11 : memref<!tpu.dma_semaphore, #tpu.memory_space<semaphore_mem>>) src(%dma_wait3A_722 : memref<1000000x16xf32, #tpu.memory_space<hbm>>) dst(%dma_wait3A_716 : memref<128x16xf32, #tpu.memory_space<vmem>>)
    %dma_wait3A_723 = arith.constant 28 : i32
    %dma_wait3A_724 = arith.constant 28 : i32
    %dma_wait3A_725 = arith.constant 0 : i32
    %dma_wait3A_726 = arith.constant 0 : i32
    %dma_wait3A_727 = tpu.memref_slice %arg10[%dma_wait3A_724, %dma_wait3A_725, %dma_wait3A_726] : memref<32x128x16xf32, #tpu.memory_space<vmem>> -> memref<1x128x16xf32, #tpu.memory_space<vmem>>
    %dma_wait3A_728 = tpu.memref_squeeze %dma_wait3A_727 : memref<1x128x16xf32, #tpu.memory_space<vmem>> -> memref<128x16xf32, #tpu.memory_space<vmem>>
    %dma_wait3A_729 = arith.constant 0 : i32
    %dma_wait3A_730 = tpu.memref_slice %arg8[%dma_wait3A_723, %dma_wait3A_729] : memref<32x128xi32, #tpu.memory_space<vmem>> -> memref<1x128xi32, #tpu.memory_space<vmem>>
    %dma_wait3A_731 = tpu.memref_squeeze %dma_wait3A_730 : memref<1x128xi32, #tpu.memory_space<vmem>> -> memref<128xi32, #tpu.memory_space<vmem>>
    %dma_wait3A_732 = arith.constant 0 : i32
    %dma_wait3A_733 = arith.constant 0 : i32
    %dma_wait3A_734 = tpu.memref_slice %arg4[%dma_wait3A_732, %dma_wait3A_733] : memref<1000000x16xf32, #tpu.memory_space<hbm>> -> memref<1000000x16xf32, #tpu.memory_space<hbm>>
    tpu.wait_indirect_dma semaphore(%arg11 : memref<!tpu.dma_semaphore, #tpu.memory_space<semaphore_mem>>) src(%dma_wait3A_734 : memref<1000000x16xf32, #tpu.memory_space<hbm>>) dst(%dma_wait3A_728 : memref<128x16xf32, #tpu.memory_space<vmem>>)
    %dma_wait3A_735 = arith.constant 29 : i32
    %dma_wait3A_736 = arith.constant 29 : i32
    %dma_wait3A_737 = arith.constant 0 : i32
    %dma_wait3A_738 = arith.constant 0 : i32
    %dma_wait3A_739 = tpu.memref_slice %arg10[%dma_wait3A_736, %dma_wait3A_737, %dma_wait3A_738] : memref<32x128x16xf32, #tpu.memory_space<vmem>> -> memref<1x128x16xf32, #tpu.memory_space<vmem>>
    %dma_wait3A_740 = tpu.memref_squeeze %dma_wait3A_739 : memref<1x128x16xf32, #tpu.memory_space<vmem>> -> memref<128x16xf32, #tpu.memory_space<vmem>>
    %dma_wait3A_741 = arith.constant 0 : i32
    %dma_wait3A_742 = tpu.memref_slice %arg8[%dma_wait3A_735, %dma_wait3A_741] : memref<32x128xi32, #tpu.memory_space<vmem>> -> memref<1x128xi32, #tpu.memory_space<vmem>>
    %dma_wait3A_743 = tpu.memref_squeeze %dma_wait3A_742 : memref<1x128xi32, #tpu.memory_space<vmem>> -> memref<128xi32, #tpu.memory_space<vmem>>
    %dma_wait3A_744 = arith.constant 0 : i32
    %dma_wait3A_745 = arith.constant 0 : i32
    %dma_wait3A_746 = tpu.memref_slice %arg4[%dma_wait3A_744, %dma_wait3A_745] : memref<1000000x16xf32, #tpu.memory_space<hbm>> -> memref<1000000x16xf32, #tpu.memory_space<hbm>>
    tpu.wait_indirect_dma semaphore(%arg11 : memref<!tpu.dma_semaphore, #tpu.memory_space<semaphore_mem>>) src(%dma_wait3A_746 : memref<1000000x16xf32, #tpu.memory_space<hbm>>) dst(%dma_wait3A_740 : memref<128x16xf32, #tpu.memory_space<vmem>>)
    %dma_wait3A_747 = arith.constant 30 : i32
    %dma_wait3A_748 = arith.constant 30 : i32
    %dma_wait3A_749 = arith.constant 0 : i32
    %dma_wait3A_750 = arith.constant 0 : i32
    %dma_wait3A_751 = tpu.memref_slice %arg10[%dma_wait3A_748, %dma_wait3A_749, %dma_wait3A_750] : memref<32x128x16xf32, #tpu.memory_space<vmem>> -> memref<1x128x16xf32, #tpu.memory_space<vmem>>
    %dma_wait3A_752 = tpu.memref_squeeze %dma_wait3A_751 : memref<1x128x16xf32, #tpu.memory_space<vmem>> -> memref<128x16xf32, #tpu.memory_space<vmem>>
    %dma_wait3A_753 = arith.constant 0 : i32
    %dma_wait3A_754 = tpu.memref_slice %arg8[%dma_wait3A_747, %dma_wait3A_753] : memref<32x128xi32, #tpu.memory_space<vmem>> -> memref<1x128xi32, #tpu.memory_space<vmem>>
    %dma_wait3A_755 = tpu.memref_squeeze %dma_wait3A_754 : memref<1x128xi32, #tpu.memory_space<vmem>> -> memref<128xi32, #tpu.memory_space<vmem>>
    %dma_wait3A_756 = arith.constant 0 : i32
    %dma_wait3A_757 = arith.constant 0 : i32
    %dma_wait3A_758 = tpu.memref_slice %arg4[%dma_wait3A_756, %dma_wait3A_757] : memref<1000000x16xf32, #tpu.memory_space<hbm>> -> memref<1000000x16xf32, #tpu.memory_space<hbm>>
    tpu.wait_indirect_dma semaphore(%arg11 : memref<!tpu.dma_semaphore, #tpu.memory_space<semaphore_mem>>) src(%dma_wait3A_758 : memref<1000000x16xf32, #tpu.memory_space<hbm>>) dst(%dma_wait3A_752 : memref<128x16xf32, #tpu.memory_space<vmem>>)
    %dma_wait3A_759 = arith.constant 31 : i32
    %dma_wait3A_760 = arith.constant 31 : i32
    %dma_wait3A_761 = arith.constant 0 : i32
    %dma_wait3A_762 = arith.constant 0 : i32
    %dma_wait3A_763 = tpu.memref_slice %arg10[%dma_wait3A_760, %dma_wait3A_761, %dma_wait3A_762] : memref<32x128x16xf32, #tpu.memory_space<vmem>> -> memref<1x128x16xf32, #tpu.memory_space<vmem>>
    %dma_wait3A_764 = tpu.memref_squeeze %dma_wait3A_763 : memref<1x128x16xf32, #tpu.memory_space<vmem>> -> memref<128x16xf32, #tpu.memory_space<vmem>>
    %dma_wait3A_765 = arith.constant 0 : i32
    %dma_wait3A_766 = tpu.memref_slice %arg8[%dma_wait3A_759, %dma_wait3A_765] : memref<32x128xi32, #tpu.memory_space<vmem>> -> memref<1x128xi32, #tpu.memory_space<vmem>>
    %dma_wait3A_767 = tpu.memref_squeeze %dma_wait3A_766 : memref<1x128xi32, #tpu.memory_space<vmem>> -> memref<128xi32, #tpu.memory_space<vmem>>
    %dma_wait3A_768 = arith.constant 0 : i32
    %dma_wait3A_769 = arith.constant 0 : i32
    %dma_wait3A_770 = tpu.memref_slice %arg4[%dma_wait3A_768, %dma_wait3A_769] : memref<1000000x16xf32, #tpu.memory_space<hbm>> -> memref<1000000x16xf32, #tpu.memory_space<hbm>>
    tpu.wait_indirect_dma semaphore(%arg11 : memref<!tpu.dma_semaphore, #tpu.memory_space<semaphore_mem>>) src(%dma_wait3A_770 : memref<1000000x16xf32, #tpu.memory_space<hbm>>) dst(%dma_wait3A_764 : memref<128x16xf32, #tpu.memory_space<vmem>>)
    %mul3A_771 = arith.constant 32 : i32
    %mul3A_772 = arith.muli %add3A, %mul3A_771 : i32
    "tpu.region"() ({
      %run_scoped3A = tpu.sem_alloc : memref<!tpu.dma_semaphore, #tpu.memory_space<semaphore_mem>>
      %dma_start3A_1543 = arith.constant 0 : i32
      %dma_start3A_1544 = arith.constant 0 : i32
      %dma_start3A_1545 = tpu.memref_slice %arg6[%mul3A_772, %dma_start3A_1543, %dma_start3A_1544] : memref<1024x128x16xf32, #tpu.memory_space<hbm>> -> memref<32x128x16xf32, #tpu.memory_space<hbm>>
      %dma_start3A_1546 = arith.constant 0 : i32
      %dma_start3A_1547 = arith.constant 0 : i32
      %dma_start3A_1548 = tpu.memref_slice %arg6[%mul3A_772, %dma_start3A_1546, %dma_start3A_1547] : memref<1024x128x16xf32, #tpu.memory_space<hbm>> -> memref<32x128x16xf32, #tpu.memory_space<hbm>>
      tpu.enqueue_dma source(%arg10 : memref<32x128x16xf32, #tpu.memory_space<vmem>>) target(%dma_start3A_1548 : memref<32x128x16xf32, #tpu.memory_space<hbm>>) target_semaphore(%run_scoped3A : memref<!tpu.dma_semaphore, #tpu.memory_space<semaphore_mem>>)
      %dma_wait3A_1549 = arith.constant 0 : i32
      %dma_wait3A_1550 = arith.constant 0 : i32
      %dma_wait3A_1551 = tpu.memref_slice %arg6[%mul3A_772, %dma_wait3A_1549, %dma_wait3A_1550] : memref<1024x128x16xf32, #tpu.memory_space<hbm>> -> memref<32x128x16xf32, #tpu.memory_space<hbm>>
      %dma_wait3A_1552 = arith.constant 0 : i32
      %dma_wait3A_1553 = arith.constant 0 : i32
      %dma_wait3A_1554 = tpu.memref_slice %arg6[%mul3A_772, %dma_wait3A_1552, %dma_wait3A_1553] : memref<1024x128x16xf32, #tpu.memory_space<hbm>> -> memref<32x128x16xf32, #tpu.memory_space<hbm>>
      tpu.wait_dma2 semaphore(%run_scoped3A : memref<!tpu.dma_semaphore, #tpu.memory_space<semaphore_mem>>) src(%arg10 : memref<32x128x16xf32, #tpu.memory_space<vmem>>) dst(%dma_wait3A_1554 : memref<32x128x16xf32, #tpu.memory_space<hbm>>)
      tpu.yield
    }) : () -> ()
    %dma_start3A_773 = arith.constant 0 : i32
    %dma_start3A_774 = arith.constant 0 : i32
    %dma_start3A_775 = arith.constant 0 : i32
    %dma_start3A_776 = arith.constant 0 : i32
    %dma_start3A_777 = tpu.memref_slice %arg10[%dma_start3A_774, %dma_start3A_775, %dma_start3A_776] : memref<32x128x16xf32, #tpu.memory_space<vmem>> -> memref<1x128x16xf32, #tpu.memory_space<vmem>>
    %dma_start3A_778 = tpu.memref_squeeze %dma_start3A_777 : memref<1x128x16xf32, #tpu.memory_space<vmem>> -> memref<128x16xf32, #tpu.memory_space<vmem>>
    %dma_start3A_779 = arith.constant 0 : i32
    %dma_start3A_780 = tpu.memref_slice %arg9[%dma_start3A_773, %dma_start3A_779] : memref<32x128xi32, #tpu.memory_space<vmem>> -> memref<1x128xi32, #tpu.memory_space<vmem>>
    %dma_start3A_781 = tpu.memref_squeeze %dma_start3A_780 : memref<1x128xi32, #tpu.memory_space<vmem>> -> memref<128xi32, #tpu.memory_space<vmem>>
    %dma_start3A_782 = arith.constant 0 : i32
    %dma_start3A_783 = arith.constant 0 : i32
    %dma_start3A_784 = tpu.memref_slice %arg5[%dma_start3A_782, %dma_start3A_783] : memref<1000000x16xf32, #tpu.memory_space<hbm>> -> memref<1000000x16xf32, #tpu.memory_space<hbm>>
    tpu.enqueue_indirect_dma source(%dma_start3A_784 : memref<1000000x16xf32, #tpu.memory_space<hbm>>) target(%dma_start3A_778 : memref<128x16xf32, #tpu.memory_space<vmem>>) offsets(%dma_start3A_781 : memref<128xi32, #tpu.memory_space<vmem>>) semaphore(%arg11 : memref<!tpu.dma_semaphore, #tpu.memory_space<semaphore_mem>>)
    %dma_start3A_785 = arith.constant 1 : i32
    %dma_start3A_786 = arith.constant 1 : i32
    %dma_start3A_787 = arith.constant 0 : i32
    %dma_start3A_788 = arith.constant 0 : i32
    %dma_start3A_789 = tpu.memref_slice %arg10[%dma_start3A_786, %dma_start3A_787, %dma_start3A_788] : memref<32x128x16xf32, #tpu.memory_space<vmem>> -> memref<1x128x16xf32, #tpu.memory_space<vmem>>
    %dma_start3A_790 = tpu.memref_squeeze %dma_start3A_789 : memref<1x128x16xf32, #tpu.memory_space<vmem>> -> memref<128x16xf32, #tpu.memory_space<vmem>>
    %dma_start3A_791 = arith.constant 0 : i32
    %dma_start3A_792 = tpu.memref_slice %arg9[%dma_start3A_785, %dma_start3A_791] : memref<32x128xi32, #tpu.memory_space<vmem>> -> memref<1x128xi32, #tpu.memory_space<vmem>>
    %dma_start3A_793 = tpu.memref_squeeze %dma_start3A_792 : memref<1x128xi32, #tpu.memory_space<vmem>> -> memref<128xi32, #tpu.memory_space<vmem>>
    %dma_start3A_794 = arith.constant 0 : i32
    %dma_start3A_795 = arith.constant 0 : i32
    %dma_start3A_796 = tpu.memref_slice %arg5[%dma_start3A_794, %dma_start3A_795] : memref<1000000x16xf32, #tpu.memory_space<hbm>> -> memref<1000000x16xf32, #tpu.memory_space<hbm>>
    tpu.enqueue_indirect_dma source(%dma_start3A_796 : memref<1000000x16xf32, #tpu.memory_space<hbm>>) target(%dma_start3A_790 : memref<128x16xf32, #tpu.memory_space<vmem>>) offsets(%dma_start3A_793 : memref<128xi32, #tpu.memory_space<vmem>>) semaphore(%arg11 : memref<!tpu.dma_semaphore, #tpu.memory_space<semaphore_mem>>)
    %dma_start3A_797 = arith.constant 2 : i32
    %dma_start3A_798 = arith.constant 2 : i32
    %dma_start3A_799 = arith.constant 0 : i32
    %dma_start3A_800 = arith.constant 0 : i32
    %dma_start3A_801 = tpu.memref_slice %arg10[%dma_start3A_798, %dma_start3A_799, %dma_start3A_800] : memref<32x128x16xf32, #tpu.memory_space<vmem>> -> memref<1x128x16xf32, #tpu.memory_space<vmem>>
    %dma_start3A_802 = tpu.memref_squeeze %dma_start3A_801 : memref<1x128x16xf32, #tpu.memory_space<vmem>> -> memref<128x16xf32, #tpu.memory_space<vmem>>
    %dma_start3A_803 = arith.constant 0 : i32
    %dma_start3A_804 = tpu.memref_slice %arg9[%dma_start3A_797, %dma_start3A_803] : memref<32x128xi32, #tpu.memory_space<vmem>> -> memref<1x128xi32, #tpu.memory_space<vmem>>
    %dma_start3A_805 = tpu.memref_squeeze %dma_start3A_804 : memref<1x128xi32, #tpu.memory_space<vmem>> -> memref<128xi32, #tpu.memory_space<vmem>>
    %dma_start3A_806 = arith.constant 0 : i32
    %dma_start3A_807 = arith.constant 0 : i32
    %dma_start3A_808 = tpu.memref_slice %arg5[%dma_start3A_806, %dma_start3A_807] : memref<1000000x16xf32, #tpu.memory_space<hbm>> -> memref<1000000x16xf32, #tpu.memory_space<hbm>>
    tpu.enqueue_indirect_dma source(%dma_start3A_808 : memref<1000000x16xf32, #tpu.memory_space<hbm>>) target(%dma_start3A_802 : memref<128x16xf32, #tpu.memory_space<vmem>>) offsets(%dma_start3A_805 : memref<128xi32, #tpu.memory_space<vmem>>) semaphore(%arg11 : memref<!tpu.dma_semaphore, #tpu.memory_space<semaphore_mem>>)
    %dma_start3A_809 = arith.constant 3 : i32
    %dma_start3A_810 = arith.constant 3 : i32
    %dma_start3A_811 = arith.constant 0 : i32
    %dma_start3A_812 = arith.constant 0 : i32
    %dma_start3A_813 = tpu.memref_slice %arg10[%dma_start3A_810, %dma_start3A_811, %dma_start3A_812] : memref<32x128x16xf32, #tpu.memory_space<vmem>> -> memref<1x128x16xf32, #tpu.memory_space<vmem>>
    %dma_start3A_814 = tpu.memref_squeeze %dma_start3A_813 : memref<1x128x16xf32, #tpu.memory_space<vmem>> -> memref<128x16xf32, #tpu.memory_space<vmem>>
    %dma_start3A_815 = arith.constant 0 : i32
    %dma_start3A_816 = tpu.memref_slice %arg9[%dma_start3A_809, %dma_start3A_815] : memref<32x128xi32, #tpu.memory_space<vmem>> -> memref<1x128xi32, #tpu.memory_space<vmem>>
    %dma_start3A_817 = tpu.memref_squeeze %dma_start3A_816 : memref<1x128xi32, #tpu.memory_space<vmem>> -> memref<128xi32, #tpu.memory_space<vmem>>
    %dma_start3A_818 = arith.constant 0 : i32
    %dma_start3A_819 = arith.constant 0 : i32
    %dma_start3A_820 = tpu.memref_slice %arg5[%dma_start3A_818, %dma_start3A_819] : memref<1000000x16xf32, #tpu.memory_space<hbm>> -> memref<1000000x16xf32, #tpu.memory_space<hbm>>
    tpu.enqueue_indirect_dma source(%dma_start3A_820 : memref<1000000x16xf32, #tpu.memory_space<hbm>>) target(%dma_start3A_814 : memref<128x16xf32, #tpu.memory_space<vmem>>) offsets(%dma_start3A_817 : memref<128xi32, #tpu.memory_space<vmem>>) semaphore(%arg11 : memref<!tpu.dma_semaphore, #tpu.memory_space<semaphore_mem>>)
    %dma_start3A_821 = arith.constant 4 : i32
    %dma_start3A_822 = arith.constant 4 : i32
    %dma_start3A_823 = arith.constant 0 : i32
    %dma_start3A_824 = arith.constant 0 : i32
    %dma_start3A_825 = tpu.memref_slice %arg10[%dma_start3A_822, %dma_start3A_823, %dma_start3A_824] : memref<32x128x16xf32, #tpu.memory_space<vmem>> -> memref<1x128x16xf32, #tpu.memory_space<vmem>>
    %dma_start3A_826 = tpu.memref_squeeze %dma_start3A_825 : memref<1x128x16xf32, #tpu.memory_space<vmem>> -> memref<128x16xf32, #tpu.memory_space<vmem>>
    %dma_start3A_827 = arith.constant 0 : i32
    %dma_start3A_828 = tpu.memref_slice %arg9[%dma_start3A_821, %dma_start3A_827] : memref<32x128xi32, #tpu.memory_space<vmem>> -> memref<1x128xi32, #tpu.memory_space<vmem>>
    %dma_start3A_829 = tpu.memref_squeeze %dma_start3A_828 : memref<1x128xi32, #tpu.memory_space<vmem>> -> memref<128xi32, #tpu.memory_space<vmem>>
    %dma_start3A_830 = arith.constant 0 : i32
    %dma_start3A_831 = arith.constant 0 : i32
    %dma_start3A_832 = tpu.memref_slice %arg5[%dma_start3A_830, %dma_start3A_831] : memref<1000000x16xf32, #tpu.memory_space<hbm>> -> memref<1000000x16xf32, #tpu.memory_space<hbm>>
    tpu.enqueue_indirect_dma source(%dma_start3A_832 : memref<1000000x16xf32, #tpu.memory_space<hbm>>) target(%dma_start3A_826 : memref<128x16xf32, #tpu.memory_space<vmem>>) offsets(%dma_start3A_829 : memref<128xi32, #tpu.memory_space<vmem>>) semaphore(%arg11 : memref<!tpu.dma_semaphore, #tpu.memory_space<semaphore_mem>>)
    %dma_start3A_833 = arith.constant 5 : i32
    %dma_start3A_834 = arith.constant 5 : i32
    %dma_start3A_835 = arith.constant 0 : i32
    %dma_start3A_836 = arith.constant 0 : i32
    %dma_start3A_837 = tpu.memref_slice %arg10[%dma_start3A_834, %dma_start3A_835, %dma_start3A_836] : memref<32x128x16xf32, #tpu.memory_space<vmem>> -> memref<1x128x16xf32, #tpu.memory_space<vmem>>
    %dma_start3A_838 = tpu.memref_squeeze %dma_start3A_837 : memref<1x128x16xf32, #tpu.memory_space<vmem>> -> memref<128x16xf32, #tpu.memory_space<vmem>>
    %dma_start3A_839 = arith.constant 0 : i32
    %dma_start3A_840 = tpu.memref_slice %arg9[%dma_start3A_833, %dma_start3A_839] : memref<32x128xi32, #tpu.memory_space<vmem>> -> memref<1x128xi32, #tpu.memory_space<vmem>>
    %dma_start3A_841 = tpu.memref_squeeze %dma_start3A_840 : memref<1x128xi32, #tpu.memory_space<vmem>> -> memref<128xi32, #tpu.memory_space<vmem>>
    %dma_start3A_842 = arith.constant 0 : i32
    %dma_start3A_843 = arith.constant 0 : i32
    %dma_start3A_844 = tpu.memref_slice %arg5[%dma_start3A_842, %dma_start3A_843] : memref<1000000x16xf32, #tpu.memory_space<hbm>> -> memref<1000000x16xf32, #tpu.memory_space<hbm>>
    tpu.enqueue_indirect_dma source(%dma_start3A_844 : memref<1000000x16xf32, #tpu.memory_space<hbm>>) target(%dma_start3A_838 : memref<128x16xf32, #tpu.memory_space<vmem>>) offsets(%dma_start3A_841 : memref<128xi32, #tpu.memory_space<vmem>>) semaphore(%arg11 : memref<!tpu.dma_semaphore, #tpu.memory_space<semaphore_mem>>)
    %dma_start3A_845 = arith.constant 6 : i32
    %dma_start3A_846 = arith.constant 6 : i32
    %dma_start3A_847 = arith.constant 0 : i32
    %dma_start3A_848 = arith.constant 0 : i32
    %dma_start3A_849 = tpu.memref_slice %arg10[%dma_start3A_846, %dma_start3A_847, %dma_start3A_848] : memref<32x128x16xf32, #tpu.memory_space<vmem>> -> memref<1x128x16xf32, #tpu.memory_space<vmem>>
    %dma_start3A_850 = tpu.memref_squeeze %dma_start3A_849 : memref<1x128x16xf32, #tpu.memory_space<vmem>> -> memref<128x16xf32, #tpu.memory_space<vmem>>
    %dma_start3A_851 = arith.constant 0 : i32
    %dma_start3A_852 = tpu.memref_slice %arg9[%dma_start3A_845, %dma_start3A_851] : memref<32x128xi32, #tpu.memory_space<vmem>> -> memref<1x128xi32, #tpu.memory_space<vmem>>
    %dma_start3A_853 = tpu.memref_squeeze %dma_start3A_852 : memref<1x128xi32, #tpu.memory_space<vmem>> -> memref<128xi32, #tpu.memory_space<vmem>>
    %dma_start3A_854 = arith.constant 0 : i32
    %dma_start3A_855 = arith.constant 0 : i32
    %dma_start3A_856 = tpu.memref_slice %arg5[%dma_start3A_854, %dma_start3A_855] : memref<1000000x16xf32, #tpu.memory_space<hbm>> -> memref<1000000x16xf32, #tpu.memory_space<hbm>>
    tpu.enqueue_indirect_dma source(%dma_start3A_856 : memref<1000000x16xf32, #tpu.memory_space<hbm>>) target(%dma_start3A_850 : memref<128x16xf32, #tpu.memory_space<vmem>>) offsets(%dma_start3A_853 : memref<128xi32, #tpu.memory_space<vmem>>) semaphore(%arg11 : memref<!tpu.dma_semaphore, #tpu.memory_space<semaphore_mem>>)
    %dma_start3A_857 = arith.constant 7 : i32
    %dma_start3A_858 = arith.constant 7 : i32
    %dma_start3A_859 = arith.constant 0 : i32
    %dma_start3A_860 = arith.constant 0 : i32
    %dma_start3A_861 = tpu.memref_slice %arg10[%dma_start3A_858, %dma_start3A_859, %dma_start3A_860] : memref<32x128x16xf32, #tpu.memory_space<vmem>> -> memref<1x128x16xf32, #tpu.memory_space<vmem>>
    %dma_start3A_862 = tpu.memref_squeeze %dma_start3A_861 : memref<1x128x16xf32, #tpu.memory_space<vmem>> -> memref<128x16xf32, #tpu.memory_space<vmem>>
    %dma_start3A_863 = arith.constant 0 : i32
    %dma_start3A_864 = tpu.memref_slice %arg9[%dma_start3A_857, %dma_start3A_863] : memref<32x128xi32, #tpu.memory_space<vmem>> -> memref<1x128xi32, #tpu.memory_space<vmem>>
    %dma_start3A_865 = tpu.memref_squeeze %dma_start3A_864 : memref<1x128xi32, #tpu.memory_space<vmem>> -> memref<128xi32, #tpu.memory_space<vmem>>
    %dma_start3A_866 = arith.constant 0 : i32
    %dma_start3A_867 = arith.constant 0 : i32
    %dma_start3A_868 = tpu.memref_slice %arg5[%dma_start3A_866, %dma_start3A_867] : memref<1000000x16xf32, #tpu.memory_space<hbm>> -> memref<1000000x16xf32, #tpu.memory_space<hbm>>
    tpu.enqueue_indirect_dma source(%dma_start3A_868 : memref<1000000x16xf32, #tpu.memory_space<hbm>>) target(%dma_start3A_862 : memref<128x16xf32, #tpu.memory_space<vmem>>) offsets(%dma_start3A_865 : memref<128xi32, #tpu.memory_space<vmem>>) semaphore(%arg11 : memref<!tpu.dma_semaphore, #tpu.memory_space<semaphore_mem>>)
    %dma_start3A_869 = arith.constant 8 : i32
    %dma_start3A_870 = arith.constant 8 : i32
    %dma_start3A_871 = arith.constant 0 : i32
    %dma_start3A_872 = arith.constant 0 : i32
    %dma_start3A_873 = tpu.memref_slice %arg10[%dma_start3A_870, %dma_start3A_871, %dma_start3A_872] : memref<32x128x16xf32, #tpu.memory_space<vmem>> -> memref<1x128x16xf32, #tpu.memory_space<vmem>>
    %dma_start3A_874 = tpu.memref_squeeze %dma_start3A_873 : memref<1x128x16xf32, #tpu.memory_space<vmem>> -> memref<128x16xf32, #tpu.memory_space<vmem>>
    %dma_start3A_875 = arith.constant 0 : i32
    %dma_start3A_876 = tpu.memref_slice %arg9[%dma_start3A_869, %dma_start3A_875] : memref<32x128xi32, #tpu.memory_space<vmem>> -> memref<1x128xi32, #tpu.memory_space<vmem>>
    %dma_start3A_877 = tpu.memref_squeeze %dma_start3A_876 : memref<1x128xi32, #tpu.memory_space<vmem>> -> memref<128xi32, #tpu.memory_space<vmem>>
    %dma_start3A_878 = arith.constant 0 : i32
    %dma_start3A_879 = arith.constant 0 : i32
    %dma_start3A_880 = tpu.memref_slice %arg5[%dma_start3A_878, %dma_start3A_879] : memref<1000000x16xf32, #tpu.memory_space<hbm>> -> memref<1000000x16xf32, #tpu.memory_space<hbm>>
    tpu.enqueue_indirect_dma source(%dma_start3A_880 : memref<1000000x16xf32, #tpu.memory_space<hbm>>) target(%dma_start3A_874 : memref<128x16xf32, #tpu.memory_space<vmem>>) offsets(%dma_start3A_877 : memref<128xi32, #tpu.memory_space<vmem>>) semaphore(%arg11 : memref<!tpu.dma_semaphore, #tpu.memory_space<semaphore_mem>>)
    %dma_start3A_881 = arith.constant 9 : i32
    %dma_start3A_882 = arith.constant 9 : i32
    %dma_start3A_883 = arith.constant 0 : i32
    %dma_start3A_884 = arith.constant 0 : i32
    %dma_start3A_885 = tpu.memref_slice %arg10[%dma_start3A_882, %dma_start3A_883, %dma_start3A_884] : memref<32x128x16xf32, #tpu.memory_space<vmem>> -> memref<1x128x16xf32, #tpu.memory_space<vmem>>
    %dma_start3A_886 = tpu.memref_squeeze %dma_start3A_885 : memref<1x128x16xf32, #tpu.memory_space<vmem>> -> memref<128x16xf32, #tpu.memory_space<vmem>>
    %dma_start3A_887 = arith.constant 0 : i32
    %dma_start3A_888 = tpu.memref_slice %arg9[%dma_start3A_881, %dma_start3A_887] : memref<32x128xi32, #tpu.memory_space<vmem>> -> memref<1x128xi32, #tpu.memory_space<vmem>>
    %dma_start3A_889 = tpu.memref_squeeze %dma_start3A_888 : memref<1x128xi32, #tpu.memory_space<vmem>> -> memref<128xi32, #tpu.memory_space<vmem>>
    %dma_start3A_890 = arith.constant 0 : i32
    %dma_start3A_891 = arith.constant 0 : i32
    %dma_start3A_892 = tpu.memref_slice %arg5[%dma_start3A_890, %dma_start3A_891] : memref<1000000x16xf32, #tpu.memory_space<hbm>> -> memref<1000000x16xf32, #tpu.memory_space<hbm>>
    tpu.enqueue_indirect_dma source(%dma_start3A_892 : memref<1000000x16xf32, #tpu.memory_space<hbm>>) target(%dma_start3A_886 : memref<128x16xf32, #tpu.memory_space<vmem>>) offsets(%dma_start3A_889 : memref<128xi32, #tpu.memory_space<vmem>>) semaphore(%arg11 : memref<!tpu.dma_semaphore, #tpu.memory_space<semaphore_mem>>)
    %dma_start3A_893 = arith.constant 10 : i32
    %dma_start3A_894 = arith.constant 10 : i32
    %dma_start3A_895 = arith.constant 0 : i32
    %dma_start3A_896 = arith.constant 0 : i32
    %dma_start3A_897 = tpu.memref_slice %arg10[%dma_start3A_894, %dma_start3A_895, %dma_start3A_896] : memref<32x128x16xf32, #tpu.memory_space<vmem>> -> memref<1x128x16xf32, #tpu.memory_space<vmem>>
    %dma_start3A_898 = tpu.memref_squeeze %dma_start3A_897 : memref<1x128x16xf32, #tpu.memory_space<vmem>> -> memref<128x16xf32, #tpu.memory_space<vmem>>
    %dma_start3A_899 = arith.constant 0 : i32
    %dma_start3A_900 = tpu.memref_slice %arg9[%dma_start3A_893, %dma_start3A_899] : memref<32x128xi32, #tpu.memory_space<vmem>> -> memref<1x128xi32, #tpu.memory_space<vmem>>
    %dma_start3A_901 = tpu.memref_squeeze %dma_start3A_900 : memref<1x128xi32, #tpu.memory_space<vmem>> -> memref<128xi32, #tpu.memory_space<vmem>>
    %dma_start3A_902 = arith.constant 0 : i32
    %dma_start3A_903 = arith.constant 0 : i32
    %dma_start3A_904 = tpu.memref_slice %arg5[%dma_start3A_902, %dma_start3A_903] : memref<1000000x16xf32, #tpu.memory_space<hbm>> -> memref<1000000x16xf32, #tpu.memory_space<hbm>>
    tpu.enqueue_indirect_dma source(%dma_start3A_904 : memref<1000000x16xf32, #tpu.memory_space<hbm>>) target(%dma_start3A_898 : memref<128x16xf32, #tpu.memory_space<vmem>>) offsets(%dma_start3A_901 : memref<128xi32, #tpu.memory_space<vmem>>) semaphore(%arg11 : memref<!tpu.dma_semaphore, #tpu.memory_space<semaphore_mem>>)
    %dma_start3A_905 = arith.constant 11 : i32
    %dma_start3A_906 = arith.constant 11 : i32
    %dma_start3A_907 = arith.constant 0 : i32
    %dma_start3A_908 = arith.constant 0 : i32
    %dma_start3A_909 = tpu.memref_slice %arg10[%dma_start3A_906, %dma_start3A_907, %dma_start3A_908] : memref<32x128x16xf32, #tpu.memory_space<vmem>> -> memref<1x128x16xf32, #tpu.memory_space<vmem>>
    %dma_start3A_910 = tpu.memref_squeeze %dma_start3A_909 : memref<1x128x16xf32, #tpu.memory_space<vmem>> -> memref<128x16xf32, #tpu.memory_space<vmem>>
    %dma_start3A_911 = arith.constant 0 : i32
    %dma_start3A_912 = tpu.memref_slice %arg9[%dma_start3A_905, %dma_start3A_911] : memref<32x128xi32, #tpu.memory_space<vmem>> -> memref<1x128xi32, #tpu.memory_space<vmem>>
    %dma_start3A_913 = tpu.memref_squeeze %dma_start3A_912 : memref<1x128xi32, #tpu.memory_space<vmem>> -> memref<128xi32, #tpu.memory_space<vmem>>
    %dma_start3A_914 = arith.constant 0 : i32
    %dma_start3A_915 = arith.constant 0 : i32
    %dma_start3A_916 = tpu.memref_slice %arg5[%dma_start3A_914, %dma_start3A_915] : memref<1000000x16xf32, #tpu.memory_space<hbm>> -> memref<1000000x16xf32, #tpu.memory_space<hbm>>
    tpu.enqueue_indirect_dma source(%dma_start3A_916 : memref<1000000x16xf32, #tpu.memory_space<hbm>>) target(%dma_start3A_910 : memref<128x16xf32, #tpu.memory_space<vmem>>) offsets(%dma_start3A_913 : memref<128xi32, #tpu.memory_space<vmem>>) semaphore(%arg11 : memref<!tpu.dma_semaphore, #tpu.memory_space<semaphore_mem>>)
    %dma_start3A_917 = arith.constant 12 : i32
    %dma_start3A_918 = arith.constant 12 : i32
    %dma_start3A_919 = arith.constant 0 : i32
    %dma_start3A_920 = arith.constant 0 : i32
    %dma_start3A_921 = tpu.memref_slice %arg10[%dma_start3A_918, %dma_start3A_919, %dma_start3A_920] : memref<32x128x16xf32, #tpu.memory_space<vmem>> -> memref<1x128x16xf32, #tpu.memory_space<vmem>>
    %dma_start3A_922 = tpu.memref_squeeze %dma_start3A_921 : memref<1x128x16xf32, #tpu.memory_space<vmem>> -> memref<128x16xf32, #tpu.memory_space<vmem>>
    %dma_start3A_923 = arith.constant 0 : i32
    %dma_start3A_924 = tpu.memref_slice %arg9[%dma_start3A_917, %dma_start3A_923] : memref<32x128xi32, #tpu.memory_space<vmem>> -> memref<1x128xi32, #tpu.memory_space<vmem>>
    %dma_start3A_925 = tpu.memref_squeeze %dma_start3A_924 : memref<1x128xi32, #tpu.memory_space<vmem>> -> memref<128xi32, #tpu.memory_space<vmem>>
    %dma_start3A_926 = arith.constant 0 : i32
    %dma_start3A_927 = arith.constant 0 : i32
    %dma_start3A_928 = tpu.memref_slice %arg5[%dma_start3A_926, %dma_start3A_927] : memref<1000000x16xf32, #tpu.memory_space<hbm>> -> memref<1000000x16xf32, #tpu.memory_space<hbm>>
    tpu.enqueue_indirect_dma source(%dma_start3A_928 : memref<1000000x16xf32, #tpu.memory_space<hbm>>) target(%dma_start3A_922 : memref<128x16xf32, #tpu.memory_space<vmem>>) offsets(%dma_start3A_925 : memref<128xi32, #tpu.memory_space<vmem>>) semaphore(%arg11 : memref<!tpu.dma_semaphore, #tpu.memory_space<semaphore_mem>>)
    %dma_start3A_929 = arith.constant 13 : i32
    %dma_start3A_930 = arith.constant 13 : i32
    %dma_start3A_931 = arith.constant 0 : i32
    %dma_start3A_932 = arith.constant 0 : i32
    %dma_start3A_933 = tpu.memref_slice %arg10[%dma_start3A_930, %dma_start3A_931, %dma_start3A_932] : memref<32x128x16xf32, #tpu.memory_space<vmem>> -> memref<1x128x16xf32, #tpu.memory_space<vmem>>
    %dma_start3A_934 = tpu.memref_squeeze %dma_start3A_933 : memref<1x128x16xf32, #tpu.memory_space<vmem>> -> memref<128x16xf32, #tpu.memory_space<vmem>>
    %dma_start3A_935 = arith.constant 0 : i32
    %dma_start3A_936 = tpu.memref_slice %arg9[%dma_start3A_929, %dma_start3A_935] : memref<32x128xi32, #tpu.memory_space<vmem>> -> memref<1x128xi32, #tpu.memory_space<vmem>>
    %dma_start3A_937 = tpu.memref_squeeze %dma_start3A_936 : memref<1x128xi32, #tpu.memory_space<vmem>> -> memref<128xi32, #tpu.memory_space<vmem>>
    %dma_start3A_938 = arith.constant 0 : i32
    %dma_start3A_939 = arith.constant 0 : i32
    %dma_start3A_940 = tpu.memref_slice %arg5[%dma_start3A_938, %dma_start3A_939] : memref<1000000x16xf32, #tpu.memory_space<hbm>> -> memref<1000000x16xf32, #tpu.memory_space<hbm>>
    tpu.enqueue_indirect_dma source(%dma_start3A_940 : memref<1000000x16xf32, #tpu.memory_space<hbm>>) target(%dma_start3A_934 : memref<128x16xf32, #tpu.memory_space<vmem>>) offsets(%dma_start3A_937 : memref<128xi32, #tpu.memory_space<vmem>>) semaphore(%arg11 : memref<!tpu.dma_semaphore, #tpu.memory_space<semaphore_mem>>)
    %dma_start3A_941 = arith.constant 14 : i32
    %dma_start3A_942 = arith.constant 14 : i32
    %dma_start3A_943 = arith.constant 0 : i32
    %dma_start3A_944 = arith.constant 0 : i32
    %dma_start3A_945 = tpu.memref_slice %arg10[%dma_start3A_942, %dma_start3A_943, %dma_start3A_944] : memref<32x128x16xf32, #tpu.memory_space<vmem>> -> memref<1x128x16xf32, #tpu.memory_space<vmem>>
    %dma_start3A_946 = tpu.memref_squeeze %dma_start3A_945 : memref<1x128x16xf32, #tpu.memory_space<vmem>> -> memref<128x16xf32, #tpu.memory_space<vmem>>
    %dma_start3A_947 = arith.constant 0 : i32
    %dma_start3A_948 = tpu.memref_slice %arg9[%dma_start3A_941, %dma_start3A_947] : memref<32x128xi32, #tpu.memory_space<vmem>> -> memref<1x128xi32, #tpu.memory_space<vmem>>
    %dma_start3A_949 = tpu.memref_squeeze %dma_start3A_948 : memref<1x128xi32, #tpu.memory_space<vmem>> -> memref<128xi32, #tpu.memory_space<vmem>>
    %dma_start3A_950 = arith.constant 0 : i32
    %dma_start3A_951 = arith.constant 0 : i32
    %dma_start3A_952 = tpu.memref_slice %arg5[%dma_start3A_950, %dma_start3A_951] : memref<1000000x16xf32, #tpu.memory_space<hbm>> -> memref<1000000x16xf32, #tpu.memory_space<hbm>>
    tpu.enqueue_indirect_dma source(%dma_start3A_952 : memref<1000000x16xf32, #tpu.memory_space<hbm>>) target(%dma_start3A_946 : memref<128x16xf32, #tpu.memory_space<vmem>>) offsets(%dma_start3A_949 : memref<128xi32, #tpu.memory_space<vmem>>) semaphore(%arg11 : memref<!tpu.dma_semaphore, #tpu.memory_space<semaphore_mem>>)
    %dma_start3A_953 = arith.constant 15 : i32
    %dma_start3A_954 = arith.constant 15 : i32
    %dma_start3A_955 = arith.constant 0 : i32
    %dma_start3A_956 = arith.constant 0 : i32
    %dma_start3A_957 = tpu.memref_slice %arg10[%dma_start3A_954, %dma_start3A_955, %dma_start3A_956] : memref<32x128x16xf32, #tpu.memory_space<vmem>> -> memref<1x128x16xf32, #tpu.memory_space<vmem>>
    %dma_start3A_958 = tpu.memref_squeeze %dma_start3A_957 : memref<1x128x16xf32, #tpu.memory_space<vmem>> -> memref<128x16xf32, #tpu.memory_space<vmem>>
    %dma_start3A_959 = arith.constant 0 : i32
    %dma_start3A_960 = tpu.memref_slice %arg9[%dma_start3A_953, %dma_start3A_959] : memref<32x128xi32, #tpu.memory_space<vmem>> -> memref<1x128xi32, #tpu.memory_space<vmem>>
    %dma_start3A_961 = tpu.memref_squeeze %dma_start3A_960 : memref<1x128xi32, #tpu.memory_space<vmem>> -> memref<128xi32, #tpu.memory_space<vmem>>
    %dma_start3A_962 = arith.constant 0 : i32
    %dma_start3A_963 = arith.constant 0 : i32
    %dma_start3A_964 = tpu.memref_slice %arg5[%dma_start3A_962, %dma_start3A_963] : memref<1000000x16xf32, #tpu.memory_space<hbm>> -> memref<1000000x16xf32, #tpu.memory_space<hbm>>
    tpu.enqueue_indirect_dma source(%dma_start3A_964 : memref<1000000x16xf32, #tpu.memory_space<hbm>>) target(%dma_start3A_958 : memref<128x16xf32, #tpu.memory_space<vmem>>) offsets(%dma_start3A_961 : memref<128xi32, #tpu.memory_space<vmem>>) semaphore(%arg11 : memref<!tpu.dma_semaphore, #tpu.memory_space<semaphore_mem>>)
    %dma_start3A_965 = arith.constant 16 : i32
    %dma_start3A_966 = arith.constant 16 : i32
    %dma_start3A_967 = arith.constant 0 : i32
    %dma_start3A_968 = arith.constant 0 : i32
    %dma_start3A_969 = tpu.memref_slice %arg10[%dma_start3A_966, %dma_start3A_967, %dma_start3A_968] : memref<32x128x16xf32, #tpu.memory_space<vmem>> -> memref<1x128x16xf32, #tpu.memory_space<vmem>>
    %dma_start3A_970 = tpu.memref_squeeze %dma_start3A_969 : memref<1x128x16xf32, #tpu.memory_space<vmem>> -> memref<128x16xf32, #tpu.memory_space<vmem>>
    %dma_start3A_971 = arith.constant 0 : i32
    %dma_start3A_972 = tpu.memref_slice %arg9[%dma_start3A_965, %dma_start3A_971] : memref<32x128xi32, #tpu.memory_space<vmem>> -> memref<1x128xi32, #tpu.memory_space<vmem>>
    %dma_start3A_973 = tpu.memref_squeeze %dma_start3A_972 : memref<1x128xi32, #tpu.memory_space<vmem>> -> memref<128xi32, #tpu.memory_space<vmem>>
    %dma_start3A_974 = arith.constant 0 : i32
    %dma_start3A_975 = arith.constant 0 : i32
    %dma_start3A_976 = tpu.memref_slice %arg5[%dma_start3A_974, %dma_start3A_975] : memref<1000000x16xf32, #tpu.memory_space<hbm>> -> memref<1000000x16xf32, #tpu.memory_space<hbm>>
    tpu.enqueue_indirect_dma source(%dma_start3A_976 : memref<1000000x16xf32, #tpu.memory_space<hbm>>) target(%dma_start3A_970 : memref<128x16xf32, #tpu.memory_space<vmem>>) offsets(%dma_start3A_973 : memref<128xi32, #tpu.memory_space<vmem>>) semaphore(%arg11 : memref<!tpu.dma_semaphore, #tpu.memory_space<semaphore_mem>>)
    %dma_start3A_977 = arith.constant 17 : i32
    %dma_start3A_978 = arith.constant 17 : i32
    %dma_start3A_979 = arith.constant 0 : i32
    %dma_start3A_980 = arith.constant 0 : i32
    %dma_start3A_981 = tpu.memref_slice %arg10[%dma_start3A_978, %dma_start3A_979, %dma_start3A_980] : memref<32x128x16xf32, #tpu.memory_space<vmem>> -> memref<1x128x16xf32, #tpu.memory_space<vmem>>
    %dma_start3A_982 = tpu.memref_squeeze %dma_start3A_981 : memref<1x128x16xf32, #tpu.memory_space<vmem>> -> memref<128x16xf32, #tpu.memory_space<vmem>>
    %dma_start3A_983 = arith.constant 0 : i32
    %dma_start3A_984 = tpu.memref_slice %arg9[%dma_start3A_977, %dma_start3A_983] : memref<32x128xi32, #tpu.memory_space<vmem>> -> memref<1x128xi32, #tpu.memory_space<vmem>>
    %dma_start3A_985 = tpu.memref_squeeze %dma_start3A_984 : memref<1x128xi32, #tpu.memory_space<vmem>> -> memref<128xi32, #tpu.memory_space<vmem>>
    %dma_start3A_986 = arith.constant 0 : i32
    %dma_start3A_987 = arith.constant 0 : i32
    %dma_start3A_988 = tpu.memref_slice %arg5[%dma_start3A_986, %dma_start3A_987] : memref<1000000x16xf32, #tpu.memory_space<hbm>> -> memref<1000000x16xf32, #tpu.memory_space<hbm>>
    tpu.enqueue_indirect_dma source(%dma_start3A_988 : memref<1000000x16xf32, #tpu.memory_space<hbm>>) target(%dma_start3A_982 : memref<128x16xf32, #tpu.memory_space<vmem>>) offsets(%dma_start3A_985 : memref<128xi32, #tpu.memory_space<vmem>>) semaphore(%arg11 : memref<!tpu.dma_semaphore, #tpu.memory_space<semaphore_mem>>)
    %dma_start3A_989 = arith.constant 18 : i32
    %dma_start3A_990 = arith.constant 18 : i32
    %dma_start3A_991 = arith.constant 0 : i32
    %dma_start3A_992 = arith.constant 0 : i32
    %dma_start3A_993 = tpu.memref_slice %arg10[%dma_start3A_990, %dma_start3A_991, %dma_start3A_992] : memref<32x128x16xf32, #tpu.memory_space<vmem>> -> memref<1x128x16xf32, #tpu.memory_space<vmem>>
    %dma_start3A_994 = tpu.memref_squeeze %dma_start3A_993 : memref<1x128x16xf32, #tpu.memory_space<vmem>> -> memref<128x16xf32, #tpu.memory_space<vmem>>
    %dma_start3A_995 = arith.constant 0 : i32
    %dma_start3A_996 = tpu.memref_slice %arg9[%dma_start3A_989, %dma_start3A_995] : memref<32x128xi32, #tpu.memory_space<vmem>> -> memref<1x128xi32, #tpu.memory_space<vmem>>
    %dma_start3A_997 = tpu.memref_squeeze %dma_start3A_996 : memref<1x128xi32, #tpu.memory_space<vmem>> -> memref<128xi32, #tpu.memory_space<vmem>>
    %dma_start3A_998 = arith.constant 0 : i32
    %dma_start3A_999 = arith.constant 0 : i32
    %dma_start3A_1000 = tpu.memref_slice %arg5[%dma_start3A_998, %dma_start3A_999] : memref<1000000x16xf32, #tpu.memory_space<hbm>> -> memref<1000000x16xf32, #tpu.memory_space<hbm>>
    tpu.enqueue_indirect_dma source(%dma_start3A_1000 : memref<1000000x16xf32, #tpu.memory_space<hbm>>) target(%dma_start3A_994 : memref<128x16xf32, #tpu.memory_space<vmem>>) offsets(%dma_start3A_997 : memref<128xi32, #tpu.memory_space<vmem>>) semaphore(%arg11 : memref<!tpu.dma_semaphore, #tpu.memory_space<semaphore_mem>>)
    %dma_start3A_1001 = arith.constant 19 : i32
    %dma_start3A_1002 = arith.constant 19 : i32
    %dma_start3A_1003 = arith.constant 0 : i32
    %dma_start3A_1004 = arith.constant 0 : i32
    %dma_start3A_1005 = tpu.memref_slice %arg10[%dma_start3A_1002, %dma_start3A_1003, %dma_start3A_1004] : memref<32x128x16xf32, #tpu.memory_space<vmem>> -> memref<1x128x16xf32, #tpu.memory_space<vmem>>
    %dma_start3A_1006 = tpu.memref_squeeze %dma_start3A_1005 : memref<1x128x16xf32, #tpu.memory_space<vmem>> -> memref<128x16xf32, #tpu.memory_space<vmem>>
    %dma_start3A_1007 = arith.constant 0 : i32
    %dma_start3A_1008 = tpu.memref_slice %arg9[%dma_start3A_1001, %dma_start3A_1007] : memref<32x128xi32, #tpu.memory_space<vmem>> -> memref<1x128xi32, #tpu.memory_space<vmem>>
    %dma_start3A_1009 = tpu.memref_squeeze %dma_start3A_1008 : memref<1x128xi32, #tpu.memory_space<vmem>> -> memref<128xi32, #tpu.memory_space<vmem>>
    %dma_start3A_1010 = arith.constant 0 : i32
    %dma_start3A_1011 = arith.constant 0 : i32
    %dma_start3A_1012 = tpu.memref_slice %arg5[%dma_start3A_1010, %dma_start3A_1011] : memref<1000000x16xf32, #tpu.memory_space<hbm>> -> memref<1000000x16xf32, #tpu.memory_space<hbm>>
    tpu.enqueue_indirect_dma source(%dma_start3A_1012 : memref<1000000x16xf32, #tpu.memory_space<hbm>>) target(%dma_start3A_1006 : memref<128x16xf32, #tpu.memory_space<vmem>>) offsets(%dma_start3A_1009 : memref<128xi32, #tpu.memory_space<vmem>>) semaphore(%arg11 : memref<!tpu.dma_semaphore, #tpu.memory_space<semaphore_mem>>)
    %dma_start3A_1013 = arith.constant 20 : i32
    %dma_start3A_1014 = arith.constant 20 : i32
    %dma_start3A_1015 = arith.constant 0 : i32
    %dma_start3A_1016 = arith.constant 0 : i32
    %dma_start3A_1017 = tpu.memref_slice %arg10[%dma_start3A_1014, %dma_start3A_1015, %dma_start3A_1016] : memref<32x128x16xf32, #tpu.memory_space<vmem>> -> memref<1x128x16xf32, #tpu.memory_space<vmem>>
    %dma_start3A_1018 = tpu.memref_squeeze %dma_start3A_1017 : memref<1x128x16xf32, #tpu.memory_space<vmem>> -> memref<128x16xf32, #tpu.memory_space<vmem>>
    %dma_start3A_1019 = arith.constant 0 : i32
    %dma_start3A_1020 = tpu.memref_slice %arg9[%dma_start3A_1013, %dma_start3A_1019] : memref<32x128xi32, #tpu.memory_space<vmem>> -> memref<1x128xi32, #tpu.memory_space<vmem>>
    %dma_start3A_1021 = tpu.memref_squeeze %dma_start3A_1020 : memref<1x128xi32, #tpu.memory_space<vmem>> -> memref<128xi32, #tpu.memory_space<vmem>>
    %dma_start3A_1022 = arith.constant 0 : i32
    %dma_start3A_1023 = arith.constant 0 : i32
    %dma_start3A_1024 = tpu.memref_slice %arg5[%dma_start3A_1022, %dma_start3A_1023] : memref<1000000x16xf32, #tpu.memory_space<hbm>> -> memref<1000000x16xf32, #tpu.memory_space<hbm>>
    tpu.enqueue_indirect_dma source(%dma_start3A_1024 : memref<1000000x16xf32, #tpu.memory_space<hbm>>) target(%dma_start3A_1018 : memref<128x16xf32, #tpu.memory_space<vmem>>) offsets(%dma_start3A_1021 : memref<128xi32, #tpu.memory_space<vmem>>) semaphore(%arg11 : memref<!tpu.dma_semaphore, #tpu.memory_space<semaphore_mem>>)
    %dma_start3A_1025 = arith.constant 21 : i32
    %dma_start3A_1026 = arith.constant 21 : i32
    %dma_start3A_1027 = arith.constant 0 : i32
    %dma_start3A_1028 = arith.constant 0 : i32
    %dma_start3A_1029 = tpu.memref_slice %arg10[%dma_start3A_1026, %dma_start3A_1027, %dma_start3A_1028] : memref<32x128x16xf32, #tpu.memory_space<vmem>> -> memref<1x128x16xf32, #tpu.memory_space<vmem>>
    %dma_start3A_1030 = tpu.memref_squeeze %dma_start3A_1029 : memref<1x128x16xf32, #tpu.memory_space<vmem>> -> memref<128x16xf32, #tpu.memory_space<vmem>>
    %dma_start3A_1031 = arith.constant 0 : i32
    %dma_start3A_1032 = tpu.memref_slice %arg9[%dma_start3A_1025, %dma_start3A_1031] : memref<32x128xi32, #tpu.memory_space<vmem>> -> memref<1x128xi32, #tpu.memory_space<vmem>>
    %dma_start3A_1033 = tpu.memref_squeeze %dma_start3A_1032 : memref<1x128xi32, #tpu.memory_space<vmem>> -> memref<128xi32, #tpu.memory_space<vmem>>
    %dma_start3A_1034 = arith.constant 0 : i32
    %dma_start3A_1035 = arith.constant 0 : i32
    %dma_start3A_1036 = tpu.memref_slice %arg5[%dma_start3A_1034, %dma_start3A_1035] : memref<1000000x16xf32, #tpu.memory_space<hbm>> -> memref<1000000x16xf32, #tpu.memory_space<hbm>>
    tpu.enqueue_indirect_dma source(%dma_start3A_1036 : memref<1000000x16xf32, #tpu.memory_space<hbm>>) target(%dma_start3A_1030 : memref<128x16xf32, #tpu.memory_space<vmem>>) offsets(%dma_start3A_1033 : memref<128xi32, #tpu.memory_space<vmem>>) semaphore(%arg11 : memref<!tpu.dma_semaphore, #tpu.memory_space<semaphore_mem>>)
    %dma_start3A_1037 = arith.constant 22 : i32
    %dma_start3A_1038 = arith.constant 22 : i32
    %dma_start3A_1039 = arith.constant 0 : i32
    %dma_start3A_1040 = arith.constant 0 : i32
    %dma_start3A_1041 = tpu.memref_slice %arg10[%dma_start3A_1038, %dma_start3A_1039, %dma_start3A_1040] : memref<32x128x16xf32, #tpu.memory_space<vmem>> -> memref<1x128x16xf32, #tpu.memory_space<vmem>>
    %dma_start3A_1042 = tpu.memref_squeeze %dma_start3A_1041 : memref<1x128x16xf32, #tpu.memory_space<vmem>> -> memref<128x16xf32, #tpu.memory_space<vmem>>
    %dma_start3A_1043 = arith.constant 0 : i32
    %dma_start3A_1044 = tpu.memref_slice %arg9[%dma_start3A_1037, %dma_start3A_1043] : memref<32x128xi32, #tpu.memory_space<vmem>> -> memref<1x128xi32, #tpu.memory_space<vmem>>
    %dma_start3A_1045 = tpu.memref_squeeze %dma_start3A_1044 : memref<1x128xi32, #tpu.memory_space<vmem>> -> memref<128xi32, #tpu.memory_space<vmem>>
    %dma_start3A_1046 = arith.constant 0 : i32
    %dma_start3A_1047 = arith.constant 0 : i32
    %dma_start3A_1048 = tpu.memref_slice %arg5[%dma_start3A_1046, %dma_start3A_1047] : memref<1000000x16xf32, #tpu.memory_space<hbm>> -> memref<1000000x16xf32, #tpu.memory_space<hbm>>
    tpu.enqueue_indirect_dma source(%dma_start3A_1048 : memref<1000000x16xf32, #tpu.memory_space<hbm>>) target(%dma_start3A_1042 : memref<128x16xf32, #tpu.memory_space<vmem>>) offsets(%dma_start3A_1045 : memref<128xi32, #tpu.memory_space<vmem>>) semaphore(%arg11 : memref<!tpu.dma_semaphore, #tpu.memory_space<semaphore_mem>>)
    %dma_start3A_1049 = arith.constant 23 : i32
    %dma_start3A_1050 = arith.constant 23 : i32
    %dma_start3A_1051 = arith.constant 0 : i32
    %dma_start3A_1052 = arith.constant 0 : i32
    %dma_start3A_1053 = tpu.memref_slice %arg10[%dma_start3A_1050, %dma_start3A_1051, %dma_start3A_1052] : memref<32x128x16xf32, #tpu.memory_space<vmem>> -> memref<1x128x16xf32, #tpu.memory_space<vmem>>
    %dma_start3A_1054 = tpu.memref_squeeze %dma_start3A_1053 : memref<1x128x16xf32, #tpu.memory_space<vmem>> -> memref<128x16xf32, #tpu.memory_space<vmem>>
    %dma_start3A_1055 = arith.constant 0 : i32
    %dma_start3A_1056 = tpu.memref_slice %arg9[%dma_start3A_1049, %dma_start3A_1055] : memref<32x128xi32, #tpu.memory_space<vmem>> -> memref<1x128xi32, #tpu.memory_space<vmem>>
    %dma_start3A_1057 = tpu.memref_squeeze %dma_start3A_1056 : memref<1x128xi32, #tpu.memory_space<vmem>> -> memref<128xi32, #tpu.memory_space<vmem>>
    %dma_start3A_1058 = arith.constant 0 : i32
    %dma_start3A_1059 = arith.constant 0 : i32
    %dma_start3A_1060 = tpu.memref_slice %arg5[%dma_start3A_1058, %dma_start3A_1059] : memref<1000000x16xf32, #tpu.memory_space<hbm>> -> memref<1000000x16xf32, #tpu.memory_space<hbm>>
    tpu.enqueue_indirect_dma source(%dma_start3A_1060 : memref<1000000x16xf32, #tpu.memory_space<hbm>>) target(%dma_start3A_1054 : memref<128x16xf32, #tpu.memory_space<vmem>>) offsets(%dma_start3A_1057 : memref<128xi32, #tpu.memory_space<vmem>>) semaphore(%arg11 : memref<!tpu.dma_semaphore, #tpu.memory_space<semaphore_mem>>)
    %dma_start3A_1061 = arith.constant 24 : i32
    %dma_start3A_1062 = arith.constant 24 : i32
    %dma_start3A_1063 = arith.constant 0 : i32
    %dma_start3A_1064 = arith.constant 0 : i32
    %dma_start3A_1065 = tpu.memref_slice %arg10[%dma_start3A_1062, %dma_start3A_1063, %dma_start3A_1064] : memref<32x128x16xf32, #tpu.memory_space<vmem>> -> memref<1x128x16xf32, #tpu.memory_space<vmem>>
    %dma_start3A_1066 = tpu.memref_squeeze %dma_start3A_1065 : memref<1x128x16xf32, #tpu.memory_space<vmem>> -> memref<128x16xf32, #tpu.memory_space<vmem>>
    %dma_start3A_1067 = arith.constant 0 : i32
    %dma_start3A_1068 = tpu.memref_slice %arg9[%dma_start3A_1061, %dma_start3A_1067] : memref<32x128xi32, #tpu.memory_space<vmem>> -> memref<1x128xi32, #tpu.memory_space<vmem>>
    %dma_start3A_1069 = tpu.memref_squeeze %dma_start3A_1068 : memref<1x128xi32, #tpu.memory_space<vmem>> -> memref<128xi32, #tpu.memory_space<vmem>>
    %dma_start3A_1070 = arith.constant 0 : i32
    %dma_start3A_1071 = arith.constant 0 : i32
    %dma_start3A_1072 = tpu.memref_slice %arg5[%dma_start3A_1070, %dma_start3A_1071] : memref<1000000x16xf32, #tpu.memory_space<hbm>> -> memref<1000000x16xf32, #tpu.memory_space<hbm>>
    tpu.enqueue_indirect_dma source(%dma_start3A_1072 : memref<1000000x16xf32, #tpu.memory_space<hbm>>) target(%dma_start3A_1066 : memref<128x16xf32, #tpu.memory_space<vmem>>) offsets(%dma_start3A_1069 : memref<128xi32, #tpu.memory_space<vmem>>) semaphore(%arg11 : memref<!tpu.dma_semaphore, #tpu.memory_space<semaphore_mem>>)
    %dma_start3A_1073 = arith.constant 25 : i32
    %dma_start3A_1074 = arith.constant 25 : i32
    %dma_start3A_1075 = arith.constant 0 : i32
    %dma_start3A_1076 = arith.constant 0 : i32
    %dma_start3A_1077 = tpu.memref_slice %arg10[%dma_start3A_1074, %dma_start3A_1075, %dma_start3A_1076] : memref<32x128x16xf32, #tpu.memory_space<vmem>> -> memref<1x128x16xf32, #tpu.memory_space<vmem>>
    %dma_start3A_1078 = tpu.memref_squeeze %dma_start3A_1077 : memref<1x128x16xf32, #tpu.memory_space<vmem>> -> memref<128x16xf32, #tpu.memory_space<vmem>>
    %dma_start3A_1079 = arith.constant 0 : i32
    %dma_start3A_1080 = tpu.memref_slice %arg9[%dma_start3A_1073, %dma_start3A_1079] : memref<32x128xi32, #tpu.memory_space<vmem>> -> memref<1x128xi32, #tpu.memory_space<vmem>>
    %dma_start3A_1081 = tpu.memref_squeeze %dma_start3A_1080 : memref<1x128xi32, #tpu.memory_space<vmem>> -> memref<128xi32, #tpu.memory_space<vmem>>
    %dma_start3A_1082 = arith.constant 0 : i32
    %dma_start3A_1083 = arith.constant 0 : i32
    %dma_start3A_1084 = tpu.memref_slice %arg5[%dma_start3A_1082, %dma_start3A_1083] : memref<1000000x16xf32, #tpu.memory_space<hbm>> -> memref<1000000x16xf32, #tpu.memory_space<hbm>>
    tpu.enqueue_indirect_dma source(%dma_start3A_1084 : memref<1000000x16xf32, #tpu.memory_space<hbm>>) target(%dma_start3A_1078 : memref<128x16xf32, #tpu.memory_space<vmem>>) offsets(%dma_start3A_1081 : memref<128xi32, #tpu.memory_space<vmem>>) semaphore(%arg11 : memref<!tpu.dma_semaphore, #tpu.memory_space<semaphore_mem>>)
    %dma_start3A_1085 = arith.constant 26 : i32
    %dma_start3A_1086 = arith.constant 26 : i32
    %dma_start3A_1087 = arith.constant 0 : i32
    %dma_start3A_1088 = arith.constant 0 : i32
    %dma_start3A_1089 = tpu.memref_slice %arg10[%dma_start3A_1086, %dma_start3A_1087, %dma_start3A_1088] : memref<32x128x16xf32, #tpu.memory_space<vmem>> -> memref<1x128x16xf32, #tpu.memory_space<vmem>>
    %dma_start3A_1090 = tpu.memref_squeeze %dma_start3A_1089 : memref<1x128x16xf32, #tpu.memory_space<vmem>> -> memref<128x16xf32, #tpu.memory_space<vmem>>
    %dma_start3A_1091 = arith.constant 0 : i32
    %dma_start3A_1092 = tpu.memref_slice %arg9[%dma_start3A_1085, %dma_start3A_1091] : memref<32x128xi32, #tpu.memory_space<vmem>> -> memref<1x128xi32, #tpu.memory_space<vmem>>
    %dma_start3A_1093 = tpu.memref_squeeze %dma_start3A_1092 : memref<1x128xi32, #tpu.memory_space<vmem>> -> memref<128xi32, #tpu.memory_space<vmem>>
    %dma_start3A_1094 = arith.constant 0 : i32
    %dma_start3A_1095 = arith.constant 0 : i32
    %dma_start3A_1096 = tpu.memref_slice %arg5[%dma_start3A_1094, %dma_start3A_1095] : memref<1000000x16xf32, #tpu.memory_space<hbm>> -> memref<1000000x16xf32, #tpu.memory_space<hbm>>
    tpu.enqueue_indirect_dma source(%dma_start3A_1096 : memref<1000000x16xf32, #tpu.memory_space<hbm>>) target(%dma_start3A_1090 : memref<128x16xf32, #tpu.memory_space<vmem>>) offsets(%dma_start3A_1093 : memref<128xi32, #tpu.memory_space<vmem>>) semaphore(%arg11 : memref<!tpu.dma_semaphore, #tpu.memory_space<semaphore_mem>>)
    %dma_start3A_1097 = arith.constant 27 : i32
    %dma_start3A_1098 = arith.constant 27 : i32
    %dma_start3A_1099 = arith.constant 0 : i32
    %dma_start3A_1100 = arith.constant 0 : i32
    %dma_start3A_1101 = tpu.memref_slice %arg10[%dma_start3A_1098, %dma_start3A_1099, %dma_start3A_1100] : memref<32x128x16xf32, #tpu.memory_space<vmem>> -> memref<1x128x16xf32, #tpu.memory_space<vmem>>
    %dma_start3A_1102 = tpu.memref_squeeze %dma_start3A_1101 : memref<1x128x16xf32, #tpu.memory_space<vmem>> -> memref<128x16xf32, #tpu.memory_space<vmem>>
    %dma_start3A_1103 = arith.constant 0 : i32
    %dma_start3A_1104 = tpu.memref_slice %arg9[%dma_start3A_1097, %dma_start3A_1103] : memref<32x128xi32, #tpu.memory_space<vmem>> -> memref<1x128xi32, #tpu.memory_space<vmem>>
    %dma_start3A_1105 = tpu.memref_squeeze %dma_start3A_1104 : memref<1x128xi32, #tpu.memory_space<vmem>> -> memref<128xi32, #tpu.memory_space<vmem>>
    %dma_start3A_1106 = arith.constant 0 : i32
    %dma_start3A_1107 = arith.constant 0 : i32
    %dma_start3A_1108 = tpu.memref_slice %arg5[%dma_start3A_1106, %dma_start3A_1107] : memref<1000000x16xf32, #tpu.memory_space<hbm>> -> memref<1000000x16xf32, #tpu.memory_space<hbm>>
    tpu.enqueue_indirect_dma source(%dma_start3A_1108 : memref<1000000x16xf32, #tpu.memory_space<hbm>>) target(%dma_start3A_1102 : memref<128x16xf32, #tpu.memory_space<vmem>>) offsets(%dma_start3A_1105 : memref<128xi32, #tpu.memory_space<vmem>>) semaphore(%arg11 : memref<!tpu.dma_semaphore, #tpu.memory_space<semaphore_mem>>)
    %dma_start3A_1109 = arith.constant 28 : i32
    %dma_start3A_1110 = arith.constant 28 : i32
    %dma_start3A_1111 = arith.constant 0 : i32
    %dma_start3A_1112 = arith.constant 0 : i32
    %dma_start3A_1113 = tpu.memref_slice %arg10[%dma_start3A_1110, %dma_start3A_1111, %dma_start3A_1112] : memref<32x128x16xf32, #tpu.memory_space<vmem>> -> memref<1x128x16xf32, #tpu.memory_space<vmem>>
    %dma_start3A_1114 = tpu.memref_squeeze %dma_start3A_1113 : memref<1x128x16xf32, #tpu.memory_space<vmem>> -> memref<128x16xf32, #tpu.memory_space<vmem>>
    %dma_start3A_1115 = arith.constant 0 : i32
    %dma_start3A_1116 = tpu.memref_slice %arg9[%dma_start3A_1109, %dma_start3A_1115] : memref<32x128xi32, #tpu.memory_space<vmem>> -> memref<1x128xi32, #tpu.memory_space<vmem>>
    %dma_start3A_1117 = tpu.memref_squeeze %dma_start3A_1116 : memref<1x128xi32, #tpu.memory_space<vmem>> -> memref<128xi32, #tpu.memory_space<vmem>>
    %dma_start3A_1118 = arith.constant 0 : i32
    %dma_start3A_1119 = arith.constant 0 : i32
    %dma_start3A_1120 = tpu.memref_slice %arg5[%dma_start3A_1118, %dma_start3A_1119] : memref<1000000x16xf32, #tpu.memory_space<hbm>> -> memref<1000000x16xf32, #tpu.memory_space<hbm>>
    tpu.enqueue_indirect_dma source(%dma_start3A_1120 : memref<1000000x16xf32, #tpu.memory_space<hbm>>) target(%dma_start3A_1114 : memref<128x16xf32, #tpu.memory_space<vmem>>) offsets(%dma_start3A_1117 : memref<128xi32, #tpu.memory_space<vmem>>) semaphore(%arg11 : memref<!tpu.dma_semaphore, #tpu.memory_space<semaphore_mem>>)
    %dma_start3A_1121 = arith.constant 29 : i32
    %dma_start3A_1122 = arith.constant 29 : i32
    %dma_start3A_1123 = arith.constant 0 : i32
    %dma_start3A_1124 = arith.constant 0 : i32
    %dma_start3A_1125 = tpu.memref_slice %arg10[%dma_start3A_1122, %dma_start3A_1123, %dma_start3A_1124] : memref<32x128x16xf32, #tpu.memory_space<vmem>> -> memref<1x128x16xf32, #tpu.memory_space<vmem>>
    %dma_start3A_1126 = tpu.memref_squeeze %dma_start3A_1125 : memref<1x128x16xf32, #tpu.memory_space<vmem>> -> memref<128x16xf32, #tpu.memory_space<vmem>>
    %dma_start3A_1127 = arith.constant 0 : i32
    %dma_start3A_1128 = tpu.memref_slice %arg9[%dma_start3A_1121, %dma_start3A_1127] : memref<32x128xi32, #tpu.memory_space<vmem>> -> memref<1x128xi32, #tpu.memory_space<vmem>>
    %dma_start3A_1129 = tpu.memref_squeeze %dma_start3A_1128 : memref<1x128xi32, #tpu.memory_space<vmem>> -> memref<128xi32, #tpu.memory_space<vmem>>
    %dma_start3A_1130 = arith.constant 0 : i32
    %dma_start3A_1131 = arith.constant 0 : i32
    %dma_start3A_1132 = tpu.memref_slice %arg5[%dma_start3A_1130, %dma_start3A_1131] : memref<1000000x16xf32, #tpu.memory_space<hbm>> -> memref<1000000x16xf32, #tpu.memory_space<hbm>>
    tpu.enqueue_indirect_dma source(%dma_start3A_1132 : memref<1000000x16xf32, #tpu.memory_space<hbm>>) target(%dma_start3A_1126 : memref<128x16xf32, #tpu.memory_space<vmem>>) offsets(%dma_start3A_1129 : memref<128xi32, #tpu.memory_space<vmem>>) semaphore(%arg11 : memref<!tpu.dma_semaphore, #tpu.memory_space<semaphore_mem>>)
    %dma_start3A_1133 = arith.constant 30 : i32
    %dma_start3A_1134 = arith.constant 30 : i32
    %dma_start3A_1135 = arith.constant 0 : i32
    %dma_start3A_1136 = arith.constant 0 : i32
    %dma_start3A_1137 = tpu.memref_slice %arg10[%dma_start3A_1134, %dma_start3A_1135, %dma_start3A_1136] : memref<32x128x16xf32, #tpu.memory_space<vmem>> -> memref<1x128x16xf32, #tpu.memory_space<vmem>>
    %dma_start3A_1138 = tpu.memref_squeeze %dma_start3A_1137 : memref<1x128x16xf32, #tpu.memory_space<vmem>> -> memref<128x16xf32, #tpu.memory_space<vmem>>
    %dma_start3A_1139 = arith.constant 0 : i32
    %dma_start3A_1140 = tpu.memref_slice %arg9[%dma_start3A_1133, %dma_start3A_1139] : memref<32x128xi32, #tpu.memory_space<vmem>> -> memref<1x128xi32, #tpu.memory_space<vmem>>
    %dma_start3A_1141 = tpu.memref_squeeze %dma_start3A_1140 : memref<1x128xi32, #tpu.memory_space<vmem>> -> memref<128xi32, #tpu.memory_space<vmem>>
    %dma_start3A_1142 = arith.constant 0 : i32
    %dma_start3A_1143 = arith.constant 0 : i32
    %dma_start3A_1144 = tpu.memref_slice %arg5[%dma_start3A_1142, %dma_start3A_1143] : memref<1000000x16xf32, #tpu.memory_space<hbm>> -> memref<1000000x16xf32, #tpu.memory_space<hbm>>
    tpu.enqueue_indirect_dma source(%dma_start3A_1144 : memref<1000000x16xf32, #tpu.memory_space<hbm>>) target(%dma_start3A_1138 : memref<128x16xf32, #tpu.memory_space<vmem>>) offsets(%dma_start3A_1141 : memref<128xi32, #tpu.memory_space<vmem>>) semaphore(%arg11 : memref<!tpu.dma_semaphore, #tpu.memory_space<semaphore_mem>>)
    %dma_start3A_1145 = arith.constant 31 : i32
    %dma_start3A_1146 = arith.constant 31 : i32
    %dma_start3A_1147 = arith.constant 0 : i32
    %dma_start3A_1148 = arith.constant 0 : i32
    %dma_start3A_1149 = tpu.memref_slice %arg10[%dma_start3A_1146, %dma_start3A_1147, %dma_start3A_1148] : memref<32x128x16xf32, #tpu.memory_space<vmem>> -> memref<1x128x16xf32, #tpu.memory_space<vmem>>
    %dma_start3A_1150 = tpu.memref_squeeze %dma_start3A_1149 : memref<1x128x16xf32, #tpu.memory_space<vmem>> -> memref<128x16xf32, #tpu.memory_space<vmem>>
    %dma_start3A_1151 = arith.constant 0 : i32
    %dma_start3A_1152 = tpu.memref_slice %arg9[%dma_start3A_1145, %dma_start3A_1151] : memref<32x128xi32, #tpu.memory_space<vmem>> -> memref<1x128xi32, #tpu.memory_space<vmem>>
    %dma_start3A_1153 = tpu.memref_squeeze %dma_start3A_1152 : memref<1x128xi32, #tpu.memory_space<vmem>> -> memref<128xi32, #tpu.memory_space<vmem>>
    %dma_start3A_1154 = arith.constant 0 : i32
    %dma_start3A_1155 = arith.constant 0 : i32
    %dma_start3A_1156 = tpu.memref_slice %arg5[%dma_start3A_1154, %dma_start3A_1155] : memref<1000000x16xf32, #tpu.memory_space<hbm>> -> memref<1000000x16xf32, #tpu.memory_space<hbm>>
    tpu.enqueue_indirect_dma source(%dma_start3A_1156 : memref<1000000x16xf32, #tpu.memory_space<hbm>>) target(%dma_start3A_1150 : memref<128x16xf32, #tpu.memory_space<vmem>>) offsets(%dma_start3A_1153 : memref<128xi32, #tpu.memory_space<vmem>>) semaphore(%arg11 : memref<!tpu.dma_semaphore, #tpu.memory_space<semaphore_mem>>)
    %dma_wait3A_1157 = arith.constant 0 : i32
    %dma_wait3A_1158 = arith.constant 0 : i32
    %dma_wait3A_1159 = arith.constant 0 : i32
    %dma_wait3A_1160 = arith.constant 0 : i32
    %dma_wait3A_1161 = tpu.memref_slice %arg10[%dma_wait3A_1158, %dma_wait3A_1159, %dma_wait3A_1160] : memref<32x128x16xf32, #tpu.memory_space<vmem>> -> memref<1x128x16xf32, #tpu.memory_space<vmem>>
    %dma_wait3A_1162 = tpu.memref_squeeze %dma_wait3A_1161 : memref<1x128x16xf32, #tpu.memory_space<vmem>> -> memref<128x16xf32, #tpu.memory_space<vmem>>
    %dma_wait3A_1163 = arith.constant 0 : i32
    %dma_wait3A_1164 = tpu.memref_slice %arg9[%dma_wait3A_1157, %dma_wait3A_1163] : memref<32x128xi32, #tpu.memory_space<vmem>> -> memref<1x128xi32, #tpu.memory_space<vmem>>
    %dma_wait3A_1165 = tpu.memref_squeeze %dma_wait3A_1164 : memref<1x128xi32, #tpu.memory_space<vmem>> -> memref<128xi32, #tpu.memory_space<vmem>>
    %dma_wait3A_1166 = arith.constant 0 : i32
    %dma_wait3A_1167 = arith.constant 0 : i32
    %dma_wait3A_1168 = tpu.memref_slice %arg5[%dma_wait3A_1166, %dma_wait3A_1167] : memref<1000000x16xf32, #tpu.memory_space<hbm>> -> memref<1000000x16xf32, #tpu.memory_space<hbm>>
    tpu.wait_indirect_dma semaphore(%arg11 : memref<!tpu.dma_semaphore, #tpu.memory_space<semaphore_mem>>) src(%dma_wait3A_1168 : memref<1000000x16xf32, #tpu.memory_space<hbm>>) dst(%dma_wait3A_1162 : memref<128x16xf32, #tpu.memory_space<vmem>>)
    %dma_wait3A_1169 = arith.constant 1 : i32
    %dma_wait3A_1170 = arith.constant 1 : i32
    %dma_wait3A_1171 = arith.constant 0 : i32
    %dma_wait3A_1172 = arith.constant 0 : i32
    %dma_wait3A_1173 = tpu.memref_slice %arg10[%dma_wait3A_1170, %dma_wait3A_1171, %dma_wait3A_1172] : memref<32x128x16xf32, #tpu.memory_space<vmem>> -> memref<1x128x16xf32, #tpu.memory_space<vmem>>
    %dma_wait3A_1174 = tpu.memref_squeeze %dma_wait3A_1173 : memref<1x128x16xf32, #tpu.memory_space<vmem>> -> memref<128x16xf32, #tpu.memory_space<vmem>>
    %dma_wait3A_1175 = arith.constant 0 : i32
    %dma_wait3A_1176 = tpu.memref_slice %arg9[%dma_wait3A_1169, %dma_wait3A_1175] : memref<32x128xi32, #tpu.memory_space<vmem>> -> memref<1x128xi32, #tpu.memory_space<vmem>>
    %dma_wait3A_1177 = tpu.memref_squeeze %dma_wait3A_1176 : memref<1x128xi32, #tpu.memory_space<vmem>> -> memref<128xi32, #tpu.memory_space<vmem>>
    %dma_wait3A_1178 = arith.constant 0 : i32
    %dma_wait3A_1179 = arith.constant 0 : i32
    %dma_wait3A_1180 = tpu.memref_slice %arg5[%dma_wait3A_1178, %dma_wait3A_1179] : memref<1000000x16xf32, #tpu.memory_space<hbm>> -> memref<1000000x16xf32, #tpu.memory_space<hbm>>
    tpu.wait_indirect_dma semaphore(%arg11 : memref<!tpu.dma_semaphore, #tpu.memory_space<semaphore_mem>>) src(%dma_wait3A_1180 : memref<1000000x16xf32, #tpu.memory_space<hbm>>) dst(%dma_wait3A_1174 : memref<128x16xf32, #tpu.memory_space<vmem>>)
    %dma_wait3A_1181 = arith.constant 2 : i32
    %dma_wait3A_1182 = arith.constant 2 : i32
    %dma_wait3A_1183 = arith.constant 0 : i32
    %dma_wait3A_1184 = arith.constant 0 : i32
    %dma_wait3A_1185 = tpu.memref_slice %arg10[%dma_wait3A_1182, %dma_wait3A_1183, %dma_wait3A_1184] : memref<32x128x16xf32, #tpu.memory_space<vmem>> -> memref<1x128x16xf32, #tpu.memory_space<vmem>>
    %dma_wait3A_1186 = tpu.memref_squeeze %dma_wait3A_1185 : memref<1x128x16xf32, #tpu.memory_space<vmem>> -> memref<128x16xf32, #tpu.memory_space<vmem>>
    %dma_wait3A_1187 = arith.constant 0 : i32
    %dma_wait3A_1188 = tpu.memref_slice %arg9[%dma_wait3A_1181, %dma_wait3A_1187] : memref<32x128xi32, #tpu.memory_space<vmem>> -> memref<1x128xi32, #tpu.memory_space<vmem>>
    %dma_wait3A_1189 = tpu.memref_squeeze %dma_wait3A_1188 : memref<1x128xi32, #tpu.memory_space<vmem>> -> memref<128xi32, #tpu.memory_space<vmem>>
    %dma_wait3A_1190 = arith.constant 0 : i32
    %dma_wait3A_1191 = arith.constant 0 : i32
    %dma_wait3A_1192 = tpu.memref_slice %arg5[%dma_wait3A_1190, %dma_wait3A_1191] : memref<1000000x16xf32, #tpu.memory_space<hbm>> -> memref<1000000x16xf32, #tpu.memory_space<hbm>>
    tpu.wait_indirect_dma semaphore(%arg11 : memref<!tpu.dma_semaphore, #tpu.memory_space<semaphore_mem>>) src(%dma_wait3A_1192 : memref<1000000x16xf32, #tpu.memory_space<hbm>>) dst(%dma_wait3A_1186 : memref<128x16xf32, #tpu.memory_space<vmem>>)
    %dma_wait3A_1193 = arith.constant 3 : i32
    %dma_wait3A_1194 = arith.constant 3 : i32
    %dma_wait3A_1195 = arith.constant 0 : i32
    %dma_wait3A_1196 = arith.constant 0 : i32
    %dma_wait3A_1197 = tpu.memref_slice %arg10[%dma_wait3A_1194, %dma_wait3A_1195, %dma_wait3A_1196] : memref<32x128x16xf32, #tpu.memory_space<vmem>> -> memref<1x128x16xf32, #tpu.memory_space<vmem>>
    %dma_wait3A_1198 = tpu.memref_squeeze %dma_wait3A_1197 : memref<1x128x16xf32, #tpu.memory_space<vmem>> -> memref<128x16xf32, #tpu.memory_space<vmem>>
    %dma_wait3A_1199 = arith.constant 0 : i32
    %dma_wait3A_1200 = tpu.memref_slice %arg9[%dma_wait3A_1193, %dma_wait3A_1199] : memref<32x128xi32, #tpu.memory_space<vmem>> -> memref<1x128xi32, #tpu.memory_space<vmem>>
    %dma_wait3A_1201 = tpu.memref_squeeze %dma_wait3A_1200 : memref<1x128xi32, #tpu.memory_space<vmem>> -> memref<128xi32, #tpu.memory_space<vmem>>
    %dma_wait3A_1202 = arith.constant 0 : i32
    %dma_wait3A_1203 = arith.constant 0 : i32
    %dma_wait3A_1204 = tpu.memref_slice %arg5[%dma_wait3A_1202, %dma_wait3A_1203] : memref<1000000x16xf32, #tpu.memory_space<hbm>> -> memref<1000000x16xf32, #tpu.memory_space<hbm>>
    tpu.wait_indirect_dma semaphore(%arg11 : memref<!tpu.dma_semaphore, #tpu.memory_space<semaphore_mem>>) src(%dma_wait3A_1204 : memref<1000000x16xf32, #tpu.memory_space<hbm>>) dst(%dma_wait3A_1198 : memref<128x16xf32, #tpu.memory_space<vmem>>)
    %dma_wait3A_1205 = arith.constant 4 : i32
    %dma_wait3A_1206 = arith.constant 4 : i32
    %dma_wait3A_1207 = arith.constant 0 : i32
    %dma_wait3A_1208 = arith.constant 0 : i32
    %dma_wait3A_1209 = tpu.memref_slice %arg10[%dma_wait3A_1206, %dma_wait3A_1207, %dma_wait3A_1208] : memref<32x128x16xf32, #tpu.memory_space<vmem>> -> memref<1x128x16xf32, #tpu.memory_space<vmem>>
    %dma_wait3A_1210 = tpu.memref_squeeze %dma_wait3A_1209 : memref<1x128x16xf32, #tpu.memory_space<vmem>> -> memref<128x16xf32, #tpu.memory_space<vmem>>
    %dma_wait3A_1211 = arith.constant 0 : i32
    %dma_wait3A_1212 = tpu.memref_slice %arg9[%dma_wait3A_1205, %dma_wait3A_1211] : memref<32x128xi32, #tpu.memory_space<vmem>> -> memref<1x128xi32, #tpu.memory_space<vmem>>
    %dma_wait3A_1213 = tpu.memref_squeeze %dma_wait3A_1212 : memref<1x128xi32, #tpu.memory_space<vmem>> -> memref<128xi32, #tpu.memory_space<vmem>>
    %dma_wait3A_1214 = arith.constant 0 : i32
    %dma_wait3A_1215 = arith.constant 0 : i32
    %dma_wait3A_1216 = tpu.memref_slice %arg5[%dma_wait3A_1214, %dma_wait3A_1215] : memref<1000000x16xf32, #tpu.memory_space<hbm>> -> memref<1000000x16xf32, #tpu.memory_space<hbm>>
    tpu.wait_indirect_dma semaphore(%arg11 : memref<!tpu.dma_semaphore, #tpu.memory_space<semaphore_mem>>) src(%dma_wait3A_1216 : memref<1000000x16xf32, #tpu.memory_space<hbm>>) dst(%dma_wait3A_1210 : memref<128x16xf32, #tpu.memory_space<vmem>>)
    %dma_wait3A_1217 = arith.constant 5 : i32
    %dma_wait3A_1218 = arith.constant 5 : i32
    %dma_wait3A_1219 = arith.constant 0 : i32
    %dma_wait3A_1220 = arith.constant 0 : i32
    %dma_wait3A_1221 = tpu.memref_slice %arg10[%dma_wait3A_1218, %dma_wait3A_1219, %dma_wait3A_1220] : memref<32x128x16xf32, #tpu.memory_space<vmem>> -> memref<1x128x16xf32, #tpu.memory_space<vmem>>
    %dma_wait3A_1222 = tpu.memref_squeeze %dma_wait3A_1221 : memref<1x128x16xf32, #tpu.memory_space<vmem>> -> memref<128x16xf32, #tpu.memory_space<vmem>>
    %dma_wait3A_1223 = arith.constant 0 : i32
    %dma_wait3A_1224 = tpu.memref_slice %arg9[%dma_wait3A_1217, %dma_wait3A_1223] : memref<32x128xi32, #tpu.memory_space<vmem>> -> memref<1x128xi32, #tpu.memory_space<vmem>>
    %dma_wait3A_1225 = tpu.memref_squeeze %dma_wait3A_1224 : memref<1x128xi32, #tpu.memory_space<vmem>> -> memref<128xi32, #tpu.memory_space<vmem>>
    %dma_wait3A_1226 = arith.constant 0 : i32
    %dma_wait3A_1227 = arith.constant 0 : i32
    %dma_wait3A_1228 = tpu.memref_slice %arg5[%dma_wait3A_1226, %dma_wait3A_1227] : memref<1000000x16xf32, #tpu.memory_space<hbm>> -> memref<1000000x16xf32, #tpu.memory_space<hbm>>
    tpu.wait_indirect_dma semaphore(%arg11 : memref<!tpu.dma_semaphore, #tpu.memory_space<semaphore_mem>>) src(%dma_wait3A_1228 : memref<1000000x16xf32, #tpu.memory_space<hbm>>) dst(%dma_wait3A_1222 : memref<128x16xf32, #tpu.memory_space<vmem>>)
    %dma_wait3A_1229 = arith.constant 6 : i32
    %dma_wait3A_1230 = arith.constant 6 : i32
    %dma_wait3A_1231 = arith.constant 0 : i32
    %dma_wait3A_1232 = arith.constant 0 : i32
    %dma_wait3A_1233 = tpu.memref_slice %arg10[%dma_wait3A_1230, %dma_wait3A_1231, %dma_wait3A_1232] : memref<32x128x16xf32, #tpu.memory_space<vmem>> -> memref<1x128x16xf32, #tpu.memory_space<vmem>>
    %dma_wait3A_1234 = tpu.memref_squeeze %dma_wait3A_1233 : memref<1x128x16xf32, #tpu.memory_space<vmem>> -> memref<128x16xf32, #tpu.memory_space<vmem>>
    %dma_wait3A_1235 = arith.constant 0 : i32
    %dma_wait3A_1236 = tpu.memref_slice %arg9[%dma_wait3A_1229, %dma_wait3A_1235] : memref<32x128xi32, #tpu.memory_space<vmem>> -> memref<1x128xi32, #tpu.memory_space<vmem>>
    %dma_wait3A_1237 = tpu.memref_squeeze %dma_wait3A_1236 : memref<1x128xi32, #tpu.memory_space<vmem>> -> memref<128xi32, #tpu.memory_space<vmem>>
    %dma_wait3A_1238 = arith.constant 0 : i32
    %dma_wait3A_1239 = arith.constant 0 : i32
    %dma_wait3A_1240 = tpu.memref_slice %arg5[%dma_wait3A_1238, %dma_wait3A_1239] : memref<1000000x16xf32, #tpu.memory_space<hbm>> -> memref<1000000x16xf32, #tpu.memory_space<hbm>>
    tpu.wait_indirect_dma semaphore(%arg11 : memref<!tpu.dma_semaphore, #tpu.memory_space<semaphore_mem>>) src(%dma_wait3A_1240 : memref<1000000x16xf32, #tpu.memory_space<hbm>>) dst(%dma_wait3A_1234 : memref<128x16xf32, #tpu.memory_space<vmem>>)
    %dma_wait3A_1241 = arith.constant 7 : i32
    %dma_wait3A_1242 = arith.constant 7 : i32
    %dma_wait3A_1243 = arith.constant 0 : i32
    %dma_wait3A_1244 = arith.constant 0 : i32
    %dma_wait3A_1245 = tpu.memref_slice %arg10[%dma_wait3A_1242, %dma_wait3A_1243, %dma_wait3A_1244] : memref<32x128x16xf32, #tpu.memory_space<vmem>> -> memref<1x128x16xf32, #tpu.memory_space<vmem>>
    %dma_wait3A_1246 = tpu.memref_squeeze %dma_wait3A_1245 : memref<1x128x16xf32, #tpu.memory_space<vmem>> -> memref<128x16xf32, #tpu.memory_space<vmem>>
    %dma_wait3A_1247 = arith.constant 0 : i32
    %dma_wait3A_1248 = tpu.memref_slice %arg9[%dma_wait3A_1241, %dma_wait3A_1247] : memref<32x128xi32, #tpu.memory_space<vmem>> -> memref<1x128xi32, #tpu.memory_space<vmem>>
    %dma_wait3A_1249 = tpu.memref_squeeze %dma_wait3A_1248 : memref<1x128xi32, #tpu.memory_space<vmem>> -> memref<128xi32, #tpu.memory_space<vmem>>
    %dma_wait3A_1250 = arith.constant 0 : i32
    %dma_wait3A_1251 = arith.constant 0 : i32
    %dma_wait3A_1252 = tpu.memref_slice %arg5[%dma_wait3A_1250, %dma_wait3A_1251] : memref<1000000x16xf32, #tpu.memory_space<hbm>> -> memref<1000000x16xf32, #tpu.memory_space<hbm>>
    tpu.wait_indirect_dma semaphore(%arg11 : memref<!tpu.dma_semaphore, #tpu.memory_space<semaphore_mem>>) src(%dma_wait3A_1252 : memref<1000000x16xf32, #tpu.memory_space<hbm>>) dst(%dma_wait3A_1246 : memref<128x16xf32, #tpu.memory_space<vmem>>)
    %dma_wait3A_1253 = arith.constant 8 : i32
    %dma_wait3A_1254 = arith.constant 8 : i32
    %dma_wait3A_1255 = arith.constant 0 : i32
    %dma_wait3A_1256 = arith.constant 0 : i32
    %dma_wait3A_1257 = tpu.memref_slice %arg10[%dma_wait3A_1254, %dma_wait3A_1255, %dma_wait3A_1256] : memref<32x128x16xf32, #tpu.memory_space<vmem>> -> memref<1x128x16xf32, #tpu.memory_space<vmem>>
    %dma_wait3A_1258 = tpu.memref_squeeze %dma_wait3A_1257 : memref<1x128x16xf32, #tpu.memory_space<vmem>> -> memref<128x16xf32, #tpu.memory_space<vmem>>
    %dma_wait3A_1259 = arith.constant 0 : i32
    %dma_wait3A_1260 = tpu.memref_slice %arg9[%dma_wait3A_1253, %dma_wait3A_1259] : memref<32x128xi32, #tpu.memory_space<vmem>> -> memref<1x128xi32, #tpu.memory_space<vmem>>
    %dma_wait3A_1261 = tpu.memref_squeeze %dma_wait3A_1260 : memref<1x128xi32, #tpu.memory_space<vmem>> -> memref<128xi32, #tpu.memory_space<vmem>>
    %dma_wait3A_1262 = arith.constant 0 : i32
    %dma_wait3A_1263 = arith.constant 0 : i32
    %dma_wait3A_1264 = tpu.memref_slice %arg5[%dma_wait3A_1262, %dma_wait3A_1263] : memref<1000000x16xf32, #tpu.memory_space<hbm>> -> memref<1000000x16xf32, #tpu.memory_space<hbm>>
    tpu.wait_indirect_dma semaphore(%arg11 : memref<!tpu.dma_semaphore, #tpu.memory_space<semaphore_mem>>) src(%dma_wait3A_1264 : memref<1000000x16xf32, #tpu.memory_space<hbm>>) dst(%dma_wait3A_1258 : memref<128x16xf32, #tpu.memory_space<vmem>>)
    %dma_wait3A_1265 = arith.constant 9 : i32
    %dma_wait3A_1266 = arith.constant 9 : i32
    %dma_wait3A_1267 = arith.constant 0 : i32
    %dma_wait3A_1268 = arith.constant 0 : i32
    %dma_wait3A_1269 = tpu.memref_slice %arg10[%dma_wait3A_1266, %dma_wait3A_1267, %dma_wait3A_1268] : memref<32x128x16xf32, #tpu.memory_space<vmem>> -> memref<1x128x16xf32, #tpu.memory_space<vmem>>
    %dma_wait3A_1270 = tpu.memref_squeeze %dma_wait3A_1269 : memref<1x128x16xf32, #tpu.memory_space<vmem>> -> memref<128x16xf32, #tpu.memory_space<vmem>>
    %dma_wait3A_1271 = arith.constant 0 : i32
    %dma_wait3A_1272 = tpu.memref_slice %arg9[%dma_wait3A_1265, %dma_wait3A_1271] : memref<32x128xi32, #tpu.memory_space<vmem>> -> memref<1x128xi32, #tpu.memory_space<vmem>>
    %dma_wait3A_1273 = tpu.memref_squeeze %dma_wait3A_1272 : memref<1x128xi32, #tpu.memory_space<vmem>> -> memref<128xi32, #tpu.memory_space<vmem>>
    %dma_wait3A_1274 = arith.constant 0 : i32
    %dma_wait3A_1275 = arith.constant 0 : i32
    %dma_wait3A_1276 = tpu.memref_slice %arg5[%dma_wait3A_1274, %dma_wait3A_1275] : memref<1000000x16xf32, #tpu.memory_space<hbm>> -> memref<1000000x16xf32, #tpu.memory_space<hbm>>
    tpu.wait_indirect_dma semaphore(%arg11 : memref<!tpu.dma_semaphore, #tpu.memory_space<semaphore_mem>>) src(%dma_wait3A_1276 : memref<1000000x16xf32, #tpu.memory_space<hbm>>) dst(%dma_wait3A_1270 : memref<128x16xf32, #tpu.memory_space<vmem>>)
    %dma_wait3A_1277 = arith.constant 10 : i32
    %dma_wait3A_1278 = arith.constant 10 : i32
    %dma_wait3A_1279 = arith.constant 0 : i32
    %dma_wait3A_1280 = arith.constant 0 : i32
    %dma_wait3A_1281 = tpu.memref_slice %arg10[%dma_wait3A_1278, %dma_wait3A_1279, %dma_wait3A_1280] : memref<32x128x16xf32, #tpu.memory_space<vmem>> -> memref<1x128x16xf32, #tpu.memory_space<vmem>>
    %dma_wait3A_1282 = tpu.memref_squeeze %dma_wait3A_1281 : memref<1x128x16xf32, #tpu.memory_space<vmem>> -> memref<128x16xf32, #tpu.memory_space<vmem>>
    %dma_wait3A_1283 = arith.constant 0 : i32
    %dma_wait3A_1284 = tpu.memref_slice %arg9[%dma_wait3A_1277, %dma_wait3A_1283] : memref<32x128xi32, #tpu.memory_space<vmem>> -> memref<1x128xi32, #tpu.memory_space<vmem>>
    %dma_wait3A_1285 = tpu.memref_squeeze %dma_wait3A_1284 : memref<1x128xi32, #tpu.memory_space<vmem>> -> memref<128xi32, #tpu.memory_space<vmem>>
    %dma_wait3A_1286 = arith.constant 0 : i32
    %dma_wait3A_1287 = arith.constant 0 : i32
    %dma_wait3A_1288 = tpu.memref_slice %arg5[%dma_wait3A_1286, %dma_wait3A_1287] : memref<1000000x16xf32, #tpu.memory_space<hbm>> -> memref<1000000x16xf32, #tpu.memory_space<hbm>>
    tpu.wait_indirect_dma semaphore(%arg11 : memref<!tpu.dma_semaphore, #tpu.memory_space<semaphore_mem>>) src(%dma_wait3A_1288 : memref<1000000x16xf32, #tpu.memory_space<hbm>>) dst(%dma_wait3A_1282 : memref<128x16xf32, #tpu.memory_space<vmem>>)
    %dma_wait3A_1289 = arith.constant 11 : i32
    %dma_wait3A_1290 = arith.constant 11 : i32
    %dma_wait3A_1291 = arith.constant 0 : i32
    %dma_wait3A_1292 = arith.constant 0 : i32
    %dma_wait3A_1293 = tpu.memref_slice %arg10[%dma_wait3A_1290, %dma_wait3A_1291, %dma_wait3A_1292] : memref<32x128x16xf32, #tpu.memory_space<vmem>> -> memref<1x128x16xf32, #tpu.memory_space<vmem>>
    %dma_wait3A_1294 = tpu.memref_squeeze %dma_wait3A_1293 : memref<1x128x16xf32, #tpu.memory_space<vmem>> -> memref<128x16xf32, #tpu.memory_space<vmem>>
    %dma_wait3A_1295 = arith.constant 0 : i32
    %dma_wait3A_1296 = tpu.memref_slice %arg9[%dma_wait3A_1289, %dma_wait3A_1295] : memref<32x128xi32, #tpu.memory_space<vmem>> -> memref<1x128xi32, #tpu.memory_space<vmem>>
    %dma_wait3A_1297 = tpu.memref_squeeze %dma_wait3A_1296 : memref<1x128xi32, #tpu.memory_space<vmem>> -> memref<128xi32, #tpu.memory_space<vmem>>
    %dma_wait3A_1298 = arith.constant 0 : i32
    %dma_wait3A_1299 = arith.constant 0 : i32
    %dma_wait3A_1300 = tpu.memref_slice %arg5[%dma_wait3A_1298, %dma_wait3A_1299] : memref<1000000x16xf32, #tpu.memory_space<hbm>> -> memref<1000000x16xf32, #tpu.memory_space<hbm>>
    tpu.wait_indirect_dma semaphore(%arg11 : memref<!tpu.dma_semaphore, #tpu.memory_space<semaphore_mem>>) src(%dma_wait3A_1300 : memref<1000000x16xf32, #tpu.memory_space<hbm>>) dst(%dma_wait3A_1294 : memref<128x16xf32, #tpu.memory_space<vmem>>)
    %dma_wait3A_1301 = arith.constant 12 : i32
    %dma_wait3A_1302 = arith.constant 12 : i32
    %dma_wait3A_1303 = arith.constant 0 : i32
    %dma_wait3A_1304 = arith.constant 0 : i32
    %dma_wait3A_1305 = tpu.memref_slice %arg10[%dma_wait3A_1302, %dma_wait3A_1303, %dma_wait3A_1304] : memref<32x128x16xf32, #tpu.memory_space<vmem>> -> memref<1x128x16xf32, #tpu.memory_space<vmem>>
    %dma_wait3A_1306 = tpu.memref_squeeze %dma_wait3A_1305 : memref<1x128x16xf32, #tpu.memory_space<vmem>> -> memref<128x16xf32, #tpu.memory_space<vmem>>
    %dma_wait3A_1307 = arith.constant 0 : i32
    %dma_wait3A_1308 = tpu.memref_slice %arg9[%dma_wait3A_1301, %dma_wait3A_1307] : memref<32x128xi32, #tpu.memory_space<vmem>> -> memref<1x128xi32, #tpu.memory_space<vmem>>
    %dma_wait3A_1309 = tpu.memref_squeeze %dma_wait3A_1308 : memref<1x128xi32, #tpu.memory_space<vmem>> -> memref<128xi32, #tpu.memory_space<vmem>>
    %dma_wait3A_1310 = arith.constant 0 : i32
    %dma_wait3A_1311 = arith.constant 0 : i32
    %dma_wait3A_1312 = tpu.memref_slice %arg5[%dma_wait3A_1310, %dma_wait3A_1311] : memref<1000000x16xf32, #tpu.memory_space<hbm>> -> memref<1000000x16xf32, #tpu.memory_space<hbm>>
    tpu.wait_indirect_dma semaphore(%arg11 : memref<!tpu.dma_semaphore, #tpu.memory_space<semaphore_mem>>) src(%dma_wait3A_1312 : memref<1000000x16xf32, #tpu.memory_space<hbm>>) dst(%dma_wait3A_1306 : memref<128x16xf32, #tpu.memory_space<vmem>>)
    %dma_wait3A_1313 = arith.constant 13 : i32
    %dma_wait3A_1314 = arith.constant 13 : i32
    %dma_wait3A_1315 = arith.constant 0 : i32
    %dma_wait3A_1316 = arith.constant 0 : i32
    %dma_wait3A_1317 = tpu.memref_slice %arg10[%dma_wait3A_1314, %dma_wait3A_1315, %dma_wait3A_1316] : memref<32x128x16xf32, #tpu.memory_space<vmem>> -> memref<1x128x16xf32, #tpu.memory_space<vmem>>
    %dma_wait3A_1318 = tpu.memref_squeeze %dma_wait3A_1317 : memref<1x128x16xf32, #tpu.memory_space<vmem>> -> memref<128x16xf32, #tpu.memory_space<vmem>>
    %dma_wait3A_1319 = arith.constant 0 : i32
    %dma_wait3A_1320 = tpu.memref_slice %arg9[%dma_wait3A_1313, %dma_wait3A_1319] : memref<32x128xi32, #tpu.memory_space<vmem>> -> memref<1x128xi32, #tpu.memory_space<vmem>>
    %dma_wait3A_1321 = tpu.memref_squeeze %dma_wait3A_1320 : memref<1x128xi32, #tpu.memory_space<vmem>> -> memref<128xi32, #tpu.memory_space<vmem>>
    %dma_wait3A_1322 = arith.constant 0 : i32
    %dma_wait3A_1323 = arith.constant 0 : i32
    %dma_wait3A_1324 = tpu.memref_slice %arg5[%dma_wait3A_1322, %dma_wait3A_1323] : memref<1000000x16xf32, #tpu.memory_space<hbm>> -> memref<1000000x16xf32, #tpu.memory_space<hbm>>
    tpu.wait_indirect_dma semaphore(%arg11 : memref<!tpu.dma_semaphore, #tpu.memory_space<semaphore_mem>>) src(%dma_wait3A_1324 : memref<1000000x16xf32, #tpu.memory_space<hbm>>) dst(%dma_wait3A_1318 : memref<128x16xf32, #tpu.memory_space<vmem>>)
    %dma_wait3A_1325 = arith.constant 14 : i32
    %dma_wait3A_1326 = arith.constant 14 : i32
    %dma_wait3A_1327 = arith.constant 0 : i32
    %dma_wait3A_1328 = arith.constant 0 : i32
    %dma_wait3A_1329 = tpu.memref_slice %arg10[%dma_wait3A_1326, %dma_wait3A_1327, %dma_wait3A_1328] : memref<32x128x16xf32, #tpu.memory_space<vmem>> -> memref<1x128x16xf32, #tpu.memory_space<vmem>>
    %dma_wait3A_1330 = tpu.memref_squeeze %dma_wait3A_1329 : memref<1x128x16xf32, #tpu.memory_space<vmem>> -> memref<128x16xf32, #tpu.memory_space<vmem>>
    %dma_wait3A_1331 = arith.constant 0 : i32
    %dma_wait3A_1332 = tpu.memref_slice %arg9[%dma_wait3A_1325, %dma_wait3A_1331] : memref<32x128xi32, #tpu.memory_space<vmem>> -> memref<1x128xi32, #tpu.memory_space<vmem>>
    %dma_wait3A_1333 = tpu.memref_squeeze %dma_wait3A_1332 : memref<1x128xi32, #tpu.memory_space<vmem>> -> memref<128xi32, #tpu.memory_space<vmem>>
    %dma_wait3A_1334 = arith.constant 0 : i32
    %dma_wait3A_1335 = arith.constant 0 : i32
    %dma_wait3A_1336 = tpu.memref_slice %arg5[%dma_wait3A_1334, %dma_wait3A_1335] : memref<1000000x16xf32, #tpu.memory_space<hbm>> -> memref<1000000x16xf32, #tpu.memory_space<hbm>>
    tpu.wait_indirect_dma semaphore(%arg11 : memref<!tpu.dma_semaphore, #tpu.memory_space<semaphore_mem>>) src(%dma_wait3A_1336 : memref<1000000x16xf32, #tpu.memory_space<hbm>>) dst(%dma_wait3A_1330 : memref<128x16xf32, #tpu.memory_space<vmem>>)
    %dma_wait3A_1337 = arith.constant 15 : i32
    %dma_wait3A_1338 = arith.constant 15 : i32
    %dma_wait3A_1339 = arith.constant 0 : i32
    %dma_wait3A_1340 = arith.constant 0 : i32
    %dma_wait3A_1341 = tpu.memref_slice %arg10[%dma_wait3A_1338, %dma_wait3A_1339, %dma_wait3A_1340] : memref<32x128x16xf32, #tpu.memory_space<vmem>> -> memref<1x128x16xf32, #tpu.memory_space<vmem>>
    %dma_wait3A_1342 = tpu.memref_squeeze %dma_wait3A_1341 : memref<1x128x16xf32, #tpu.memory_space<vmem>> -> memref<128x16xf32, #tpu.memory_space<vmem>>
    %dma_wait3A_1343 = arith.constant 0 : i32
    %dma_wait3A_1344 = tpu.memref_slice %arg9[%dma_wait3A_1337, %dma_wait3A_1343] : memref<32x128xi32, #tpu.memory_space<vmem>> -> memref<1x128xi32, #tpu.memory_space<vmem>>
    %dma_wait3A_1345 = tpu.memref_squeeze %dma_wait3A_1344 : memref<1x128xi32, #tpu.memory_space<vmem>> -> memref<128xi32, #tpu.memory_space<vmem>>
    %dma_wait3A_1346 = arith.constant 0 : i32
    %dma_wait3A_1347 = arith.constant 0 : i32
    %dma_wait3A_1348 = tpu.memref_slice %arg5[%dma_wait3A_1346, %dma_wait3A_1347] : memref<1000000x16xf32, #tpu.memory_space<hbm>> -> memref<1000000x16xf32, #tpu.memory_space<hbm>>
    tpu.wait_indirect_dma semaphore(%arg11 : memref<!tpu.dma_semaphore, #tpu.memory_space<semaphore_mem>>) src(%dma_wait3A_1348 : memref<1000000x16xf32, #tpu.memory_space<hbm>>) dst(%dma_wait3A_1342 : memref<128x16xf32, #tpu.memory_space<vmem>>)
    %dma_wait3A_1349 = arith.constant 16 : i32
    %dma_wait3A_1350 = arith.constant 16 : i32
    %dma_wait3A_1351 = arith.constant 0 : i32
    %dma_wait3A_1352 = arith.constant 0 : i32
    %dma_wait3A_1353 = tpu.memref_slice %arg10[%dma_wait3A_1350, %dma_wait3A_1351, %dma_wait3A_1352] : memref<32x128x16xf32, #tpu.memory_space<vmem>> -> memref<1x128x16xf32, #tpu.memory_space<vmem>>
    %dma_wait3A_1354 = tpu.memref_squeeze %dma_wait3A_1353 : memref<1x128x16xf32, #tpu.memory_space<vmem>> -> memref<128x16xf32, #tpu.memory_space<vmem>>
    %dma_wait3A_1355 = arith.constant 0 : i32
    %dma_wait3A_1356 = tpu.memref_slice %arg9[%dma_wait3A_1349, %dma_wait3A_1355] : memref<32x128xi32, #tpu.memory_space<vmem>> -> memref<1x128xi32, #tpu.memory_space<vmem>>
    %dma_wait3A_1357 = tpu.memref_squeeze %dma_wait3A_1356 : memref<1x128xi32, #tpu.memory_space<vmem>> -> memref<128xi32, #tpu.memory_space<vmem>>
    %dma_wait3A_1358 = arith.constant 0 : i32
    %dma_wait3A_1359 = arith.constant 0 : i32
    %dma_wait3A_1360 = tpu.memref_slice %arg5[%dma_wait3A_1358, %dma_wait3A_1359] : memref<1000000x16xf32, #tpu.memory_space<hbm>> -> memref<1000000x16xf32, #tpu.memory_space<hbm>>
    tpu.wait_indirect_dma semaphore(%arg11 : memref<!tpu.dma_semaphore, #tpu.memory_space<semaphore_mem>>) src(%dma_wait3A_1360 : memref<1000000x16xf32, #tpu.memory_space<hbm>>) dst(%dma_wait3A_1354 : memref<128x16xf32, #tpu.memory_space<vmem>>)
    %dma_wait3A_1361 = arith.constant 17 : i32
    %dma_wait3A_1362 = arith.constant 17 : i32
    %dma_wait3A_1363 = arith.constant 0 : i32
    %dma_wait3A_1364 = arith.constant 0 : i32
    %dma_wait3A_1365 = tpu.memref_slice %arg10[%dma_wait3A_1362, %dma_wait3A_1363, %dma_wait3A_1364] : memref<32x128x16xf32, #tpu.memory_space<vmem>> -> memref<1x128x16xf32, #tpu.memory_space<vmem>>
    %dma_wait3A_1366 = tpu.memref_squeeze %dma_wait3A_1365 : memref<1x128x16xf32, #tpu.memory_space<vmem>> -> memref<128x16xf32, #tpu.memory_space<vmem>>
    %dma_wait3A_1367 = arith.constant 0 : i32
    %dma_wait3A_1368 = tpu.memref_slice %arg9[%dma_wait3A_1361, %dma_wait3A_1367] : memref<32x128xi32, #tpu.memory_space<vmem>> -> memref<1x128xi32, #tpu.memory_space<vmem>>
    %dma_wait3A_1369 = tpu.memref_squeeze %dma_wait3A_1368 : memref<1x128xi32, #tpu.memory_space<vmem>> -> memref<128xi32, #tpu.memory_space<vmem>>
    %dma_wait3A_1370 = arith.constant 0 : i32
    %dma_wait3A_1371 = arith.constant 0 : i32
    %dma_wait3A_1372 = tpu.memref_slice %arg5[%dma_wait3A_1370, %dma_wait3A_1371] : memref<1000000x16xf32, #tpu.memory_space<hbm>> -> memref<1000000x16xf32, #tpu.memory_space<hbm>>
    tpu.wait_indirect_dma semaphore(%arg11 : memref<!tpu.dma_semaphore, #tpu.memory_space<semaphore_mem>>) src(%dma_wait3A_1372 : memref<1000000x16xf32, #tpu.memory_space<hbm>>) dst(%dma_wait3A_1366 : memref<128x16xf32, #tpu.memory_space<vmem>>)
    %dma_wait3A_1373 = arith.constant 18 : i32
    %dma_wait3A_1374 = arith.constant 18 : i32
    %dma_wait3A_1375 = arith.constant 0 : i32
    %dma_wait3A_1376 = arith.constant 0 : i32
    %dma_wait3A_1377 = tpu.memref_slice %arg10[%dma_wait3A_1374, %dma_wait3A_1375, %dma_wait3A_1376] : memref<32x128x16xf32, #tpu.memory_space<vmem>> -> memref<1x128x16xf32, #tpu.memory_space<vmem>>
    %dma_wait3A_1378 = tpu.memref_squeeze %dma_wait3A_1377 : memref<1x128x16xf32, #tpu.memory_space<vmem>> -> memref<128x16xf32, #tpu.memory_space<vmem>>
    %dma_wait3A_1379 = arith.constant 0 : i32
    %dma_wait3A_1380 = tpu.memref_slice %arg9[%dma_wait3A_1373, %dma_wait3A_1379] : memref<32x128xi32, #tpu.memory_space<vmem>> -> memref<1x128xi32, #tpu.memory_space<vmem>>
    %dma_wait3A_1381 = tpu.memref_squeeze %dma_wait3A_1380 : memref<1x128xi32, #tpu.memory_space<vmem>> -> memref<128xi32, #tpu.memory_space<vmem>>
    %dma_wait3A_1382 = arith.constant 0 : i32
    %dma_wait3A_1383 = arith.constant 0 : i32
    %dma_wait3A_1384 = tpu.memref_slice %arg5[%dma_wait3A_1382, %dma_wait3A_1383] : memref<1000000x16xf32, #tpu.memory_space<hbm>> -> memref<1000000x16xf32, #tpu.memory_space<hbm>>
    tpu.wait_indirect_dma semaphore(%arg11 : memref<!tpu.dma_semaphore, #tpu.memory_space<semaphore_mem>>) src(%dma_wait3A_1384 : memref<1000000x16xf32, #tpu.memory_space<hbm>>) dst(%dma_wait3A_1378 : memref<128x16xf32, #tpu.memory_space<vmem>>)
    %dma_wait3A_1385 = arith.constant 19 : i32
    %dma_wait3A_1386 = arith.constant 19 : i32
    %dma_wait3A_1387 = arith.constant 0 : i32
    %dma_wait3A_1388 = arith.constant 0 : i32
    %dma_wait3A_1389 = tpu.memref_slice %arg10[%dma_wait3A_1386, %dma_wait3A_1387, %dma_wait3A_1388] : memref<32x128x16xf32, #tpu.memory_space<vmem>> -> memref<1x128x16xf32, #tpu.memory_space<vmem>>
    %dma_wait3A_1390 = tpu.memref_squeeze %dma_wait3A_1389 : memref<1x128x16xf32, #tpu.memory_space<vmem>> -> memref<128x16xf32, #tpu.memory_space<vmem>>
    %dma_wait3A_1391 = arith.constant 0 : i32
    %dma_wait3A_1392 = tpu.memref_slice %arg9[%dma_wait3A_1385, %dma_wait3A_1391] : memref<32x128xi32, #tpu.memory_space<vmem>> -> memref<1x128xi32, #tpu.memory_space<vmem>>
    %dma_wait3A_1393 = tpu.memref_squeeze %dma_wait3A_1392 : memref<1x128xi32, #tpu.memory_space<vmem>> -> memref<128xi32, #tpu.memory_space<vmem>>
    %dma_wait3A_1394 = arith.constant 0 : i32
    %dma_wait3A_1395 = arith.constant 0 : i32
    %dma_wait3A_1396 = tpu.memref_slice %arg5[%dma_wait3A_1394, %dma_wait3A_1395] : memref<1000000x16xf32, #tpu.memory_space<hbm>> -> memref<1000000x16xf32, #tpu.memory_space<hbm>>
    tpu.wait_indirect_dma semaphore(%arg11 : memref<!tpu.dma_semaphore, #tpu.memory_space<semaphore_mem>>) src(%dma_wait3A_1396 : memref<1000000x16xf32, #tpu.memory_space<hbm>>) dst(%dma_wait3A_1390 : memref<128x16xf32, #tpu.memory_space<vmem>>)
    %dma_wait3A_1397 = arith.constant 20 : i32
    %dma_wait3A_1398 = arith.constant 20 : i32
    %dma_wait3A_1399 = arith.constant 0 : i32
    %dma_wait3A_1400 = arith.constant 0 : i32
    %dma_wait3A_1401 = tpu.memref_slice %arg10[%dma_wait3A_1398, %dma_wait3A_1399, %dma_wait3A_1400] : memref<32x128x16xf32, #tpu.memory_space<vmem>> -> memref<1x128x16xf32, #tpu.memory_space<vmem>>
    %dma_wait3A_1402 = tpu.memref_squeeze %dma_wait3A_1401 : memref<1x128x16xf32, #tpu.memory_space<vmem>> -> memref<128x16xf32, #tpu.memory_space<vmem>>
    %dma_wait3A_1403 = arith.constant 0 : i32
    %dma_wait3A_1404 = tpu.memref_slice %arg9[%dma_wait3A_1397, %dma_wait3A_1403] : memref<32x128xi32, #tpu.memory_space<vmem>> -> memref<1x128xi32, #tpu.memory_space<vmem>>
    %dma_wait3A_1405 = tpu.memref_squeeze %dma_wait3A_1404 : memref<1x128xi32, #tpu.memory_space<vmem>> -> memref<128xi32, #tpu.memory_space<vmem>>
    %dma_wait3A_1406 = arith.constant 0 : i32
    %dma_wait3A_1407 = arith.constant 0 : i32
    %dma_wait3A_1408 = tpu.memref_slice %arg5[%dma_wait3A_1406, %dma_wait3A_1407] : memref<1000000x16xf32, #tpu.memory_space<hbm>> -> memref<1000000x16xf32, #tpu.memory_space<hbm>>
    tpu.wait_indirect_dma semaphore(%arg11 : memref<!tpu.dma_semaphore, #tpu.memory_space<semaphore_mem>>) src(%dma_wait3A_1408 : memref<1000000x16xf32, #tpu.memory_space<hbm>>) dst(%dma_wait3A_1402 : memref<128x16xf32, #tpu.memory_space<vmem>>)
    %dma_wait3A_1409 = arith.constant 21 : i32
    %dma_wait3A_1410 = arith.constant 21 : i32
    %dma_wait3A_1411 = arith.constant 0 : i32
    %dma_wait3A_1412 = arith.constant 0 : i32
    %dma_wait3A_1413 = tpu.memref_slice %arg10[%dma_wait3A_1410, %dma_wait3A_1411, %dma_wait3A_1412] : memref<32x128x16xf32, #tpu.memory_space<vmem>> -> memref<1x128x16xf32, #tpu.memory_space<vmem>>
    %dma_wait3A_1414 = tpu.memref_squeeze %dma_wait3A_1413 : memref<1x128x16xf32, #tpu.memory_space<vmem>> -> memref<128x16xf32, #tpu.memory_space<vmem>>
    %dma_wait3A_1415 = arith.constant 0 : i32
    %dma_wait3A_1416 = tpu.memref_slice %arg9[%dma_wait3A_1409, %dma_wait3A_1415] : memref<32x128xi32, #tpu.memory_space<vmem>> -> memref<1x128xi32, #tpu.memory_space<vmem>>
    %dma_wait3A_1417 = tpu.memref_squeeze %dma_wait3A_1416 : memref<1x128xi32, #tpu.memory_space<vmem>> -> memref<128xi32, #tpu.memory_space<vmem>>
    %dma_wait3A_1418 = arith.constant 0 : i32
    %dma_wait3A_1419 = arith.constant 0 : i32
    %dma_wait3A_1420 = tpu.memref_slice %arg5[%dma_wait3A_1418, %dma_wait3A_1419] : memref<1000000x16xf32, #tpu.memory_space<hbm>> -> memref<1000000x16xf32, #tpu.memory_space<hbm>>
    tpu.wait_indirect_dma semaphore(%arg11 : memref<!tpu.dma_semaphore, #tpu.memory_space<semaphore_mem>>) src(%dma_wait3A_1420 : memref<1000000x16xf32, #tpu.memory_space<hbm>>) dst(%dma_wait3A_1414 : memref<128x16xf32, #tpu.memory_space<vmem>>)
    %dma_wait3A_1421 = arith.constant 22 : i32
    %dma_wait3A_1422 = arith.constant 22 : i32
    %dma_wait3A_1423 = arith.constant 0 : i32
    %dma_wait3A_1424 = arith.constant 0 : i32
    %dma_wait3A_1425 = tpu.memref_slice %arg10[%dma_wait3A_1422, %dma_wait3A_1423, %dma_wait3A_1424] : memref<32x128x16xf32, #tpu.memory_space<vmem>> -> memref<1x128x16xf32, #tpu.memory_space<vmem>>
    %dma_wait3A_1426 = tpu.memref_squeeze %dma_wait3A_1425 : memref<1x128x16xf32, #tpu.memory_space<vmem>> -> memref<128x16xf32, #tpu.memory_space<vmem>>
    %dma_wait3A_1427 = arith.constant 0 : i32
    %dma_wait3A_1428 = tpu.memref_slice %arg9[%dma_wait3A_1421, %dma_wait3A_1427] : memref<32x128xi32, #tpu.memory_space<vmem>> -> memref<1x128xi32, #tpu.memory_space<vmem>>
    %dma_wait3A_1429 = tpu.memref_squeeze %dma_wait3A_1428 : memref<1x128xi32, #tpu.memory_space<vmem>> -> memref<128xi32, #tpu.memory_space<vmem>>
    %dma_wait3A_1430 = arith.constant 0 : i32
    %dma_wait3A_1431 = arith.constant 0 : i32
    %dma_wait3A_1432 = tpu.memref_slice %arg5[%dma_wait3A_1430, %dma_wait3A_1431] : memref<1000000x16xf32, #tpu.memory_space<hbm>> -> memref<1000000x16xf32, #tpu.memory_space<hbm>>
    tpu.wait_indirect_dma semaphore(%arg11 : memref<!tpu.dma_semaphore, #tpu.memory_space<semaphore_mem>>) src(%dma_wait3A_1432 : memref<1000000x16xf32, #tpu.memory_space<hbm>>) dst(%dma_wait3A_1426 : memref<128x16xf32, #tpu.memory_space<vmem>>)
    %dma_wait3A_1433 = arith.constant 23 : i32
    %dma_wait3A_1434 = arith.constant 23 : i32
    %dma_wait3A_1435 = arith.constant 0 : i32
    %dma_wait3A_1436 = arith.constant 0 : i32
    %dma_wait3A_1437 = tpu.memref_slice %arg10[%dma_wait3A_1434, %dma_wait3A_1435, %dma_wait3A_1436] : memref<32x128x16xf32, #tpu.memory_space<vmem>> -> memref<1x128x16xf32, #tpu.memory_space<vmem>>
    %dma_wait3A_1438 = tpu.memref_squeeze %dma_wait3A_1437 : memref<1x128x16xf32, #tpu.memory_space<vmem>> -> memref<128x16xf32, #tpu.memory_space<vmem>>
    %dma_wait3A_1439 = arith.constant 0 : i32
    %dma_wait3A_1440 = tpu.memref_slice %arg9[%dma_wait3A_1433, %dma_wait3A_1439] : memref<32x128xi32, #tpu.memory_space<vmem>> -> memref<1x128xi32, #tpu.memory_space<vmem>>
    %dma_wait3A_1441 = tpu.memref_squeeze %dma_wait3A_1440 : memref<1x128xi32, #tpu.memory_space<vmem>> -> memref<128xi32, #tpu.memory_space<vmem>>
    %dma_wait3A_1442 = arith.constant 0 : i32
    %dma_wait3A_1443 = arith.constant 0 : i32
    %dma_wait3A_1444 = tpu.memref_slice %arg5[%dma_wait3A_1442, %dma_wait3A_1443] : memref<1000000x16xf32, #tpu.memory_space<hbm>> -> memref<1000000x16xf32, #tpu.memory_space<hbm>>
    tpu.wait_indirect_dma semaphore(%arg11 : memref<!tpu.dma_semaphore, #tpu.memory_space<semaphore_mem>>) src(%dma_wait3A_1444 : memref<1000000x16xf32, #tpu.memory_space<hbm>>) dst(%dma_wait3A_1438 : memref<128x16xf32, #tpu.memory_space<vmem>>)
    %dma_wait3A_1445 = arith.constant 24 : i32
    %dma_wait3A_1446 = arith.constant 24 : i32
    %dma_wait3A_1447 = arith.constant 0 : i32
    %dma_wait3A_1448 = arith.constant 0 : i32
    %dma_wait3A_1449 = tpu.memref_slice %arg10[%dma_wait3A_1446, %dma_wait3A_1447, %dma_wait3A_1448] : memref<32x128x16xf32, #tpu.memory_space<vmem>> -> memref<1x128x16xf32, #tpu.memory_space<vmem>>
    %dma_wait3A_1450 = tpu.memref_squeeze %dma_wait3A_1449 : memref<1x128x16xf32, #tpu.memory_space<vmem>> -> memref<128x16xf32, #tpu.memory_space<vmem>>
    %dma_wait3A_1451 = arith.constant 0 : i32
    %dma_wait3A_1452 = tpu.memref_slice %arg9[%dma_wait3A_1445, %dma_wait3A_1451] : memref<32x128xi32, #tpu.memory_space<vmem>> -> memref<1x128xi32, #tpu.memory_space<vmem>>
    %dma_wait3A_1453 = tpu.memref_squeeze %dma_wait3A_1452 : memref<1x128xi32, #tpu.memory_space<vmem>> -> memref<128xi32, #tpu.memory_space<vmem>>
    %dma_wait3A_1454 = arith.constant 0 : i32
    %dma_wait3A_1455 = arith.constant 0 : i32
    %dma_wait3A_1456 = tpu.memref_slice %arg5[%dma_wait3A_1454, %dma_wait3A_1455] : memref<1000000x16xf32, #tpu.memory_space<hbm>> -> memref<1000000x16xf32, #tpu.memory_space<hbm>>
    tpu.wait_indirect_dma semaphore(%arg11 : memref<!tpu.dma_semaphore, #tpu.memory_space<semaphore_mem>>) src(%dma_wait3A_1456 : memref<1000000x16xf32, #tpu.memory_space<hbm>>) dst(%dma_wait3A_1450 : memref<128x16xf32, #tpu.memory_space<vmem>>)
    %dma_wait3A_1457 = arith.constant 25 : i32
    %dma_wait3A_1458 = arith.constant 25 : i32
    %dma_wait3A_1459 = arith.constant 0 : i32
    %dma_wait3A_1460 = arith.constant 0 : i32
    %dma_wait3A_1461 = tpu.memref_slice %arg10[%dma_wait3A_1458, %dma_wait3A_1459, %dma_wait3A_1460] : memref<32x128x16xf32, #tpu.memory_space<vmem>> -> memref<1x128x16xf32, #tpu.memory_space<vmem>>
    %dma_wait3A_1462 = tpu.memref_squeeze %dma_wait3A_1461 : memref<1x128x16xf32, #tpu.memory_space<vmem>> -> memref<128x16xf32, #tpu.memory_space<vmem>>
    %dma_wait3A_1463 = arith.constant 0 : i32
    %dma_wait3A_1464 = tpu.memref_slice %arg9[%dma_wait3A_1457, %dma_wait3A_1463] : memref<32x128xi32, #tpu.memory_space<vmem>> -> memref<1x128xi32, #tpu.memory_space<vmem>>
    %dma_wait3A_1465 = tpu.memref_squeeze %dma_wait3A_1464 : memref<1x128xi32, #tpu.memory_space<vmem>> -> memref<128xi32, #tpu.memory_space<vmem>>
    %dma_wait3A_1466 = arith.constant 0 : i32
    %dma_wait3A_1467 = arith.constant 0 : i32
    %dma_wait3A_1468 = tpu.memref_slice %arg5[%dma_wait3A_1466, %dma_wait3A_1467] : memref<1000000x16xf32, #tpu.memory_space<hbm>> -> memref<1000000x16xf32, #tpu.memory_space<hbm>>
    tpu.wait_indirect_dma semaphore(%arg11 : memref<!tpu.dma_semaphore, #tpu.memory_space<semaphore_mem>>) src(%dma_wait3A_1468 : memref<1000000x16xf32, #tpu.memory_space<hbm>>) dst(%dma_wait3A_1462 : memref<128x16xf32, #tpu.memory_space<vmem>>)
    %dma_wait3A_1469 = arith.constant 26 : i32
    %dma_wait3A_1470 = arith.constant 26 : i32
    %dma_wait3A_1471 = arith.constant 0 : i32
    %dma_wait3A_1472 = arith.constant 0 : i32
    %dma_wait3A_1473 = tpu.memref_slice %arg10[%dma_wait3A_1470, %dma_wait3A_1471, %dma_wait3A_1472] : memref<32x128x16xf32, #tpu.memory_space<vmem>> -> memref<1x128x16xf32, #tpu.memory_space<vmem>>
    %dma_wait3A_1474 = tpu.memref_squeeze %dma_wait3A_1473 : memref<1x128x16xf32, #tpu.memory_space<vmem>> -> memref<128x16xf32, #tpu.memory_space<vmem>>
    %dma_wait3A_1475 = arith.constant 0 : i32
    %dma_wait3A_1476 = tpu.memref_slice %arg9[%dma_wait3A_1469, %dma_wait3A_1475] : memref<32x128xi32, #tpu.memory_space<vmem>> -> memref<1x128xi32, #tpu.memory_space<vmem>>
    %dma_wait3A_1477 = tpu.memref_squeeze %dma_wait3A_1476 : memref<1x128xi32, #tpu.memory_space<vmem>> -> memref<128xi32, #tpu.memory_space<vmem>>
    %dma_wait3A_1478 = arith.constant 0 : i32
    %dma_wait3A_1479 = arith.constant 0 : i32
    %dma_wait3A_1480 = tpu.memref_slice %arg5[%dma_wait3A_1478, %dma_wait3A_1479] : memref<1000000x16xf32, #tpu.memory_space<hbm>> -> memref<1000000x16xf32, #tpu.memory_space<hbm>>
    tpu.wait_indirect_dma semaphore(%arg11 : memref<!tpu.dma_semaphore, #tpu.memory_space<semaphore_mem>>) src(%dma_wait3A_1480 : memref<1000000x16xf32, #tpu.memory_space<hbm>>) dst(%dma_wait3A_1474 : memref<128x16xf32, #tpu.memory_space<vmem>>)
    %dma_wait3A_1481 = arith.constant 27 : i32
    %dma_wait3A_1482 = arith.constant 27 : i32
    %dma_wait3A_1483 = arith.constant 0 : i32
    %dma_wait3A_1484 = arith.constant 0 : i32
    %dma_wait3A_1485 = tpu.memref_slice %arg10[%dma_wait3A_1482, %dma_wait3A_1483, %dma_wait3A_1484] : memref<32x128x16xf32, #tpu.memory_space<vmem>> -> memref<1x128x16xf32, #tpu.memory_space<vmem>>
    %dma_wait3A_1486 = tpu.memref_squeeze %dma_wait3A_1485 : memref<1x128x16xf32, #tpu.memory_space<vmem>> -> memref<128x16xf32, #tpu.memory_space<vmem>>
    %dma_wait3A_1487 = arith.constant 0 : i32
    %dma_wait3A_1488 = tpu.memref_slice %arg9[%dma_wait3A_1481, %dma_wait3A_1487] : memref<32x128xi32, #tpu.memory_space<vmem>> -> memref<1x128xi32, #tpu.memory_space<vmem>>
    %dma_wait3A_1489 = tpu.memref_squeeze %dma_wait3A_1488 : memref<1x128xi32, #tpu.memory_space<vmem>> -> memref<128xi32, #tpu.memory_space<vmem>>
    %dma_wait3A_1490 = arith.constant 0 : i32
    %dma_wait3A_1491 = arith.constant 0 : i32
    %dma_wait3A_1492 = tpu.memref_slice %arg5[%dma_wait3A_1490, %dma_wait3A_1491] : memref<1000000x16xf32, #tpu.memory_space<hbm>> -> memref<1000000x16xf32, #tpu.memory_space<hbm>>
    tpu.wait_indirect_dma semaphore(%arg11 : memref<!tpu.dma_semaphore, #tpu.memory_space<semaphore_mem>>) src(%dma_wait3A_1492 : memref<1000000x16xf32, #tpu.memory_space<hbm>>) dst(%dma_wait3A_1486 : memref<128x16xf32, #tpu.memory_space<vmem>>)
    %dma_wait3A_1493 = arith.constant 28 : i32
    %dma_wait3A_1494 = arith.constant 28 : i32
    %dma_wait3A_1495 = arith.constant 0 : i32
    %dma_wait3A_1496 = arith.constant 0 : i32
    %dma_wait3A_1497 = tpu.memref_slice %arg10[%dma_wait3A_1494, %dma_wait3A_1495, %dma_wait3A_1496] : memref<32x128x16xf32, #tpu.memory_space<vmem>> -> memref<1x128x16xf32, #tpu.memory_space<vmem>>
    %dma_wait3A_1498 = tpu.memref_squeeze %dma_wait3A_1497 : memref<1x128x16xf32, #tpu.memory_space<vmem>> -> memref<128x16xf32, #tpu.memory_space<vmem>>
    %dma_wait3A_1499 = arith.constant 0 : i32
    %dma_wait3A_1500 = tpu.memref_slice %arg9[%dma_wait3A_1493, %dma_wait3A_1499] : memref<32x128xi32, #tpu.memory_space<vmem>> -> memref<1x128xi32, #tpu.memory_space<vmem>>
    %dma_wait3A_1501 = tpu.memref_squeeze %dma_wait3A_1500 : memref<1x128xi32, #tpu.memory_space<vmem>> -> memref<128xi32, #tpu.memory_space<vmem>>
    %dma_wait3A_1502 = arith.constant 0 : i32
    %dma_wait3A_1503 = arith.constant 0 : i32
    %dma_wait3A_1504 = tpu.memref_slice %arg5[%dma_wait3A_1502, %dma_wait3A_1503] : memref<1000000x16xf32, #tpu.memory_space<hbm>> -> memref<1000000x16xf32, #tpu.memory_space<hbm>>
    tpu.wait_indirect_dma semaphore(%arg11 : memref<!tpu.dma_semaphore, #tpu.memory_space<semaphore_mem>>) src(%dma_wait3A_1504 : memref<1000000x16xf32, #tpu.memory_space<hbm>>) dst(%dma_wait3A_1498 : memref<128x16xf32, #tpu.memory_space<vmem>>)
    %dma_wait3A_1505 = arith.constant 29 : i32
    %dma_wait3A_1506 = arith.constant 29 : i32
    %dma_wait3A_1507 = arith.constant 0 : i32
    %dma_wait3A_1508 = arith.constant 0 : i32
    %dma_wait3A_1509 = tpu.memref_slice %arg10[%dma_wait3A_1506, %dma_wait3A_1507, %dma_wait3A_1508] : memref<32x128x16xf32, #tpu.memory_space<vmem>> -> memref<1x128x16xf32, #tpu.memory_space<vmem>>
    %dma_wait3A_1510 = tpu.memref_squeeze %dma_wait3A_1509 : memref<1x128x16xf32, #tpu.memory_space<vmem>> -> memref<128x16xf32, #tpu.memory_space<vmem>>
    %dma_wait3A_1511 = arith.constant 0 : i32
    %dma_wait3A_1512 = tpu.memref_slice %arg9[%dma_wait3A_1505, %dma_wait3A_1511] : memref<32x128xi32, #tpu.memory_space<vmem>> -> memref<1x128xi32, #tpu.memory_space<vmem>>
    %dma_wait3A_1513 = tpu.memref_squeeze %dma_wait3A_1512 : memref<1x128xi32, #tpu.memory_space<vmem>> -> memref<128xi32, #tpu.memory_space<vmem>>
    %dma_wait3A_1514 = arith.constant 0 : i32
    %dma_wait3A_1515 = arith.constant 0 : i32
    %dma_wait3A_1516 = tpu.memref_slice %arg5[%dma_wait3A_1514, %dma_wait3A_1515] : memref<1000000x16xf32, #tpu.memory_space<hbm>> -> memref<1000000x16xf32, #tpu.memory_space<hbm>>
    tpu.wait_indirect_dma semaphore(%arg11 : memref<!tpu.dma_semaphore, #tpu.memory_space<semaphore_mem>>) src(%dma_wait3A_1516 : memref<1000000x16xf32, #tpu.memory_space<hbm>>) dst(%dma_wait3A_1510 : memref<128x16xf32, #tpu.memory_space<vmem>>)
    %dma_wait3A_1517 = arith.constant 30 : i32
    %dma_wait3A_1518 = arith.constant 30 : i32
    %dma_wait3A_1519 = arith.constant 0 : i32
    %dma_wait3A_1520 = arith.constant 0 : i32
    %dma_wait3A_1521 = tpu.memref_slice %arg10[%dma_wait3A_1518, %dma_wait3A_1519, %dma_wait3A_1520] : memref<32x128x16xf32, #tpu.memory_space<vmem>> -> memref<1x128x16xf32, #tpu.memory_space<vmem>>
    %dma_wait3A_1522 = tpu.memref_squeeze %dma_wait3A_1521 : memref<1x128x16xf32, #tpu.memory_space<vmem>> -> memref<128x16xf32, #tpu.memory_space<vmem>>
    %dma_wait3A_1523 = arith.constant 0 : i32
    %dma_wait3A_1524 = tpu.memref_slice %arg9[%dma_wait3A_1517, %dma_wait3A_1523] : memref<32x128xi32, #tpu.memory_space<vmem>> -> memref<1x128xi32, #tpu.memory_space<vmem>>
    %dma_wait3A_1525 = tpu.memref_squeeze %dma_wait3A_1524 : memref<1x128xi32, #tpu.memory_space<vmem>> -> memref<128xi32, #tpu.memory_space<vmem>>
    %dma_wait3A_1526 = arith.constant 0 : i32
    %dma_wait3A_1527 = arith.constant 0 : i32
    %dma_wait3A_1528 = tpu.memref_slice %arg5[%dma_wait3A_1526, %dma_wait3A_1527] : memref<1000000x16xf32, #tpu.memory_space<hbm>> -> memref<1000000x16xf32, #tpu.memory_space<hbm>>
    tpu.wait_indirect_dma semaphore(%arg11 : memref<!tpu.dma_semaphore, #tpu.memory_space<semaphore_mem>>) src(%dma_wait3A_1528 : memref<1000000x16xf32, #tpu.memory_space<hbm>>) dst(%dma_wait3A_1522 : memref<128x16xf32, #tpu.memory_space<vmem>>)
    %dma_wait3A_1529 = arith.constant 31 : i32
    %dma_wait3A_1530 = arith.constant 31 : i32
    %dma_wait3A_1531 = arith.constant 0 : i32
    %dma_wait3A_1532 = arith.constant 0 : i32
    %dma_wait3A_1533 = tpu.memref_slice %arg10[%dma_wait3A_1530, %dma_wait3A_1531, %dma_wait3A_1532] : memref<32x128x16xf32, #tpu.memory_space<vmem>> -> memref<1x128x16xf32, #tpu.memory_space<vmem>>
    %dma_wait3A_1534 = tpu.memref_squeeze %dma_wait3A_1533 : memref<1x128x16xf32, #tpu.memory_space<vmem>> -> memref<128x16xf32, #tpu.memory_space<vmem>>
    %dma_wait3A_1535 = arith.constant 0 : i32
    %dma_wait3A_1536 = tpu.memref_slice %arg9[%dma_wait3A_1529, %dma_wait3A_1535] : memref<32x128xi32, #tpu.memory_space<vmem>> -> memref<1x128xi32, #tpu.memory_space<vmem>>
    %dma_wait3A_1537 = tpu.memref_squeeze %dma_wait3A_1536 : memref<1x128xi32, #tpu.memory_space<vmem>> -> memref<128xi32, #tpu.memory_space<vmem>>
    %dma_wait3A_1538 = arith.constant 0 : i32
    %dma_wait3A_1539 = arith.constant 0 : i32
    %dma_wait3A_1540 = tpu.memref_slice %arg5[%dma_wait3A_1538, %dma_wait3A_1539] : memref<1000000x16xf32, #tpu.memory_space<hbm>> -> memref<1000000x16xf32, #tpu.memory_space<hbm>>
    tpu.wait_indirect_dma semaphore(%arg11 : memref<!tpu.dma_semaphore, #tpu.memory_space<semaphore_mem>>) src(%dma_wait3A_1540 : memref<1000000x16xf32, #tpu.memory_space<hbm>>) dst(%dma_wait3A_1534 : memref<128x16xf32, #tpu.memory_space<vmem>>)
    %mul3A_1541 = arith.constant 32 : i32
    %mul3A_1542 = arith.muli %add3A, %mul3A_1541 : i32
    "tpu.region"() ({
      %run_scoped3A = tpu.sem_alloc : memref<!tpu.dma_semaphore, #tpu.memory_space<semaphore_mem>>
      %dma_start3A_1543 = arith.constant 0 : i32
      %dma_start3A_1544 = arith.constant 0 : i32
      %dma_start3A_1545 = tpu.memref_slice %arg7[%mul3A_1542, %dma_start3A_1543, %dma_start3A_1544] : memref<1024x128x16xf32, #tpu.memory_space<hbm>> -> memref<32x128x16xf32, #tpu.memory_space<hbm>>
      %dma_start3A_1546 = arith.constant 0 : i32
      %dma_start3A_1547 = arith.constant 0 : i32
      %dma_start3A_1548 = tpu.memref_slice %arg7[%mul3A_1542, %dma_start3A_1546, %dma_start3A_1547] : memref<1024x128x16xf32, #tpu.memory_space<hbm>> -> memref<32x128x16xf32, #tpu.memory_space<hbm>>
      tpu.enqueue_dma source(%arg10 : memref<32x128x16xf32, #tpu.memory_space<vmem>>) target(%dma_start3A_1548 : memref<32x128x16xf32, #tpu.memory_space<hbm>>) target_semaphore(%run_scoped3A : memref<!tpu.dma_semaphore, #tpu.memory_space<semaphore_mem>>)
      %dma_wait3A_1549 = arith.constant 0 : i32
      %dma_wait3A_1550 = arith.constant 0 : i32
      %dma_wait3A_1551 = tpu.memref_slice %arg7[%mul3A_1542, %dma_wait3A_1549, %dma_wait3A_1550] : memref<1024x128x16xf32, #tpu.memory_space<hbm>> -> memref<32x128x16xf32, #tpu.memory_space<hbm>>
      %dma_wait3A_1552 = arith.constant 0 : i32
      %dma_wait3A_1553 = arith.constant 0 : i32
      %dma_wait3A_1554 = tpu.memref_slice %arg7[%mul3A_1542, %dma_wait3A_1552, %dma_wait3A_1553] : memref<1024x128x16xf32, #tpu.memory_space<hbm>> -> memref<32x128x16xf32, #tpu.memory_space<hbm>>
      tpu.wait_dma2 semaphore(%run_scoped3A : memref<!tpu.dma_semaphore, #tpu.memory_space<semaphore_mem>>) src(%arg10 : memref<32x128x16xf32, #tpu.memory_space<vmem>>) dst(%dma_wait3A_1554 : memref<32x128x16xf32, #tpu.memory_space<hbm>>)
      tpu.yield
    }) : () -> ()
    return
  }
}

module attributes {stable_mosaic.version = 14 : i64} {
  func.func @_tc_dense(%arg0: i32, %arg1: memref<2048x128xf32, #tpu.memory_space<vmem>>, %arg2: memref<2048x128xf32, #tpu.memory_space<vmem>>, %arg3: memref<128x128xf32, #tpu.memory_space<vmem>>, %arg4: memref<1x128xf32, #tpu.memory_space<vmem>>, %arg5: memref<2048xf32, #tpu.memory_space<vmem>>) attributes {dimension_semantics = [#tpu.dimension_semantics<arbitrary>], iteration_bounds = array<i64: 8>, scalar_prefetch = 0 : i64, scratch_operands = 0 : i64, tpu.core_type = #tpu.core_type<tc>, window_params = [{transform_indices = @transform_0, window_bounds = array<i64: 2048, 128>}, {transform_indices = @transform_1, window_bounds = array<i64: 2048, 128>}, {pipeline_mode = #tpu.pipeline_mode<synchronous>, transform_indices = @transform_2, window_bounds = array<i64: 128, 128>}, {pipeline_mode = #tpu.pipeline_mode<synchronous>, transform_indices = @transform_3, window_bounds = array<i64: 1, 128>}, {transform_indices = @transform_4, window_bounds = array<i64: 2048>}]} {
    %get3A = arith.constant 0 : index
    %get3A_0 = arith.constant 0 : index
    %get3A_1 = vector.load %arg1[%get3A, %get3A_0] : memref<2048x128xf32, #tpu.memory_space<vmem>>, vector<2048x128xf32>
    %get3A_2 = arith.constant 0 : index
    %get3A_3 = arith.constant 0 : index
    %get3A_4 = vector.load %arg3[%get3A_2, %get3A_3] : memref<128x128xf32, #tpu.memory_space<vmem>>, vector<128x128xf32>
    %dot_general3A = arith.constant dense<0.000000e+00> : vector<2048x128xf32>
    %dot_general3A_5 = tpu.matmul %get3A_1, %get3A_4, %dot_general3A {dimension_numbers = #tpu.dot_dimension_numbers<[1], [0], [0], [1], [0, 0, 1, 1], [], []>, transpose_lhs_hint = false} : vector<2048x128xf32>, vector<128x128xf32>, vector<2048x128xf32> -> vector<2048x128xf32>
    %get3A_6 = arith.constant 0 : index
    %get3A_7 = arith.constant 0 : index
    %get3A_8 = vector.load %arg4[%get3A_6, %get3A_7] : memref<1x128xf32, #tpu.memory_space<vmem>>, vector<1x128xf32>
    %add3A = vector.broadcast %get3A_8 : vector<1x128xf32> to vector<2048x128xf32>
    %add3A_9 = arith.addf %dot_general3A_5, %add3A : vector<2048x128xf32>
    %max3A = arith.constant 0.000000e+00 : f32
    %max3A_10 = vector.broadcast %max3A : f32 to vector<2048x128xf32>
    %max3A_11 = arith.maximumf %add3A_9, %max3A_10 : vector<2048x128xf32>
    %get3A_12 = arith.constant 0 : index
    %get3A_13 = arith.constant 0 : index
    %get3A_14 = vector.load %arg2[%get3A_12, %get3A_13] : memref<2048x128xf32, #tpu.memory_space<vmem>>, vector<2048x128xf32>
    %mul3A = arith.mulf %max3A_11, %get3A_14 : vector<2048x128xf32>
    %reduce_sum3A = arith.constant dense<0.000000e+00> : vector<2048xf32>
    %reduce_sum3A_15 = vector.multi_reduction <add>, %mul3A, %reduce_sum3A [1] : vector<2048x128xf32> to vector<2048xf32>
    %neg3A = arith.constant 0.000000e+00 : f32
    %neg3A_16 = vector.broadcast %neg3A : f32 to vector<2048xf32>
    %neg3A_17 = arith.subf %neg3A_16, %reduce_sum3A_15 : vector<2048xf32>
    %exp3A = math.exp %neg3A_17 : vector<2048xf32>
    %add3A_18 = arith.constant 1.000000e+00 : f32
    %add3A_19 = vector.broadcast %add3A_18 : f32 to vector<2048xf32>
    %add3A_20 = arith.addf %add3A_19, %exp3A : vector<2048xf32>
    %div3A = arith.constant 1.000000e+00 : f32
    %div3A_21 = vector.broadcast %div3A : f32 to vector<2048xf32>
    %div3A_22 = arith.divf %div3A_21, %add3A_20 : vector<2048xf32>
    %swap3A = arith.constant 0 : index
    %swap3A_23 = vector.load %arg5[%swap3A] : memref<2048xf32, #tpu.memory_space<vmem>>, vector<2048xf32>
    tpu.vector_store %arg5[%swap3A], %div3A_22 {strides = array<i32>} : memref<2048xf32, #tpu.memory_space<vmem>>, vector<2048xf32>,
    return
  }
  func.func @transform_0(%arg0: i32) -> (i32, i32) {
    %c0_i32 = arith.constant 0 : i32
    %c0_i32_0 = arith.constant 0 : i32
    return %arg0, %c0_i32 : i32, i32
  }
  func.func @transform_1(%arg0: i32) -> (i32, i32) {
    %c0_i32 = arith.constant 0 : i32
    %c0_i32_0 = arith.constant 0 : i32
    return %arg0, %c0_i32 : i32, i32
  }
  func.func @transform_2(%arg0: i32) -> (i32, i32) {
    %c0_i32 = arith.constant 0 : i32
    %c0_i32_0 = arith.constant 0 : i32
    %c0_i32_1 = arith.constant 0 : i32
    return %c0_i32, %c0_i32_0 : i32, i32
  }
  func.func @transform_3(%arg0: i32) -> (i32, i32) {
    %c0_i32 = arith.constant 0 : i32
    %c0_i32_0 = arith.constant 0 : i32
    %c0_i32_1 = arith.constant 0 : i32
    return %c0_i32, %c0_i32_0 : i32, i32
  }
  func.func @transform_4(%arg0: i32) -> i32 {
    %c0_i32 = arith.constant 0 : i32
    return %arg0 : i32
  }
}

</mosaic_0001>

<sc_bundles>
// kernel: kernel.4.cloned.1.call-start
scs
__scs_entry_jumppad:
0x0: {  	(pc) =	sbr.rel $0x88, $3  }
0x1: {  	(tag) =	ssettag $0x0;
	lr =	simm.s32 $0x1  }
0x2: {  	[smem:$0x3F9B] =	sst lr;
	_ =	strace $0xD0000000  }
0x3: {  	_ = 	snop  }
0x4: {  	_ = 	snop  }
0x5: {  	_ = 	snop  }
0x6: {  	_ = 	snop  }
0x7: {  	_ = 	snop  }
__scs_overlays_trampoline_lowered:
0x8: {  	[smem:$0x3FAA] =	sst s0  }
0x9: {  	[smem:$0x3FAB] =	sst s1  }
0xa: {  	[smem:$0x3FAC] =	sst s2  }
0xb: {  	[smem:$0x3FAD] =	sst s3  }
0xc: {  	[smem:$0x3FAE] =	sst s4  }
0xd: {  	[smem:$0x3FAF] =	sst s5  }
0xe: {  	[smem:$0x3FB0] =	sst s6  }
0xf: {  	[smem:$0x3FB1] =	sst s7  }
0x10: {  	[smem:$0x3FB2] =	sst s8  }
0x11: {  	[smem:$0x3FB3] =	sst s9;
	s0 =	simm.s32 @!p0 $0x0  }
0x12: {  	s1 =	sld [smem:$0x3F99];
	s0 =	simm.s32 @p0 $0x1  }
0x13: {  	[smem:$0x3FB4] =	sst s0;
	s0 =	simm.s32 @!p1 $0x0  }
0x14: {  	s2 =	sld [smem:$0x3F98];
	s0 =	simm.s32 @p1 $0x1  }
0x15: {  	[smem:$0x3FB5] =	sst s0;
	s0 =	simm.s32 @!p2 $0x0  }
0x16: {  	s3 =	sld [smem:$0x3FDB];
	s0 =	simm.s32 @p2 $0x1  }
0x17: {  	s4 =	simm.s32 $0x1BF5;
	[smem:$0x3FB7] =	sst s0  }
0x18: {  	s0 =	sld [smem:$0x3F9A];
	_ =	swait.ge [sflag:s4], $0x0  }
0x19: {  	s7 =	sld [smem:$0x3F9B]  }
0x1a: {  	s8 =	sadd.s32 $0xFFFFE003, lr  }
0x1b: {  	s9 =	sadd.s32 $0xFFFFFEF7, lr;
	s5 =	simm.s32 $0xFFFFFFFF;
	p2 =	slt.u32 s8, $0xFFFFF086  }
0x1c: {  	p1 =	slt.u32 s9, $0xF7A;
	s5 =	simm.s32 @!p2 $0x0  }
0x1d: {  	s5 =	simm.s32 @p1 $0x1;
	p0 =	seq.s32 s7, s2  }
0x1e: {  	s7 =	smul.u32 @!p0 $0xF7A, s2;
	p2 =	seq.s32 @!p0 s5, $0x0  }
0x1f: {  	s9 =	smul.u32 $0xF7A, s1;
	s8 =	simm.s32 @!p0 $0x1BF5;
	p2 =	por !p2, p0  }
0x20: {  	[sflag:s8] =	ssyncset.s32 @!p0 $0xFFFFF086;
	s6 =	sadd.s32 @!p0 s3, s7;
	s7 =	simm.s32 @!p0 $0x108  }
0x21: {  	s3 =	sadd.s32 s3, s9;
	s6 =	sadd.s32 @!p0 $0x88, s6;
	s7 =	simm.s32 @p2 $0x1082  }
0x22: {  	[simem:s7], [sflag:s8] =	dma.local @!p0 [hbm:s6], $0xF7A  }
0x23: {  	s9 =	sor.u32 $0xD0000000, s2;
	s6 =	simm.s32 $0x108;
	_ =	swait.ge @!p0 [sflag:s8], $0x0  }
0x24: {  	s3 =	sadd.s32 $0x88, s3;
	s6 =	simm.s32 @!p1 $0x1082;
	[sflag:s4] =	ssyncset.s32 $0xFFFFF086  }
0x25: {  	[simem:s6], [sflag:s4] =	dma.local [hbm:s3], $0xF7A  }
0x26: {  	[smem:$0x3F9B] =	sst s1;
	(tag) =	ssettag s2;
	_ =	strace s9  }
0x27: {  	s1 =	sld [smem:$0x3FAB]  }
0x28: {  	s2 =	sld [smem:$0x3FAC]  }
0x29: {  	s4 =	sld [smem:$0x3FAE]  }
0x2a: {  	p0 =	seq.s32 s5, $0x0;
	s5 =	sld [smem:$0x3FAF]  }
0x2b: {  	s6 =	sld [smem:$0x3FB0]  }
0x2c: {  	s7 =	sld [smem:$0x3FB1]  }
0x2d: {  	s3 =	simm.s32 $0x108;
	s8 =	sld [smem:$0x3FB2]  }
0x2e: {  	s3 =	simm.s32 @!p0 $0x1082;
	s9 =	sld [smem:$0x3FB3]  }
0x2f: {  	lr =	sadd.s32 s0, s3;
	s0 =	sld [smem:$0x3FAA]  }
0x30: {  	s3 =	sld [smem:$0x3FAD]  }
0x31: {  	[smem:$0x3FB6] =	sst s10  }
0x32: {  	s10 =	sld [smem:$0x3FB4];
	_ =	sdelay $0x3  }
0x33: {  	p0 =	seq.s32 s10, $0x1;
	s10 =	sld [smem:$0x3FB6];
	_ =	sdelay $0x3  }
0x34: {  	[smem:$0x3FB6] =	sst s10  }
0x35: {  	s10 =	sld [smem:$0x3FB5];
	_ =	sdelay $0x3  }
0x36: {  	p1 =	seq.s32 s10, $0x1;
	s10 =	sld [smem:$0x3FB6];
	_ =	sdelay $0x3  }
0x37: {  	[smem:$0x3FB6] =	sst s10  }
0x38: {  	s10 =	sld [smem:$0x3FB7]  }
0x39: {  	_ = 	snop;
	(pc) =	sbr.ind lr, $3  }
0x3a: {  	_ = 	snop  }
0x3b: {  	_ = 	snop  }
0x3c: {  	p2 =	seq.s32 s10, $0x1;
	s10 =	sld [smem:$0x3FB6]  }
0x3d: {  	_ =	shalt  }
0x3e: {  	_ =	shalt  }
0x3f: {  	_ =	shalt  }
0x40: {  	_ =	shalt  }
0x41: {  	_ =	shalt  }
0x42: {  	_ =	shalt  }
0x43: {  	_ =	shalt  }
0x44: {  	_ =	shalt  }
0x45: {  	_ =	shalt  }
0x46: {  	_ =	shalt  }
0x47: {  	_ =	shalt  }
0x48: {  	_ =	shalt  }
0x49: {  	_ =	shalt  }
0x4a: {  	_ =	shalt  }
0x4b: {  	_ =	shalt  }
0x4c: {  	_ =	shalt  }
0x4d: {  	_ =	shalt  }
0x4e: {  	_ =	shalt  }
0x4f: {  	_ =	shalt  }
0x50: {  	_ =	shalt  }
0x51: {  	_ =	shalt  }
0x52: {  	_ =	shalt  }
0x53: {  	_ =	shalt  }
0x54: {  	_ =	shalt  }
0x55: {  	_ =	shalt  }
0x56: {  	_ =	shalt  }
0x57: {  	_ =	shalt  }
0x58: {  	_ =	shalt  }
0x59: {  	_ =	shalt  }
0x5a: {  	_ =	shalt  }
0x5b: {  	_ =	shalt  }
0x5c: {  	_ =	shalt  }
0x5d: {  	_ =	shalt  }
0x5e: {  	_ =	shalt  }
0x5f: {  	_ =	shalt  }
0x60: {  	_ =	shalt  }
0x61: {  	_ =	shalt  }
0x62: {  	_ =	shalt  }
0x63: {  	_ =	shalt  }
0x64: {  	_ =	shalt  }
0x65: {  	_ =	shalt  }
0x66: {  	_ =	shalt  }
0x67: {  	_ =	shalt  }
0x68: {  	_ =	shalt  }
0x69: {  	_ =	shalt  }
0x6a: {  	_ =	shalt  }
0x6b: {  	_ =	shalt  }
0x6c: {  	_ =	shalt  }
0x6d: {  	_ =	shalt  }
0x6e: {  	_ =	shalt  }
0x6f: {  	_ =	shalt  }
0x70: {  	_ =	shalt  }
0x71: {  	_ =	shalt  }
0x72: {  	_ =	shalt  }
0x73: {  	_ =	shalt  }
0x74: {  	_ =	shalt  }
0x75: {  	_ =	shalt  }
0x76: {  	_ =	shalt  }
0x77: {  	_ =	shalt  }
0x78: {  	_ =	shalt  }
0x79: {  	_ =	shalt  }
0x7a: {  	_ =	shalt  }
0x7b: {  	_ =	shalt  }
0x7c: {  	_ =	shalt  }
0x7d: {  	_ =	shalt  }
0x7e: {  	_ =	shalt  }
0x7f: {  	_ =	shalt  }
0x80: {  	_ =	shalt  }
0x81: {  	_ =	shalt  }
0x82: {  	_ =	shalt  }
0x83: {  	_ =	shalt  }
0x84: {  	_ =	shalt  }
0x85: {  	_ =	shalt  }
0x86: {  	_ =	shalt  }
0x87: {  	_ =	shalt  }
.Lfunc_end0:
.L_simem_size_0:
called_computation_lowered:
.L_overlay_start_0:
0x88: {  	s2 =	sld [smem:$0x3FD9]  }
0x89: {  	s3 =	sld [smem:$0x3FFE];
	_ =	sdelay $0x1  }
0x8a: {  	s1 =	srdreg.scid  }
0x8b: {  	s0 =	sand.u32 $0x1, s1  }
0x8c: {  	s16 =	sshll.u32 s0, $0xA;
	s2 =	sadd.s32 s3, s2  }
0x8d: {  	s2 =	sadd.s32 s2, s16  }
0x8e: {  	[smem:$0x3FC2] =	sst s2  }
0x8f: {  	_ = 	snop  }
0x90: {  	(tm) =	ssettm $0x1  }
0x91: {  	s17 =	sld [smem:$0x3FFB];
	_ =	sdelay $0x3  }
0x92: {  	_ =	strace s17  }
0x93: {  	s2 =	sld [smem:$0x3FFC];
	_ =	sdelay $0x3  }
0x94: {  	_ =	strace s2  }
0x95: {  	s2 =	sld [smem:$0x3FFD];
	_ =	sdelay $0x3  }
0x96: {  	_ =	strace s2  }
0x97: {  	_ =	strace $0x8FFFFFFF  }
0x98: {  	s18 =	sld [smem:$0x3FDB];
	_ =	sdelay $0x1  }
0x99: {  	s19 =	simm.s32 $_scs_section_size  }
0x9a: {  	s4 =	simm.s32 $_size__tile_overlayer_lowered;
	s5 =	simm.s32 $_tile_overlayer_lowered  }
0x9b: {  	s22 =	simm.s32 $0x1BFF;
	s21 =	sshll.u32 s5, $0x1;
	s2 =	sadd.s32 s19, s18  }
0x9c: {  	s6 =	simm.s32 $0x0;
	s20 =	sshll.u32 s4, $0x1;
	s4 =	sadd.s32 s21, s2  }
0x9d: {  	[timem:s6], [sflag:s22] =	dma.local [hbm:s4], s20  }
0x9e: {  	_ =	swait.ge [sflag:s22], s20  }
0x9f: {  	s3 =	ssub.s32 $0x0, s20;
	[sflag:s22] =	ssyncset.done $0x0  }
0xa0: {  	[sflag:s22] =	ssyncadd.s32 s3;
	_ =	sdelay $0x1  }
0xa1: {  	s23 =	simm.s32 $0x1B8B  }
0xa2: {  	_ =	swait.ge [sflag:s23], $0x1  }
0xa3: {  	[sflag:s23] =	ssyncset.done $0x0  }
0xa4: {  	s25 =	simm.s32 $0x1B8E;
	s24 =	sld [smem:$0x3FFE];
	[sflag:s23] =	ssyncadd.s32 $0xFFFFFFFF  }
0xa5: {  	s26 =	simm.s32 $execute0_lowered;
	[smem:$0x3FD2] =	sst s25  }
0xa6: {  	s4 =	sshll.u32 s26, $0x1;
	_ =	strace $0x80000046;
	[dreg:$0x1] =	wrdreg $0xFFFFFFFF  }
0xa7: {  	s28 =	simm.s32 $_size_execute0_lowered;
	s2 =	sadd.s32 s2, s4;
	[dreg:$0x0] =	wrdreg $0x0  }
0xa8: {  	s4 =	sshll.u32 s28, $0x1;
	[dreg:$0x2] =	wrdreg s2  }
0xa9: {  	[dreg:$0x3] =	wrdreg s4  }
0xaa: {  	[dreg:$0x4] =	wrdreg $0xC0  }
0xab: {  	_ =	task [dreg:s6], $0x5FFFF  }
0xac: {  	[dreg:$0x1] =	wrdreg $0xFFFFFFFF  }
0xad: {  	[dreg:$0x0] =	wrdreg $0x60  }
0xae: {  	[dreg:$0x2] =	wrdreg s24  }
0xaf: {  	[dreg:$0x3] =	wrdreg $0x9  }
0xb0: {  	_ =	task.clear_ibuf [dreg:s6], $0x4FFFF;
	_ =	strace $0x90000046  }
0xb1: {  	s29 =	simm.s32 $0x9;
	_ =	strace $0x80000048  }
0xb2: {  	_ =	swait.ge [sflag:s29], $0x1  }
0xb3: {  	[sflag:s29] =	ssyncadd.s32 $0xFFFFFFFF  }
0xb4: {  	_ =	strace $0x90000048  }
0xb5: {  	_ =	sfence  }
0xb6: {  	s30 =	sld [smem:$0x0];
	_ =	sdelay $0x2  }
0xb7: {  	s31 =	sshll.u32 s1, $0xD;
	s1 =	sshrl.u32 s1, $0x2  }
0xb8: {  	s3 =	sand.u32 $0x4000, s31;
	s1 =	sadd.s32 s1, s30  }
0xb9: {  	s0 =	sor.u32 s3, s0;
	s1 =	sshll.u32 s1, $0x11  }
0xba: {  	s0 =	sor.u32 s1, s0  }
0xbb: {  	s0 =	sadd.s32 $0x8F2B, s0  }
0xbc: {  	[sflag:s0] =	ssyncadd.remote.s32 $0x1  }
0xbd: {  	_ =	sfence.sel $0xFFFF  }
0xbe: {  	[dreg:$0x0] =	wrdreg $0xFFFFFFFF;
	(pc) =	sbr.abs _section_cstart, $3  }
0xbf: {  	[dreg:$0x1] =	wrdreg $0xFFFFFFFF  }
0xc0: {  	_ =	task.clear_ibuf [dreg:s6], $0x2FFFF;
	_ =	strace $0x9FFFFFFF  }
0xc1: {  	(tm) =	ssettm $0x7FFFFFFF  }
tec
execute0_lowered:
.L_overlay_start_1:
0x0: {  	(tag) =	ssettag $0x1  }
0x1: {  	s0 =	srdreg.scid  }
0x2: {  	s1 =	stileid.u32;
	s0 =	sand.u32 $0x1, s0  }
0x3: {  	s2 =	sshll.u32 s1, $0x6;
	s3 =	sshll.u32 s0, $0x5  }
0x4: {  	s1 =	rddreg [dreg:$0x0];
	s3 =	sor.u32 s3, s2;
	s2 =	simm.s32 $0x0  }
0x5: {  	s10 =	simm.s32 $0x100;
	[smem:$0x7FF] =	sst s2  }
0x6: {  	s11 =	simm.s32 $0x180;
	_ =	strace $0x80000047;
	[dreg:$0x6] =	wrdreg s10  }
0x7: {  	s12 =	simm.s32 $0x200;
	[dreg:$0x7] =	wrdreg s11  }
0x8: {  	s13 =	simm.s32 $0x280;
	[dreg:$0x8] =	wrdreg s12  }
0x9: {  	s14 =	simm.s32 $0x300;
	[dreg:$0x9] =	wrdreg s13  }
0xa: {  	s15 =	simm.s32 $0x380;
	[dreg:$0xa] =	wrdreg s14  }
0xb: {  	s16 =	simm.s32 $0x400;
	[dreg:$0xb] =	wrdreg s15  }
0xc: {  	s17 =	simm.s32 $0x480;
	[dreg:$0xc] =	wrdreg s16  }
0xd: {  	s18 =	simm.s32 $0x500;
	[dreg:$0xd] =	wrdreg s17  }
0xe: {  	s19 =	simm.s32 $0x580;
	[dreg:$0xe] =	wrdreg s18  }
0xf: {  	s20 =	simm.s32 $0x600;
	[dreg:$0xf] =	wrdreg s19  }
0x10: {  	s21 =	simm.s32 $0x680;
	[dreg:$0x10] =	wrdreg s20  }
0x11: {  	s22 =	simm.s32 $0x700;
	[dreg:$0x11] =	wrdreg s21  }
0x12: {  	s23 =	simm.s32 $0x780;
	[dreg:$0x12] =	wrdreg s22  }
0x13: {  	s24 =	simm.s32 $0x800;
	[dreg:$0x13] =	wrdreg s23  }
0x14: {  	s25 =	simm.s32 $0x880;
	[dreg:$0x14] =	wrdreg s24  }
0x15: {  	s26 =	simm.s32 $0x900;
	[dreg:$0x15] =	wrdreg s25  }
0x16: {  	s31 =	simm.s32 $0x980;
	[dreg:$0x16] =	wrdreg s26  }
0x17: {  	s6 =	simm.s32 $0xB00;
	[dreg:$0x17] =	wrdreg s31  }
0x18: {  	s7 =	simm.s32 $0xB80;
	[dreg:$0x1a] =	wrdreg s6  }
0x19: {  	s8 =	simm.s32 $0xC00;
	[dreg:$0x1b] =	wrdreg s7  }
0x1a: {  	[dreg:$0x1c] =	wrdreg s8;
	s10 =	simm.s32 $0xD00  }
0x1b: {  	s11 =	simm.s32 $0xD80;
	[dreg:$0x1e] =	wrdreg s10  }
0x1c: {  	s12 =	simm.s32 $0xE00;
	[dreg:$0x1f] =	wrdreg s11  }
0x1d: {  	s13 =	simm.s32 $0xE80;
	[smem:$0x7DB] =	sst s12  }
0x1e: {  	s14 =	simm.s32 $0xF00;
	[smem:$0x7DC] =	sst s13  }
0x1f: {  	s15 =	simm.s32 $0xF80;
	[smem:$0x7DD] =	sst s14  }
0x20: {  	s16 =	simm.s32 $0x1080;
	[smem:$0x7DE] =	sst s15  }
0x21: {  	s17 =	simm.s32 $0x1100;
	[smem:$0x7DF] =	sst s16  }
0x22: {  	s18 =	simm.s32 $0x1180;
	[smem:$0x7E0] =	sst s17  }
0x23: {  	s19 =	simm.s32 $0x1200;
	[smem:$0x7E1] =	sst s18  }
0x24: {  	s20 =	simm.s32 $0x1280;
	[smem:$0x7E2] =	sst s19  }
0x25: {  	s21 =	simm.s32 $0x1300;
	[smem:$0x7E3] =	sst s20  }
0x26: {  	s22 =	simm.s32 $0x1380;
	[smem:$0x7E4] =	sst s21  }
0x27: {  	s23 =	simm.s32 $0x1400;
	[smem:$0x7E5] =	sst s22  }
0x28: {  	s24 =	simm.s32 $0x1480;
	[smem:$0x7E6] =	sst s23  }
0x29: {  	s28 =	simm.s32 $0xA000;
	s25 =	simm.s32 $0x1500;
	[smem:$0x7E7] =	sst s24  }
0x2a: {  	p0 =	por $0x0, $0x0;
	s26 =	simm.s32 $0x1580;
	[smem:$0x7E8] =	sst s25  }
0x2b: {  	s4 =	sshll.u32 s3, $0x4;
	s7 =	simm.s32 $0x1700;
	[smem:$0x7E9] =	sst s26  }
0x2c: {  	s4 =	sadd.s32 s4, s1;
	s8 =	simm.s32 $0x1780;
	[smem:$0x7EC] =	sst s7  }
0x2d: {  	s3 =	sshll.u32 s3, $0x8;
	s5 =	sadd.s32 $0x5400, s4;
	[smem:$0x7ED] =	sst s8  }
0x2e: {  	s3 =	sadd.s32 s3, s1;
	s4 =	sadd.s32 $0x1400, s4;
	[dreg:$0x2] =	wrdreg s5  }
0x2f: {  	s29 =	simm.s32 $0xB800;
	s9 =	sadd.s32 $0x9400, s3;
	[dreg:$0x3] =	wrdreg s4  }
0x30: {  	s0 =	ssub.s32 $0x2, s0;
	s3 =	sadd.s32 $0x49400, s3;
	[dreg:$0x4] =	wrdreg s9  }
0x31: {  	s6 =	sadd.s32 $0xF48800, s1;
	s10 =	simm.s32 $0x1880;
	[dreg:$0x5] =	wrdreg s3  }
0x32: {  	s31 =	sshrl.u32 s0, $0x1;
	s11 =	simm.s32 $0x1900;
	[smem:$0x7EF] =	sst s10  }
0x33: {  	s15 =	sadd.s32 $0x1130E00, s1;
	s12 =	simm.s32 $0x1980;
	[smem:$0x7F0] =	sst s11  }
0x34: {  	s0 =	ssub.s32 s0, s31;
	s13 =	simm.s32 $0x1A00;
	[smem:$0x7F1] =	sst s12  }
0x35: {  	s16 =	simm.s32 $0x1000;
	s14 =	simm.s32 $0x1A80;
	[smem:$0x7F2] =	sst s13  }
0x36: {  	s7 =	simm.s32 $0x80;
	s17 =	simm.s32 $0x1B00;
	[smem:$0x7F3] =	sst s14  }
0x37: {  	s19 =	simm.s32 $0x2800;
	s18 =	simm.s32 $0x1B80;
	[smem:$0x7F4] =	sst s17  }
0x38: {  	s20 =	simm.s32 $0x1C00;
	s21 =	simm.s32 $0x1C80;
	[smem:$0x7F5] =	sst s18  }
0x39: {  	s8 =	simm.s32 $0x6000;
	s22 =	simm.s32 $0x1D00;
	[smem:$0x7F6] =	sst s20  }
0x3a: {  	s23 =	simm.s32 $0x1D80;
	s24 =	simm.s32 $0x1E00;
	[smem:$0x7F7] =	sst s21  }
0x3b: {  	s25 =	simm.s32 $0x1E80;
	s26 =	simm.s32 $0x1F00;
	[smem:$0x7F8] =	sst s22  }
0x3c: {  	s31 =	simm.s32 $0x1F80;
	s1 =	simm.s32 $0xE800;
	[smem:$0x7F9] =	sst s23  }
0x3d: {  	s4 =	simm.s32 $0xA00;
	s5 =	simm.s32 $0xA80;
	[smem:$0x7FA] =	sst s24  }
0x3e: {  	s9 =	simm.s32 $0xC80;
	s0 =	smax.u32 s0, $0x1;
	[smem:$0x7FB] =	sst s25  }
0x3f: {  	s3 =	simm.s32 $0x2;
	s18 =	simm.s32 $0x5800;
	[smem:$0x7FC] =	sst s26  }
0x40: {  	s10 =	simm.s32 $0x6800;
	s12 =	simm.s32 $0x7000;
	[smem:$0x7FD] =	sst s31  }
0x41: {  	s14 =	simm.s32 $0x7800;
	s23 =	simm.s32 $0x8000;
	[dreg:$0x18] =	wrdreg s4  }
0x42: {  	s25 =	simm.s32 $0x8800;
	s26 =	simm.s32 $0x9800;
	[dreg:$0x19] =	wrdreg s5  }
0x43: {  	s20 =	simm.s32 $0xC800;
	[dreg:$0x1d] =	wrdreg s9;
	p1 =	sne.s32 s0, $0x1  }
.Ltmp0:
0x44: {  	s4 =	simm.s32 $0x1600;
	s17 =	rddreg [dreg:$0x2];
	(pc) =	sbr.rel @!p1 .LBB2_5-.Ltmp0, $4  }
0x45: {  	s13 =	simm.s32 $0xD000;
	s5 =	simm.s32 $0x1680;
	[smem:$0x7EA] =	sst s4  }
0x46: {  	s11 =	simm.s32 $0xD800;
	s9 =	simm.s32 $0x1800;
	[smem:$0x7EB] =	sst s5  }
0x47: {  	s30 =	sadd.s32 $0xFFFFFFFF, s0;
	s0 =	simm.s32 $0xC000;
	[smem:$0x7EE] =	sst s9  }
0x48: {  	s4 =	simm.s32 $0x2000;
	s9 =	simm.s32 $0xE000;
	s5 =	simm.s32 $0x1  }
0x49: {  	[tilespmem:s2], [sflag:$0x2] =	stream.linear.gather [hbm4b:s17+s2], $0x1000, $0x38;
	[tilespmem:$0x12000] =	vst v63  }
0x4a: {  	_ =	swait.ge [sflag:s3], $0x1000  }
0x4b: {  	[sflag:s3] =	ssyncset.done $0x0  }
0x4c: {  	s24 =	rddreg [dreg:$0x3];
	[sflag:s3] =	ssyncadd.s32 $0xFFFFF000  }
0x4d: {  	[tilespmem:s16], [sflag:$0x2] =	stream.linear.gather [hbm4b:s24+s2], $0x1000, $0x38;
	[tilespmem:$0x12000] =	vst v63  }
0x4e: {  	_ =	swait.ge [sflag:s3], $0x1000  }
0x4f: {  	[sflag:s3] =	ssyncset.done $0x0  }
0x50: {  	[sflag:s3] =	ssyncadd.s32 $0xFFFFF000  }
0x51: {  	[tilespmem:s4], [sflag:$0x1] =	stream.indirect.gather [hbm4b:s15+s7], $0x10, s2, s7, $0xb8;
	[tilespmem:$0x12000] =	vst v63  }
0x52: {  	s31 =	rddreg [dreg:$0x6]  }
0x53: {  	[tilespmem:s19], [sflag:$0x1] =	stream.indirect.gather [hbm4b:s15+s7], $0x10, s7, s7, $0xb8;
	[tilespmem:$0x12000] =	vst v63  }
0x54: {  	s17 =	rddreg [dreg:$0x8];
	s19 =	simm.s32 $0x3000  }
0x55: {  	[tilespmem:s19], [sflag:$0x1] =	stream.indirect.gather [hbm4b:s15+s7], $0x10, s31, s7, $0xb8;
	[tilespmem:$0x12000] =	vst v63  }
0x56: {  	s4 =	rddreg [dreg:$0x7];
	s31 =	simm.s32 $0x3800  }
0x57: {  	[tilespmem:s31], [sflag:$0x1] =	stream.indirect.gather [hbm4b:s15+s7], $0x10, s4, s7, $0xb8;
	[tilespmem:$0x12000] =	vst v63  }
0x58: {  	s16 =	rddreg [dreg:$0x9];
	s4 =	simm.s32 $0x4000  }
0x59: {  	[tilespmem:s4], [sflag:$0x1] =	stream.indirect.gather [hbm4b:s15+s7], $0x10, s17, s7, $0xb8;
	[tilespmem:$0x12000] =	vst v63  }
0x5a: {  	s17 =	rddreg [dreg:$0xa];
	s4 =	simm.s32 $0x4800  }
0x5b: {  	[tilespmem:s4], [sflag:$0x1] =	stream.indirect.gather [hbm4b:s15+s7], $0x10, s16, s7, $0xb8;
	[tilespmem:$0x12000] =	vst v63  }
0x5c: {  	s16 =	rddreg [dreg:$0xb];
	s4 =	simm.s32 $0x5000  }
0x5d: {  	[tilespmem:s4], [sflag:$0x1] =	stream.indirect.gather [hbm4b:s15+s7], $0x10, s17, s7, $0xb8;
	[tilespmem:$0x12000] =	vst v63  }
0x5e: {  	s4 =	rddreg [dreg:$0xc]  }
0x5f: {  	[tilespmem:s18], [sflag:$0x1] =	stream.indirect.gather [hbm4b:s15+s7], $0x10, s16, s7, $0xb8;
	[tilespmem:$0x12000] =	vst v63  }
0x60: {  	s16 =	rddreg [dreg:$0xd]  }
0x61: {  	[tilespmem:s8], [sflag:$0x1] =	stream.indirect.gather [hbm4b:s15+s7], $0x10, s4, s7, $0xb8;
	[tilespmem:$0x12000] =	vst v63  }
0x62: {  	s4 =	rddreg [dreg:$0xe]  }
0x63: {  	[tilespmem:s10], [sflag:$0x1] =	stream.indirect.gather [hbm4b:s15+s7], $0x10, s16, s7, $0xb8;
	[tilespmem:$0x12000] =	vst v63  }
0x64: {  	s16 =	rddreg [dreg:$0xf]  }
0x65: {  	[tilespmem:s12], [sflag:$0x1] =	stream.indirect.gather [hbm4b:s15+s7], $0x10, s4, s7, $0xb8;
	[tilespmem:$0x12000] =	vst v63  }
0x66: {  	s4 =	rddreg [dreg:$0x10]  }
0x67: {  	[tilespmem:s14], [sflag:$0x1] =	stream.indirect.gather [hbm4b:s15+s7], $0x10, s16, s7, $0xb8;
	[tilespmem:$0x12000] =	vst v63  }
0x68: {  	s16 =	rddreg [dreg:$0x11]  }
0x69: {  	[tilespmem:s23], [sflag:$0x1] =	stream.indirect.gather [hbm4b:s15+s7], $0x10, s4, s7, $0xb8;
	[tilespmem:$0x12000] =	vst v63  }
0x6a: {  	s4 =	rddreg [dreg:$0x12]  }
0x6b: {  	[tilespmem:s25], [sflag:$0x1] =	stream.indirect.gather [hbm4b:s15+s7], $0x10, s16, s7, $0xb8;
	[tilespmem:$0x12000] =	vst v63  }
0x6c: {  	s21 =	simm.s32 $0x9000;
	s23 =	rddreg [dreg:$0x13]  }
0x6d: {  	[tilespmem:s21], [sflag:$0x1] =	stream.indirect.gather [hbm4b:s15+s7], $0x10, s4, s7, $0xb8;
	[tilespmem:$0x12000] =	vst v63  }
0x6e: {  	s25 =	rddreg [dreg:$0x14]  }
0x6f: {  	[tilespmem:s26], [sflag:$0x1] =	stream.indirect.gather [hbm4b:s15+s7], $0x10, s23, s7, $0xb8;
	[tilespmem:$0x12000] =	vst v63  }
0x70: {  	s4 =	rddreg [dreg:$0x17]  }
0x71: {  	[tilespmem:s28], [sflag:$0x1] =	stream.indirect.gather [hbm4b:s15+s7], $0x10, s25, s7, $0xb8;
	[tilespmem:$0x12000] =	vst v63  }
0x72: {  	s24 =	simm.s32 $0xA800;
	s26 =	rddreg [dreg:$0x15]  }
0x73: {  	[tilespmem:s24], [sflag:$0x1] =	stream.indirect.gather [hbm4b:s15+s7], $0x10, s26, s7, $0xb8;
	[tilespmem:$0x12000] =	vst v63  }
0x74: {  	s22 =	simm.s32 $0xB000;
	s28 =	rddreg [dreg:$0x16]  }
0x75: {  	[tilespmem:s22], [sflag:$0x1] =	stream.indirect.gather [hbm4b:s15+s7], $0x10, s28, s7, $0xb8;
	[tilespmem:$0x12000] =	vst v63  }
0x76: {  	s23 =	rddreg [dreg:$0x19]  }
0x77: {  	[tilespmem:s29], [sflag:$0x1] =	stream.indirect.gather [hbm4b:s15+s7], $0x10, s4, s7, $0xb8;
	[tilespmem:$0x12000] =	vst v63  }
0x78: {  	s22 =	rddreg [dreg:$0x18]  }
0x79: {  	[tilespmem:s0], [sflag:$0x1] =	stream.indirect.gather [hbm4b:s15+s7], $0x10, s22, s7, $0xb8;
	[tilespmem:$0x12000] =	vst v63  }
0x7a: {  	s25 =	rddreg [dreg:$0x1a]  }
0x7b: {  	[tilespmem:s20], [sflag:$0x1] =	stream.indirect.gather [hbm4b:s15+s7], $0x10, s23, s7, $0xb8;
	[tilespmem:$0x12000] =	vst v63  }
0x7c: {  	s26 =	rddreg [dreg:$0x1b]  }
0x7d: {  	[tilespmem:s13], [sflag:$0x1] =	stream.indirect.gather [hbm4b:s15+s7], $0x10, s25, s7, $0xb8;
	[tilespmem:$0x12000] =	vst v63  }
0x7e: {  	s28 =	rddreg [dreg:$0x1c]  }
0x7f: {  	[tilespmem:s11], [sflag:$0x1] =	stream.indirect.gather [hbm4b:s15+s7], $0x10, s26, s7, $0xb8;
	[tilespmem:$0x12000] =	vst v63  }
0x80: {  	s29 =	rddreg [dreg:$0x1d]  }
0x81: {  	[tilespmem:s9], [sflag:$0x1] =	stream.indirect.gather [hbm4b:s15+s7], $0x10, s28, s7, $0xb8;
	[tilespmem:$0x12000] =	vst v63  }
0x82: {  	s4 =	rddreg [dreg:$0x1f]  }
0x83: {  	[tilespmem:s1], [sflag:$0x1] =	stream.indirect.gather [hbm4b:s15+s7], $0x10, s29, s7, $0xb8;
	[tilespmem:$0x12000] =	vst v63  }
0x84: {  	s0 =	rddreg [dreg:$0x1e];
	s25 =	simm.s32 $0xF000  }
0x85: {  	[tilespmem:s25], [sflag:$0x1] =	stream.indirect.gather [hbm4b:s15+s7], $0x10, s0, s7, $0xb8;
	[tilespmem:$0x12000] =	vst v63  }
0x86: {  	s22 =	sld [smem:$0x7DB];
	s23 =	simm.s32 $0xF800  }
0x87: {  	[tilespmem:s23], [sflag:$0x1] =	stream.indirect.gather [hbm4b:s15+s7], $0x10, s4, s7, $0xb8;
	[tilespmem:$0x12000] =	vst v63  }
0x88: {  	s26 =	sld [smem:$0x7DC];
	s29 =	simm.s32 $0x10000  }
0x89: {  	[tilespmem:s29], [sflag:$0x1] =	stream.indirect.gather [hbm4b:s15+s7], $0x10, s22, s7, $0xb8;
	[tilespmem:$0x12000] =	vst v63  }
0x8a: {  	s28 =	sld [smem:$0x7DD];
	s22 =	simm.s32 $0x10800  }
0x8b: {  	[tilespmem:s22], [sflag:$0x1] =	stream.indirect.gather [hbm4b:s15+s7], $0x10, s26, s7, $0xb8;
	[tilespmem:$0x12000] =	vst v63  }
0x8c: {  	s4 =	sld [smem:$0x7DE];
	s26 =	simm.s32 $0x11000  }
0x8d: {  	[tilespmem:s26], [sflag:$0x1] =	stream.indirect.gather [hbm4b:s15+s7], $0x10, s28, s7, $0xb8;
	[tilespmem:$0x12000] =	vst v63  }
0x8e: {  	s28 =	simm.s32 $0x11800  }
0x8f: {  	[tilespmem:s28], [sflag:$0x1] =	stream.indirect.gather [hbm4b:s15+s7], $0x10, s4, s7, $0xb8;
	[tilespmem:$0x12000] =	vst v63  }
0x90: {  	_ =	swait.ge [sflag:s5], $0x800  }
0x91: {  	[sflag:s5] =	ssyncset.done $0x0  }
0x92: {  	[sflag:s5] =	ssyncadd.s32 $0xFFFFF800  }
0x93: {  	_ =	swait.ge [sflag:s5], $0x800  }
0x94: {  	[sflag:s5] =	ssyncset.done $0x0  }
0x95: {  	[sflag:s5] =	ssyncadd.s32 $0xFFFFF800  }
0x96: {  	_ =	swait.ge [sflag:s5], $0x800  }
0x97: {  	[sflag:s5] =	ssyncset.done $0x0  }
0x98: {  	[sflag:s5] =	ssyncadd.s32 $0xFFFFF800  }
0x99: {  	_ =	swait.ge [sflag:s5], $0x800  }
0x9a: {  	[sflag:s5] =	ssyncset.done $0x0  }
0x9b: {  	[sflag:s5] =	ssyncadd.s32 $0xFFFFF800  }
0x9c: {  	_ =	swait.ge [sflag:s5], $0x800  }
0x9d: {  	[sflag:s5] =	ssyncset.done $0x0  }
0x9e: {  	[sflag:s5] =	ssyncadd.s32 $0xFFFFF800  }
0x9f: {  	_ =	swait.ge [sflag:s5], $0x800  }
0xa0: {  	[sflag:s5] =	ssyncset.done $0x0  }
0xa1: {  	[sflag:s5] =	ssyncadd.s32 $0xFFFFF800  }
0xa2: {  	_ =	swait.ge [sflag:s5], $0x800  }
0xa3: {  	[sflag:s5] =	ssyncset.done $0x0  }
0xa4: {  	[sflag:s5] =	ssyncadd.s32 $0xFFFFF800  }
0xa5: {  	_ =	swait.ge [sflag:s5], $0x800  }
0xa6: {  	[sflag:s5] =	ssyncset.done $0x0  }
0xa7: {  	[sflag:s5] =	ssyncadd.s32 $0xFFFFF800  }
0xa8: {  	_ =	swait.ge [sflag:s5], $0x800  }
0xa9: {  	[sflag:s5] =	ssyncset.done $0x0  }
0xaa: {  	[sflag:s5] =	ssyncadd.s32 $0xFFFFF800  }
0xab: {  	_ =	swait.ge [sflag:s5], $0x800  }
0xac: {  	[sflag:s5] =	ssyncset.done $0x0  }
0xad: {  	[sflag:s5] =	ssyncadd.s32 $0xFFFFF800  }
0xae: {  	_ =	swait.ge [sflag:s5], $0x800  }
0xaf: {  	[sflag:s5] =	ssyncset.done $0x0  }
0xb0: {  	[sflag:s5] =	ssyncadd.s32 $0xFFFFF800  }
0xb1: {  	_ =	swait.ge [sflag:s5], $0x800  }
0xb2: {  	[sflag:s5] =	ssyncset.done $0x0  }
0xb3: {  	[sflag:s5] =	ssyncadd.s32 $0xFFFFF800  }
0xb4: {  	_ =	swait.ge [sflag:s5], $0x800  }
0xb5: {  	[sflag:s5] =	ssyncset.done $0x0  }
0xb6: {  	[sflag:s5] =	ssyncadd.s32 $0xFFFFF800  }
0xb7: {  	_ =	swait.ge [sflag:s5], $0x800  }
0xb8: {  	[sflag:s5] =	ssyncset.done $0x0  }
0xb9: {  	[sflag:s5] =	ssyncadd.s32 $0xFFFFF800  }
0xba: {  	_ =	swait.ge [sflag:s5], $0x800  }
0xbb: {  	[sflag:s5] =	ssyncset.done $0x0  }
0xbc: {  	[sflag:s5] =	ssyncadd.s32 $0xFFFFF800  }
0xbd: {  	_ =	swait.ge [sflag:s5], $0x800  }
0xbe: {  	[sflag:s5] =	ssyncset.done $0x0  }
0xbf: {  	[sflag:s5] =	ssyncadd.s32 $0xFFFFF800  }
0xc0: {  	_ =	swait.ge [sflag:s5], $0x800  }
0xc1: {  	[sflag:s5] =	ssyncset.done $0x0  }
0xc2: {  	[sflag:s5] =	ssyncadd.s32 $0xFFFFF800  }
0xc3: {  	_ =	swait.ge [sflag:s5], $0x800  }
0xc4: {  	[sflag:s5] =	ssyncset.done $0x0  }
0xc5: {  	[sflag:s5] =	ssyncadd.s32 $0xFFFFF800  }
0xc6: {  	_ =	swait.ge [sflag:s5], $0x800  }
0xc7: {  	[sflag:s5] =	ssyncset.done $0x0  }
0xc8: {  	[sflag:s5] =	ssyncadd.s32 $0xFFFFF800  }
0xc9: {  	_ =	swait.ge [sflag:s5], $0x800  }
0xca: {  	[sflag:s5] =	ssyncset.done $0x0  }
0xcb: {  	[sflag:s5] =	ssyncadd.s32 $0xFFFFF800  }
0xcc: {  	_ =	swait.ge [sflag:s5], $0x800  }
0xcd: {  	[sflag:s5] =	ssyncset.done $0x0  }
0xce: {  	[sflag:s5] =	ssyncadd.s32 $0xFFFFF800  }
0xcf: {  	_ =	swait.ge [sflag:s5], $0x800  }
0xd0: {  	[sflag:s5] =	ssyncset.done $0x0  }
0xd1: {  	[sflag:s5] =	ssyncadd.s32 $0xFFFFF800  }
0xd2: {  	_ =	swait.ge [sflag:s5], $0x800  }
0xd3: {  	[sflag:s5] =	ssyncset.done $0x0  }
0xd4: {  	[sflag:s5] =	ssyncadd.s32 $0xFFFFF800  }
0xd5: {  	_ =	swait.ge [sflag:s5], $0x800  }
0xd6: {  	[sflag:s5] =	ssyncset.done $0x0  }
0xd7: {  	[sflag:s5] =	ssyncadd.s32 $0xFFFFF800  }
0xd8: {  	_ =	swait.ge [sflag:s5], $0x800  }
0xd9: {  	[sflag:s5] =	ssyncset.done $0x0  }
0xda: {  	[sflag:s5] =	ssyncadd.s32 $0xFFFFF800  }
0xdb: {  	_ =	swait.ge [sflag:s5], $0x800  }
0xdc: {  	[sflag:s5] =	ssyncset.done $0x0  }
0xdd: {  	[sflag:s5] =	ssyncadd.s32 $0xFFFFF800  }
0xde: {  	_ =	swait.ge [sflag:s5], $0x800  }
0xdf: {  	[sflag:s5] =	ssyncset.done $0x0  }
0xe0: {  	[sflag:s5] =	ssyncadd.s32 $0xFFFFF800  }
0xe1: {  	_ =	swait.ge [sflag:s5], $0x800  }
0xe2: {  	[sflag:s5] =	ssyncset.done $0x0  }
0xe3: {  	[sflag:s5] =	ssyncadd.s32 $0xFFFFF800  }
0xe4: {  	_ =	swait.ge [sflag:s5], $0x800  }
0xe5: {  	[sflag:s5] =	ssyncset.done $0x0  }
0xe6: {  	[sflag:s5] =	ssyncadd.s32 $0xFFFFF800  }
0xe7: {  	_ =	swait.ge [sflag:s5], $0x800  }
0xe8: {  	[sflag:s5] =	ssyncset.done $0x0  }
0xe9: {  	[sflag:s5] =	ssyncadd.s32 $0xFFFFF800  }
0xea: {  	_ =	swait.ge [sflag:s5], $0x800  }
0xeb: {  	[sflag:s5] =	ssyncset.done $0x0  }
0xec: {  	[sflag:s5] =	ssyncadd.s32 $0xFFFFF800  }
0xed: {  	_ =	swait.ge [sflag:s5], $0x800  }
0xee: {  	[sflag:s5] =	ssyncset.done $0x0  }
0xef: {  	s31 =	simm.s32 $0x2000;
	s4 =	rddreg [dreg:$0x4];
	[sflag:s5] =	ssyncadd.s32 $0xFFFFF800  }
0xf0: {  	[hbm4b:s4+s2] =	stream.linear.scatter [tilespmem:s31], [sflag:$0x2], $0x10000, $0x38;
	[tilespmem:$0x12000] =	vst v63  }
0xf1: {  	_ =	swait.ge [sflag:s3], $0x10000  }
0xf2: {  	[sflag:s3] =	ssyncset.done $0x0  }
0xf3: {  	s17 =	simm.s32 $0x1000;
	s16 =	sld [smem:$0x7DF];
	[sflag:s3] =	ssyncadd.s32 $0xFFFF0000  }
0xf4: {  	[tilespmem:s31], [sflag:$0x1] =	stream.indirect.gather [hbm4b:s6+s7], $0x10, s17, s7, $0xb8;
	[tilespmem:$0x12000] =	vst v63  }
0xf5: {  	s17 =	sld [smem:$0x7E0];
	s31 =	simm.s32 $0x2800  }
0xf6: {  	[tilespmem:s31], [sflag:$0x1] =	stream.indirect.gather [hbm4b:s6+s7], $0x10, s16, s7, $0xb8;
	[tilespmem:$0x12000] =	vst v63  }
0xf7: {  	s4 =	sld [smem:$0x7E1]  }
0xf8: {  	[tilespmem:s19], [sflag:$0x1] =	stream.indirect.gather [hbm4b:s6+s7], $0x10, s17, s7, $0xb8;
	[tilespmem:$0x12000] =	vst v63  }
0xf9: {  	s31 =	simm.s32 $0x3800;
	s17 =	sld [smem:$0x7E2]  }
0xfa: {  	[tilespmem:s31], [sflag:$0x1] =	stream.indirect.gather [hbm4b:s6+s7], $0x10, s4, s7, $0xb8;
	[tilespmem:$0x12000] =	vst v63  }
0xfb: {  	s16 =	sld [smem:$0x7E3];
	s19 =	simm.s32 $0x4000  }
0xfc: {  	[tilespmem:s19], [sflag:$0x1] =	stream.indirect.gather [hbm4b:s6+s7], $0x10, s17, s7, $0xb8;
	[tilespmem:$0x12000] =	vst v63  }
0xfd: {  	s31 =	simm.s32 $0x4800;
	s17 =	sld [smem:$0x7E4]  }
0xfe: {  	[tilespmem:s31], [sflag:$0x1] =	stream.indirect.gather [hbm4b:s6+s7], $0x10, s16, s7, $0xb8;
	[tilespmem:$0x12000] =	vst v63  }
0xff: {  	s16 =	sld [smem:$0x7E5];
	s31 =	simm.s32 $0x5000  }
0x100: {  	[tilespmem:s31], [sflag:$0x1] =	stream.indirect.gather [hbm4b:s6+s7], $0x10, s17, s7, $0xb8;
	[tilespmem:$0x12000] =	vst v63  }
0x101: {  	s31 =	sld [smem:$0x7E6]  }
0x102: {  	[tilespmem:s18], [sflag:$0x1] =	stream.indirect.gather [hbm4b:s6+s7], $0x10, s16, s7, $0xb8;
	[tilespmem:$0x12000] =	vst v63  }
0x103: {  	s19 =	sld [smem:$0x7E7]  }
0x104: {  	[tilespmem:s8], [sflag:$0x1] =	stream.indirect.gather [hbm4b:s6+s7], $0x10, s31, s7, $0xb8;
	[tilespmem:$0x12000] =	vst v63  }
0x105: {  	s31 =	sld [smem:$0x7E8]  }
0x106: {  	[tilespmem:s10], [sflag:$0x1] =	stream.indirect.gather [hbm4b:s6+s7], $0x10, s19, s7, $0xb8;
	[tilespmem:$0x12000] =	vst v63  }
0x107: {  	s8 =	sld [smem:$0x7E9]  }
0x108: {  	[tilespmem:s12], [sflag:$0x1] =	stream.indirect.gather [hbm4b:s6+s7], $0x10, s31, s7, $0xb8;
	[tilespmem:$0x12000] =	vst v63  }
0x109: {  	s10 =	sld [smem:$0x7EA]  }
0x10a: {  	[tilespmem:s14], [sflag:$0x1] =	stream.indirect.gather [hbm4b:s6+s7], $0x10, s8, s7, $0xb8;
	[tilespmem:$0x12000] =	vst v63  }
0x10b: {  	s0 =	simm.s32 $0x8000;
	s12 =	sld [smem:$0x7EB]  }
0x10c: {  	[tilespmem:s0], [sflag:$0x1] =	stream.indirect.gather [hbm4b:s6+s7], $0x10, s10, s7, $0xb8;
	[tilespmem:$0x12000] =	vst v63  }
0x10d: {  	s18 =	simm.s32 $0x8800;
	s14 =	sld [smem:$0x7EC]  }
0x10e: {  	[tilespmem:s18], [sflag:$0x1] =	stream.indirect.gather [hbm4b:s6+s7], $0x10, s12, s7, $0xb8;
	[tilespmem:$0x12000] =	vst v63  }
0x10f: {  	s19 =	sld [smem:$0x7ED];
	s31 =	simm.s32 $0x9000  }
0x110: {  	[tilespmem:s31], [sflag:$0x1] =	stream.indirect.gather [hbm4b:s6+s7], $0x10, s14, s7, $0xb8;
	[tilespmem:$0x12000] =	vst v63  }
0x111: {  	s8 =	sld [smem:$0x7EE];
	s10 =	simm.s32 $0x9800  }
0x112: {  	[tilespmem:s10], [sflag:$0x1] =	stream.indirect.gather [hbm4b:s6+s7], $0x10, s19, s7, $0xb8;
	[tilespmem:$0x12000] =	vst v63  }
0x113: {  	s12 =	sld [smem:$0x7EF];
	s14 =	simm.s32 $0xA000  }
0x114: {  	[tilespmem:s14], [sflag:$0x1] =	stream.indirect.gather [hbm4b:s6+s7], $0x10, s8, s7, $0xb8;
	[tilespmem:$0x12000] =	vst v63  }
0x115: {  	s24 =	simm.s32 $0xA800;
	s18 =	sld [smem:$0x7F0]  }
0x116: {  	[tilespmem:s24], [sflag:$0x1] =	stream.indirect.gather [hbm4b:s6+s7], $0x10, s12, s7, $0xb8;
	[tilespmem:$0x12000] =	vst v63  }
0x117: {  	s21 =	simm.s32 $0xB000;
	s19 =	sld [smem:$0x7F1]  }
0x118: {  	[tilespmem:s21], [sflag:$0x1] =	stream.indirect.gather [hbm4b:s6+s7], $0x10, s18, s7, $0xb8;
	[tilespmem:$0x12000] =	vst v63  }
0x119: {  	s31 =	simm.s32 $0xB800;
	s24 =	sld [smem:$0x7F2]  }
0x11a: {  	[tilespmem:s31], [sflag:$0x1] =	stream.indirect.gather [hbm4b:s6+s7], $0x10, s19, s7, $0xb8;
	[tilespmem:$0x12000] =	vst v63  }
0x11b: {  	s20 =	simm.s32 $0xC000;
	s0 =	sld [smem:$0x7F3]  }
0x11c: {  	[tilespmem:s20], [sflag:$0x1] =	stream.indirect.gather [hbm4b:s6+s7], $0x10, s24, s7, $0xb8;
	[tilespmem:$0x12000] =	vst v63  }
0x11d: {  	s10 =	simm.s32 $0xC800;
	s8 =	sld [smem:$0x7F4]  }
0x11e: {  	[tilespmem:s10], [sflag:$0x1] =	stream.indirect.gather [hbm4b:s6+s7], $0x10, s0, s7, $0xb8;
	[tilespmem:$0x12000] =	vst v63  }
0x11f: {  	s12 =	sld [smem:$0x7F5]  }
0x120: {  	[tilespmem:s13], [sflag:$0x1] =	stream.indirect.gather [hbm4b:s6+s7], $0x10, s8, s7, $0xb8;
	[tilespmem:$0x12000] =	vst v63  }
0x121: {  	s14 =	sld [smem:$0x7F6]  }
0x122: {  	[tilespmem:s11], [sflag:$0x1] =	stream.indirect.gather [hbm4b:s6+s7], $0x10, s12, s7, $0xb8;
	[tilespmem:$0x12000] =	vst v63  }
0x123: {  	s18 =	sld [smem:$0x7F7]  }
0x124: {  	[tilespmem:s9], [sflag:$0x1] =	stream.indirect.gather [hbm4b:s6+s7], $0x10, s14, s7, $0xb8;
	[tilespmem:$0x12000] =	vst v63  }
0x125: {  	s19 =	sld [smem:$0x7F8]  }
0x126: {  	[tilespmem:s1], [sflag:$0x1] =	stream.indirect.gather [hbm4b:s6+s7], $0x10, s18, s7, $0xb8;
	[tilespmem:$0x12000] =	vst v63  }
0x127: {  	s20 =	sld [smem:$0x7F9]  }
0x128: {  	[tilespmem:s25], [sflag:$0x1] =	stream.indirect.gather [hbm4b:s6+s7], $0x10, s19, s7, $0xb8;
	[tilespmem:$0x12000] =	vst v63  }
0x129: {  	s21 =	sld [smem:$0x7FA]  }
0x12a: {  	[tilespmem:s23], [sflag:$0x1] =	stream.indirect.gather [hbm4b:s6+s7], $0x10, s20, s7, $0xb8;
	[tilespmem:$0x12000] =	vst v63  }
0x12b: {  	s24 =	sld [smem:$0x7FB]  }
0x12c: {  	[tilespmem:s29], [sflag:$0x1] =	stream.indirect.gather [hbm4b:s6+s7], $0x10, s21, s7, $0xb8;
	[tilespmem:$0x12000] =	vst v63  }
0x12d: {  	s25 =	sld [smem:$0x7FC]  }
0x12e: {  	[tilespmem:s22], [sflag:$0x1] =	stream.indirect.gather [hbm4b:s6+s7], $0x10, s24, s7, $0xb8;
	[tilespmem:$0x12000] =	vst v63  }
0x12f: {  	s29 =	sld [smem:$0x7FD]  }
0x130: {  	[tilespmem:s26], [sflag:$0x1] =	stream.indirect.gather [hbm4b:s6+s7], $0x10, s25, s7, $0xb8;
	[tilespmem:$0x12000] =	vst v63  }
0x131: {  	_ = 	snop  }
0x132: {  	[tilespmem:s28], [sflag:$0x1] =	stream.indirect.gather [hbm4b:s6+s7], $0x10, s29, s7, $0xb8;
	[tilespmem:$0x12000] =	vst v63  }
0x133: {  	_ =	swait.ge [sflag:s5], $0x800  }
0x134: {  	[sflag:s5] =	ssyncset.done $0x0  }
0x135: {  	[sflag:s5] =	ssyncadd.s32 $0xFFFFF800  }
0x136: {  	_ =	swait.ge [sflag:s5], $0x800  }
0x137: {  	[sflag:s5] =	ssyncset.done $0x0  }
0x138: {  	[sflag:s5] =	ssyncadd.s32 $0xFFFFF800  }
0x139: {  	_ =	swait.ge [sflag:s5], $0x800  }
0x13a: {  	[sflag:s5] =	ssyncset.done $0x0  }
0x13b: {  	[sflag:s5] =	ssyncadd.s32 $0xFFFFF800  }
0x13c: {  	_ =	swait.ge [sflag:s5], $0x800  }
0x13d: {  	[sflag:s5] =	ssyncset.done $0x0  }
0x13e: {  	[sflag:s5] =	ssyncadd.s32 $0xFFFFF800  }
0x13f: {  	_ =	swait.ge [sflag:s5], $0x800  }
0x140: {  	[sflag:s5] =	ssyncset.done $0x0  }
0x141: {  	[sflag:s5] =	ssyncadd.s32 $0xFFFFF800  }
0x142: {  	_ =	swait.ge [sflag:s5], $0x800  }
0x143: {  	[sflag:s5] =	ssyncset.done $0x0  }
0x144: {  	[sflag:s5] =	ssyncadd.s32 $0xFFFFF800  }
0x145: {  	_ =	swait.ge [sflag:s5], $0x800  }
0x146: {  	[sflag:s5] =	ssyncset.done $0x0  }
0x147: {  	[sflag:s5] =	ssyncadd.s32 $0xFFFFF800  }
0x148: {  	_ =	swait.ge [sflag:s5], $0x800  }
0x149: {  	[sflag:s5] =	ssyncset.done $0x0  }
0x14a: {  	[sflag:s5] =	ssyncadd.s32 $0xFFFFF800  }
0x14b: {  	_ =	swait.ge [sflag:s5], $0x800  }
0x14c: {  	[sflag:s5] =	ssyncset.done $0x0  }
0x14d: {  	[sflag:s5] =	ssyncadd.s32 $0xFFFFF800  }
0x14e: {  	_ =	swait.ge [sflag:s5], $0x800  }
0x14f: {  	[sflag:s5] =	ssyncset.done $0x0  }
0x150: {  	[sflag:s5] =	ssyncadd.s32 $0xFFFFF800  }
0x151: {  	_ =	swait.ge [sflag:s5], $0x800  }
0x152: {  	[sflag:s5] =	ssyncset.done $0x0  }
0x153: {  	[sflag:s5] =	ssyncadd.s32 $0xFFFFF800  }
0x154: {  	_ =	swait.ge [sflag:s5], $0x800  }
0x155: {  	[sflag:s5] =	ssyncset.done $0x0  }
0x156: {  	[sflag:s5] =	ssyncadd.s32 $0xFFFFF800  }
0x157: {  	_ =	swait.ge [sflag:s5], $0x800  }
0x158: {  	[sflag:s5] =	ssyncset.done $0x0  }
0x159: {  	[sflag:s5] =	ssyncadd.s32 $0xFFFFF800  }
0x15a: {  	_ =	swait.ge [sflag:s5], $0x800  }
0x15b: {  	[sflag:s5] =	ssyncset.done $0x0  }
0x15c: {  	[sflag:s5] =	ssyncadd.s32 $0xFFFFF800  }
0x15d: {  	_ =	swait.ge [sflag:s5], $0x800  }
0x15e: {  	[sflag:s5] =	ssyncset.done $0x0  }
0x15f: {  	[sflag:s5] =	ssyncadd.s32 $0xFFFFF800  }
0x160: {  	_ =	swait.ge [sflag:s5], $0x800  }
0x161: {  	[sflag:s5] =	ssyncset.done $0x0  }
0x162: {  	[sflag:s5] =	ssyncadd.s32 $0xFFFFF800  }
0x163: {  	_ =	swait.ge [sflag:s5], $0x800  }
0x164: {  	[sflag:s5] =	ssyncset.done $0x0  }
0x165: {  	[sflag:s5] =	ssyncadd.s32 $0xFFFFF800  }
0x166: {  	_ =	swait.ge [sflag:s5], $0x800  }
0x167: {  	[sflag:s5] =	ssyncset.done $0x0  }
0x168: {  	[sflag:s5] =	ssyncadd.s32 $0xFFFFF800  }
0x169: {  	_ =	swait.ge [sflag:s5], $0x800  }
0x16a: {  	[sflag:s5] =	ssyncset.done $0x0  }
0x16b: {  	[sflag:s5] =	ssyncadd.s32 $0xFFFFF800  }
0x16c: {  	_ =	swait.ge [sflag:s5], $0x800  }
0x16d: {  	[sflag:s5] =	ssyncset.done $0x0  }
0x16e: {  	[sflag:s5] =	ssyncadd.s32 $0xFFFFF800  }
0x16f: {  	_ =	swait.ge [sflag:s5], $0x800  }
0x170: {  	[sflag:s5] =	ssyncset.done $0x0  }
0x171: {  	[sflag:s5] =	ssyncadd.s32 $0xFFFFF800  }
0x172: {  	_ =	swait.ge [sflag:s5], $0x800  }
0x173: {  	[sflag:s5] =	ssyncset.done $0x0  }
0x174: {  	[sflag:s5] =	ssyncadd.s32 $0xFFFFF800  }
0x175: {  	_ =	swait.ge [sflag:s5], $0x800  }
0x176: {  	[sflag:s5] =	ssyncset.done $0x0  }
0x177: {  	[sflag:s5] =	ssyncadd.s32 $0xFFFFF800  }
0x178: {  	_ =	swait.ge [sflag:s5], $0x800  }
0x179: {  	[sflag:s5] =	ssyncset.done $0x0  }
0x17a: {  	[sflag:s5] =	ssyncadd.s32 $0xFFFFF800  }
0x17b: {  	_ =	swait.ge [sflag:s5], $0x800  }
0x17c: {  	[sflag:s5] =	ssyncset.done $0x0  }
0x17d: {  	[sflag:s5] =	ssyncadd.s32 $0xFFFFF800  }
0x17e: {  	_ =	swait.ge [sflag:s5], $0x800  }
0x17f: {  	[sflag:s5] =	ssyncset.done $0x0  }
0x180: {  	[sflag:s5] =	ssyncadd.s32 $0xFFFFF800  }
0x181: {  	_ =	swait.ge [sflag:s5], $0x800  }
0x182: {  	[sflag:s5] =	ssyncset.done $0x0  }
0x183: {  	[sflag:s5] =	ssyncadd.s32 $0xFFFFF800  }
0x184: {  	_ =	swait.ge [sflag:s5], $0x800  }
0x185: {  	[sflag:s5] =	ssyncset.done $0x0  }
0x186: {  	[sflag:s5] =	ssyncadd.s32 $0xFFFFF800  }
0x187: {  	_ =	swait.ge [sflag:s5], $0x800  }
0x188: {  	[sflag:s5] =	ssyncset.done $0x0  }
0x189: {  	[sflag:s5] =	ssyncadd.s32 $0xFFFFF800  }
0x18a: {  	_ =	swait.ge [sflag:s5], $0x800  }
0x18b: {  	[sflag:s5] =	ssyncset.done $0x0  }
0x18c: {  	[sflag:s5] =	ssyncadd.s32 $0xFFFFF800  }
0x18d: {  	_ =	swait.ge [sflag:s5], $0x800  }
0x18e: {  	[sflag:s5] =	ssyncset.done $0x0  }
0x18f: {  	[sflag:s5] =	ssyncadd.s32 $0xFFFFF800  }
0x190: {  	p1 =	sne.s32 s30, $0x1;
	_ =	swait.ge [sflag:s5], $0x800  }
.Ltmp1:
0x191: {  	[sflag:s5] =	ssyncset.done $0x0;
	(pc) =	sbr.rel @!p1 .LBB2_6-.Ltmp1, $4  }
0x192: {  	s4 =	simm.s32 $0x2000;
	s31 =	rddreg [dreg:$0x5];
	[sflag:s5] =	ssyncadd.s32 $0xFFFFF800  }
0x193: {  	[hbm4b:s31+s2] =	stream.linear.scatter [tilespmem:s4], [sflag:$0x2], $0x10000, $0x38;
	[tilespmem:$0x12000] =	vst v63  }
0x194: {  	p0 =	por $0x1, $0x1;
	_ =	swait.ge [sflag:s3], $0x10000  }
0x195: {  	s16 =	sadd.s32 $0xFFFFFFFF, s30;
	s17 =	rddreg [dreg:$0x2];
	[sflag:s3] =	ssyncset.done $0x0  }
0x196: {  	s26 =	simm.s32 $0x1000  }
0x197: {  	s21 =	simm.s32 $0x2800;
	s19 =	simm.s32 $0x3000;
	s20 =	simm.s32 $0x3800  }
0x198: {  	s1 =	simm.s32 $0x2000;
	s8 =	simm.s32 $0x4800;
	s9 =	simm.s32 $0x5000  }
0x199: {  	s29 =	simm.s32 $0x8000;
	s22 =	simm.s32 $0x8800;
	s30 =	simm.s32 $0x9000  }
0x19a: {  	s23 =	simm.s32 $0x9800;
	s25 =	simm.s32 $0xA000;
	s28 =	simm.s32 $0xB800  }
0x19b: {  	s31 =	simm.s32 $0xC000;
	s14 =	simm.s32 $0xF000;
	s13 =	simm.s32 $0xF800  }
0x19c: {  	s12 =	simm.s32 $0x10000;
	s11 =	simm.s32 $0x10800;
	s24 =	simm.s32 $0x11800  }
.LBB2_3:
0x19d: {  	[sflag:s3] =	ssyncadd.s32 $0xFFFF0000  }
0x19e: {  	[tilespmem:s2], [sflag:$0x2] =	stream.linear.gather [hbm4b:s17+s2], $0x1000, $0x38;
	[tilespmem:$0x12000] =	vst v63  }
0x19f: {  	_ =	swait.ge [sflag:s3], $0x1000  }
0x1a0: {  	[sflag:s3] =	ssyncset.done $0x0  }
0x1a1: {  	s0 =	rddreg [dreg:$0x3];
	[sflag:s3] =	ssyncadd.s32 $0xFFFFF000  }
0x1a2: {  	[tilespmem:s26], [sflag:$0x2] =	stream.linear.gather [hbm4b:s0+s2], $0x1000, $0x38;
	[tilespmem:$0x12000] =	vst v63  }
0x1a3: {  	_ =	swait.ge [sflag:s3], $0x1000  }
0x1a4: {  	[sflag:s3] =	ssyncset.done $0x0  }
0x1a5: {  	[sflag:s3] =	ssyncadd.s32 $0xFFFFF000  }
0x1a6: {  	[tilespmem:s4], [sflag:$0x1] =	stream.indirect.gather [hbm4b:s15+s7], $0x10, s2, s7, $0xb8;
	[tilespmem:$0x12000] =	vst v63  }
0x1a7: {  	s18 =	rddreg [dreg:$0x7]  }
0x1a8: {  	[tilespmem:s21], [sflag:$0x1] =	stream.indirect.gather [hbm4b:s15+s7], $0x10, s7, s7, $0xb8;
	[tilespmem:$0x12000] =	vst v63  }
0x1a9: {  	s4 =	rddreg [dreg:$0x6]  }
0x1aa: {  	[tilespmem:s19], [sflag:$0x1] =	stream.indirect.gather [hbm4b:s15+s7], $0x10, s4, s7, $0xb8;
	[tilespmem:$0x12000] =	vst v63  }
0x1ab: {  	s10 =	rddreg [dreg:$0x8]  }
0x1ac: {  	[tilespmem:s20], [sflag:$0x1] =	stream.indirect.gather [hbm4b:s15+s7], $0x10, s18, s7, $0xb8;
	[tilespmem:$0x12000] =	vst v63  }
0x1ad: {  	s0 =	rddreg [dreg:$0x9];
	s4 =	simm.s32 $0x4000  }
0x1ae: {  	[tilespmem:s4], [sflag:$0x1] =	stream.indirect.gather [hbm4b:s15+s7], $0x10, s10, s7, $0xb8;
	[tilespmem:$0x12000] =	vst v63  }
0x1af: {  	s17 =	rddreg [dreg:$0x1a]  }
0x1b0: {  	[tilespmem:s8], [sflag:$0x1] =	stream.indirect.gather [hbm4b:s15+s7], $0x10, s0, s7, $0xb8;
	[tilespmem:$0x12000] =	vst v63  }
0x1b1: {  	s2 =	rddreg [dreg:$0xa]  }
0x1b2: {  	[tilespmem:s9], [sflag:$0x1] =	stream.indirect.gather [hbm4b:s15+s7], $0x10, s2, s7, $0xb8;
	[tilespmem:$0x12000] =	vst v63  }
0x1b3: {  	s3 =	rddreg [dreg:$0xb];
	s0 =	simm.s32 $0x5800  }
0x1b4: {  	[tilespmem:s0], [sflag:$0x1] =	stream.indirect.gather [hbm4b:s15+s7], $0x10, s3, s7, $0xb8;
	[tilespmem:$0x12000] =	vst v63  }
0x1b5: {  	s10 =	rddreg [dreg:$0xc];
	s2 =	simm.s32 $0x6000  }
0x1b6: {  	[tilespmem:s2], [sflag:$0x1] =	stream.indirect.gather [hbm4b:s15+s7], $0x10, s10, s7, $0xb8;
	[tilespmem:$0x12000] =	vst v63  }
0x1b7: {  	s18 =	rddreg [dreg:$0xd];
	s10 =	simm.s32 $0x6800  }
0x1b8: {  	[tilespmem:s10], [sflag:$0x1] =	stream.indirect.gather [hbm4b:s15+s7], $0x10, s18, s7, $0xb8;
	[tilespmem:$0x12000] =	vst v63  }
0x1b9: {  	s3 =	rddreg [dreg:$0xe];
	s2 =	simm.s32 $0x7000  }
0x1ba: {  	[tilespmem:s2], [sflag:$0x1] =	stream.indirect.gather [hbm4b:s15+s7], $0x10, s3, s7, $0xb8;
	[tilespmem:$0x12000] =	vst v63  }
0x1bb: {  	s18 =	rddreg [dreg:$0xf];
	s10 =	simm.s32 $0x7800  }
0x1bc: {  	[tilespmem:s10], [sflag:$0x1] =	stream.indirect.gather [hbm4b:s15+s7], $0x10, s18, s7, $0xb8;
	[tilespmem:$0x12000] =	vst v63  }
0x1bd: {  	s3 =	rddreg [dreg:$0x10]  }
0x1be: {  	[tilespmem:s29], [sflag:$0x1] =	stream.indirect.gather [hbm4b:s15+s7], $0x10, s3, s7, $0xb8;
	[tilespmem:$0x12000] =	vst v63  }
0x1bf: {  	s0 =	rddreg [dreg:$0x11]  }
0x1c0: {  	[tilespmem:s22], [sflag:$0x1] =	stream.indirect.gather [hbm4b:s15+s7], $0x10, s0, s7, $0xb8;
	[tilespmem:$0x12000] =	vst v63  }
0x1c1: {  	s2 =	rddreg [dreg:$0x12]  }
0x1c2: {  	[tilespmem:s30], [sflag:$0x1] =	stream.indirect.gather [hbm4b:s15+s7], $0x10, s2, s7, $0xb8;
	[tilespmem:$0x12000] =	vst v63  }
0x1c3: {  	s3 =	rddreg [dreg:$0x13]  }
0x1c4: {  	[tilespmem:s23], [sflag:$0x1] =	stream.indirect.gather [hbm4b:s15+s7], $0x10, s3, s7, $0xb8;
	[tilespmem:$0x12000] =	vst v63  }
0x1c5: {  	s10 =	rddreg [dreg:$0x14]  }
0x1c6: {  	[tilespmem:s25], [sflag:$0x1] =	stream.indirect.gather [hbm4b:s15+s7], $0x10, s10, s7, $0xb8;
	[tilespmem:$0x12000] =	vst v63  }
0x1c7: {  	s0 =	rddreg [dreg:$0x15];
	s2 =	simm.s32 $0xA800  }
0x1c8: {  	[tilespmem:s2], [sflag:$0x1] =	stream.indirect.gather [hbm4b:s15+s7], $0x10, s0, s7, $0xb8;
	[tilespmem:$0x12000] =	vst v63  }
0x1c9: {  	s3 =	rddreg [dreg:$0x16];
	s10 =	simm.s32 $0xB000  }
0x1ca: {  	[tilespmem:s10], [sflag:$0x1] =	stream.indirect.gather [hbm4b:s15+s7], $0x10, s3, s7, $0xb8;
	[tilespmem:$0x12000] =	vst v63  }
0x1cb: {  	s18 =	rddreg [dreg:$0x17]  }
0x1cc: {  	[tilespmem:s28], [sflag:$0x1] =	stream.indirect.gather [hbm4b:s15+s7], $0x10, s18, s7, $0xb8;
	[tilespmem:$0x12000] =	vst v63  }
0x1cd: {  	s3 =	rddreg [dreg:$0x18]  }
0x1ce: {  	[tilespmem:s31], [sflag:$0x1] =	stream.indirect.gather [hbm4b:s15+s7], $0x10, s3, s7, $0xb8;
	[tilespmem:$0x12000] =	vst v63  }
0x1cf: {  	s10 =	rddreg [dreg:$0x19];
	s3 =	simm.s32 $0xC800  }
0x1d0: {  	[tilespmem:s3], [sflag:$0x1] =	stream.indirect.gather [hbm4b:s15+s7], $0x10, s10, s7, $0xb8;
	[tilespmem:$0x12000] =	vst v63  }
0x1d1: {  	s18 =	rddreg [dreg:$0x1b];
	s10 =	simm.s32 $0xD000  }
0x1d2: {  	[tilespmem:s10], [sflag:$0x1] =	stream.indirect.gather [hbm4b:s15+s7], $0x10, s17, s7, $0xb8;
	[tilespmem:$0x12000] =	vst v63  }
0x1d3: {  	s17 =	rddreg [dreg:$0x1c];
	s10 =	simm.s32 $0xD800  }
0x1d4: {  	[tilespmem:s10], [sflag:$0x1] =	stream.indirect.gather [hbm4b:s15+s7], $0x10, s18, s7, $0xb8;
	[tilespmem:$0x12000] =	vst v63  }
0x1d5: {  	s18 =	rddreg [dreg:$0x1d];
	s10 =	simm.s32 $0xE000  }
0x1d6: {  	[tilespmem:s10], [sflag:$0x1] =	stream.indirect.gather [hbm4b:s15+s7], $0x10, s17, s7, $0xb8;
	[tilespmem:$0x12000] =	vst v63  }
0x1d7: {  	s17 =	rddreg [dreg:$0x1e];
	s10 =	simm.s32 $0xE800  }
0x1d8: {  	[tilespmem:s10], [sflag:$0x1] =	stream.indirect.gather [hbm4b:s15+s7], $0x10, s18, s7, $0xb8;
	[tilespmem:$0x12000] =	vst v63  }
0x1d9: {  	s10 =	rddreg [dreg:$0x1f]  }
0x1da: {  	[tilespmem:s14], [sflag:$0x1] =	stream.indirect.gather [hbm4b:s15+s7], $0x10, s17, s7, $0xb8;
	[tilespmem:$0x12000] =	vst v63  }
0x1db: {  	s17 =	sld [smem:$0x7DB]  }
0x1dc: {  	[tilespmem:s13], [sflag:$0x1] =	stream.indirect.gather [hbm4b:s15+s7], $0x10, s10, s7, $0xb8;
	[tilespmem:$0x12000] =	vst v63  }
0x1dd: {  	s10 =	sld [smem:$0x7DC]  }
0x1de: {  	[tilespmem:s12], [sflag:$0x1] =	stream.indirect.gather [hbm4b:s15+s7], $0x10, s17, s7, $0xb8;
	[tilespmem:$0x12000] =	vst v63  }
0x1df: {  	s17 =	sld [smem:$0x7DD]  }
0x1e0: {  	[tilespmem:s11], [sflag:$0x1] =	stream.indirect.gather [hbm4b:s15+s7], $0x10, s10, s7, $0xb8;
	[tilespmem:$0x12000] =	vst v63  }
0x1e1: {  	s18 =	sld [smem:$0x7DE];
	s10 =	simm.s32 $0x11000  }
0x1e2: {  	[tilespmem:s10], [sflag:$0x1] =	stream.indirect.gather [hbm4b:s15+s7], $0x10, s17, s7, $0xb8;
	[tilespmem:$0x12000] =	vst v63  }
0x1e3: {  	_ = 	snop  }
0x1e4: {  	[tilespmem:s24], [sflag:$0x1] =	stream.indirect.gather [hbm4b:s15+s7], $0x10, s18, s7, $0xb8;
	[tilespmem:$0x12000] =	vst v63  }
0x1e5: {  	_ =	swait.ge [sflag:s5], $0x800  }
0x1e6: {  	[sflag:s5] =	ssyncset.done $0x0  }
0x1e7: {  	[sflag:s5] =	ssyncadd.s32 $0xFFFFF800  }
0x1e8: {  	_ =	swait.ge [sflag:s5], $0x800  }
0x1e9: {  	[sflag:s5] =	ssyncset.done $0x0  }
0x1ea: {  	[sflag:s5] =	ssyncadd.s32 $0xFFFFF800  }
0x1eb: {  	_ =	swait.ge [sflag:s5], $0x800  }
0x1ec: {  	[sflag:s5] =	ssyncset.done $0x0  }
0x1ed: {  	[sflag:s5] =	ssyncadd.s32 $0xFFFFF800  }
0x1ee: {  	_ =	swait.ge [sflag:s5], $0x800  }
0x1ef: {  	[sflag:s5] =	ssyncset.done $0x0  }
0x1f0: {  	[sflag:s5] =	ssyncadd.s32 $0xFFFFF800  }
0x1f1: {  	_ =	swait.ge [sflag:s5], $0x800  }
0x1f2: {  	[sflag:s5] =	ssyncset.done $0x0  }
0x1f3: {  	[sflag:s5] =	ssyncadd.s32 $0xFFFFF800  }
0x1f4: {  	_ =	swait.ge [sflag:s5], $0x800  }
0x1f5: {  	[sflag:s5] =	ssyncset.done $0x0  }
0x1f6: {  	[sflag:s5] =	ssyncadd.s32 $0xFFFFF800  }
0x1f7: {  	_ =	swait.ge [sflag:s5], $0x800  }
0x1f8: {  	[sflag:s5] =	ssyncset.done $0x0  }
0x1f9: {  	[sflag:s5] =	ssyncadd.s32 $0xFFFFF800  }
0x1fa: {  	_ =	swait.ge [sflag:s5], $0x800  }
0x1fb: {  	[sflag:s5] =	ssyncset.done $0x0  }
0x1fc: {  	[sflag:s5] =	ssyncadd.s32 $0xFFFFF800  }
0x1fd: {  	_ =	swait.ge [sflag:s5], $0x800  }
0x1fe: {  	[sflag:s5] =	ssyncset.done $0x0  }
0x1ff: {  	[sflag:s5] =	ssyncadd.s32 $0xFFFFF800  }
0x200: {  	_ =	swait.ge [sflag:s5], $0x800  }
0x201: {  	[sflag:s5] =	ssyncset.done $0x0  }
0x202: {  	[sflag:s5] =	ssyncadd.s32 $0xFFFFF800  }
0x203: {  	_ =	swait.ge [sflag:s5], $0x800  }
0x204: {  	[sflag:s5] =	ssyncset.done $0x0  }
0x205: {  	[sflag:s5] =	ssyncadd.s32 $0xFFFFF800  }
0x206: {  	_ =	swait.ge [sflag:s5], $0x800  }
0x207: {  	[sflag:s5] =	ssyncset.done $0x0  }
0x208: {  	[sflag:s5] =	ssyncadd.s32 $0xFFFFF800  }
0x209: {  	_ =	swait.ge [sflag:s5], $0x800  }
0x20a: {  	[sflag:s5] =	ssyncset.done $0x0  }
0x20b: {  	[sflag:s5] =	ssyncadd.s32 $0xFFFFF800  }
0x20c: {  	_ =	swait.ge [sflag:s5], $0x800  }
0x20d: {  	[sflag:s5] =	ssyncset.done $0x0  }
0x20e: {  	[sflag:s5] =	ssyncadd.s32 $0xFFFFF800  }
0x20f: {  	_ =	swait.ge [sflag:s5], $0x800  }
0x210: {  	[sflag:s5] =	ssyncset.done $0x0  }
0x211: {  	[sflag:s5] =	ssyncadd.s32 $0xFFFFF800  }
0x212: {  	_ =	swait.ge [sflag:s5], $0x800  }
0x213: {  	[sflag:s5] =	ssyncset.done $0x0  }
0x214: {  	[sflag:s5] =	ssyncadd.s32 $0xFFFFF800  }
0x215: {  	_ =	swait.ge [sflag:s5], $0x800  }
0x216: {  	[sflag:s5] =	ssyncset.done $0x0  }
0x217: {  	[sflag:s5] =	ssyncadd.s32 $0xFFFFF800  }
0x218: {  	_ =	swait.ge [sflag:s5], $0x800  }
0x219: {  	[sflag:s5] =	ssyncset.done $0x0  }
0x21a: {  	[sflag:s5] =	ssyncadd.s32 $0xFFFFF800  }
0x21b: {  	_ =	swait.ge [sflag:s5], $0x800  }
0x21c: {  	[sflag:s5] =	ssyncset.done $0x0  }
0x21d: {  	[sflag:s5] =	ssyncadd.s32 $0xFFFFF800  }
0x21e: {  	_ =	swait.ge [sflag:s5], $0x800  }
0x21f: {  	[sflag:s5] =	ssyncset.done $0x0  }
0x220: {  	[sflag:s5] =	ssyncadd.s32 $0xFFFFF800  }
0x221: {  	_ =	swait.ge [sflag:s5], $0x800  }
0x222: {  	[sflag:s5] =	ssyncset.done $0x0  }
0x223: {  	[sflag:s5] =	ssyncadd.s32 $0xFFFFF800  }
0x224: {  	_ =	swait.ge [sflag:s5], $0x800  }
0x225: {  	[sflag:s5] =	ssyncset.done $0x0  }
0x226: {  	[sflag:s5] =	ssyncadd.s32 $0xFFFFF800  }
0x227: {  	_ =	swait.ge [sflag:s5], $0x800  }
0x228: {  	[sflag:s5] =	ssyncset.done $0x0  }
0x229: {  	[sflag:s5] =	ssyncadd.s32 $0xFFFFF800  }
0x22a: {  	_ =	swait.ge [sflag:s5], $0x800  }
0x22b: {  	[sflag:s5] =	ssyncset.done $0x0  }
0x22c: {  	[sflag:s5] =	ssyncadd.s32 $0xFFFFF800  }
0x22d: {  	_ =	swait.ge [sflag:s5], $0x800  }
0x22e: {  	[sflag:s5] =	ssyncset.done $0x0  }
0x22f: {  	[sflag:s5] =	ssyncadd.s32 $0xFFFFF800  }
0x230: {  	_ =	swait.ge [sflag:s5], $0x800  }
0x231: {  	[sflag:s5] =	ssyncset.done $0x0  }
0x232: {  	[sflag:s5] =	ssyncadd.s32 $0xFFFFF800  }
0x233: {  	_ =	swait.ge [sflag:s5], $0x800  }
0x234: {  	[sflag:s5] =	ssyncset.done $0x0  }
0x235: {  	[sflag:s5] =	ssyncadd.s32 $0xFFFFF800  }
0x236: {  	_ =	swait.ge [sflag:s5], $0x800  }
0x237: {  	[sflag:s5] =	ssyncset.done $0x0  }
0x238: {  	[sflag:s5] =	ssyncadd.s32 $0xFFFFF800  }
0x239: {  	_ =	swait.ge [sflag:s5], $0x800  }
0x23a: {  	[sflag:s5] =	ssyncset.done $0x0  }
0x23b: {  	[sflag:s5] =	ssyncadd.s32 $0xFFFFF800  }
0x23c: {  	_ =	swait.ge [sflag:s5], $0x800  }
0x23d: {  	[sflag:s5] =	ssyncset.done $0x0  }
0x23e: {  	[sflag:s5] =	ssyncadd.s32 $0xFFFFF800  }
0x23f: {  	_ =	swait.ge [sflag:s5], $0x800  }
0x240: {  	[sflag:s5] =	ssyncset.done $0x0  }
0x241: {  	[sflag:s5] =	ssyncadd.s32 $0xFFFFF800  }
0x242: {  	_ =	swait.ge [sflag:s5], $0x800  }
0x243: {  	s0 =	simm.s32 $0x2;
	[sflag:s5] =	ssyncset.done $0x0  }
0x244: {  	s18 =	simm.s32 $0x0;
	s17 =	rddreg [dreg:$0x4];
	[sflag:s5] =	ssyncadd.s32 $0xFFFFF800  }
0x245: {  	[hbm4b:s17+s18] =	stream.linear.scatter [tilespmem:s1], [sflag:$0x2], $0x10000, $0x38;
	[tilespmem:$0x12000] =	vst v63  }
0x246: {  	_ =	swait.ge [sflag:s0], $0x10000  }
0x247: {  	[sflag:s0] =	ssyncset.done $0x0  }
0x248: {  	s18 =	sld [smem:$0x7DF];
	[sflag:s0] =	ssyncadd.s32 $0xFFFF0000  }
0x249: {  	[tilespmem:s1], [sflag:$0x1] =	stream.indirect.gather [hbm4b:s6+s7], $0x10, s26, s7, $0xb8;
	[tilespmem:$0x12000] =	vst v63  }
0x24a: {  	s0 =	sld [smem:$0x7E0]  }
0x24b: {  	[tilespmem:s21], [sflag:$0x1] =	stream.indirect.gather [hbm4b:s6+s7], $0x10, s18, s7, $0xb8;
	[tilespmem:$0x12000] =	vst v63  }
0x24c: {  	s17 =	sld [smem:$0x7E1]  }
0x24d: {  	[tilespmem:s19], [sflag:$0x1] =	stream.indirect.gather [hbm4b:s6+s7], $0x10, s0, s7, $0xb8;
	[tilespmem:$0x12000] =	vst v63  }
0x24e: {  	s0 =	sld [smem:$0x7E2]  }
0x24f: {  	[tilespmem:s20], [sflag:$0x1] =	stream.indirect.gather [hbm4b:s6+s7], $0x10, s17, s7, $0xb8;
	[tilespmem:$0x12000] =	vst v63  }
0x250: {  	s17 =	sld [smem:$0x7E3]  }
0x251: {  	[tilespmem:s4], [sflag:$0x1] =	stream.indirect.gather [hbm4b:s6+s7], $0x10, s0, s7, $0xb8;
	[tilespmem:$0x12000] =	vst v63  }
0x252: {  	s0 =	sld [smem:$0x7E4]  }
0x253: {  	[tilespmem:s8], [sflag:$0x1] =	stream.indirect.gather [hbm4b:s6+s7], $0x10, s17, s7, $0xb8;
	[tilespmem:$0x12000] =	vst v63  }
0x254: {  	s17 =	sld [smem:$0x7E5]  }
0x255: {  	[tilespmem:s9], [sflag:$0x1] =	stream.indirect.gather [hbm4b:s6+s7], $0x10, s0, s7, $0xb8;
	[tilespmem:$0x12000] =	vst v63  }
0x256: {  	s18 =	sld [smem:$0x7E6];
	s0 =	simm.s32 $0x5800  }
0x257: {  	[tilespmem:s0], [sflag:$0x1] =	stream.indirect.gather [hbm4b:s6+s7], $0x10, s17, s7, $0xb8;
	[tilespmem:$0x12000] =	vst v63  }
0x258: {  	s17 =	sld [smem:$0x7E7];
	s0 =	simm.s32 $0x6000  }
0x259: {  	[tilespmem:s0], [sflag:$0x1] =	stream.indirect.gather [hbm4b:s6+s7], $0x10, s18, s7, $0xb8;
	[tilespmem:$0x12000] =	vst v63  }
0x25a: {  	s18 =	sld [smem:$0x7E8];
	s0 =	simm.s32 $0x6800  }
0x25b: {  	[tilespmem:s0], [sflag:$0x1] =	stream.indirect.gather [hbm4b:s6+s7], $0x10, s17, s7, $0xb8;
	[tilespmem:$0x12000] =	vst v63  }
0x25c: {  	s17 =	sld [smem:$0x7E9];
	s0 =	simm.s32 $0x7000  }
0x25d: {  	[tilespmem:s0], [sflag:$0x1] =	stream.indirect.gather [hbm4b:s6+s7], $0x10, s18, s7, $0xb8;
	[tilespmem:$0x12000] =	vst v63  }
0x25e: {  	s18 =	sld [smem:$0x7EA];
	s0 =	simm.s32 $0x7800  }
0x25f: {  	[tilespmem:s0], [sflag:$0x1] =	stream.indirect.gather [hbm4b:s6+s7], $0x10, s17, s7, $0xb8;
	[tilespmem:$0x12000] =	vst v63  }
0x260: {  	s0 =	sld [smem:$0x7EB]  }
0x261: {  	[tilespmem:s29], [sflag:$0x1] =	stream.indirect.gather [hbm4b:s6+s7], $0x10, s18, s7, $0xb8;
	[tilespmem:$0x12000] =	vst v63  }
0x262: {  	s18 =	sld [smem:$0x7EC]  }
0x263: {  	[tilespmem:s22], [sflag:$0x1] =	stream.indirect.gather [hbm4b:s6+s7], $0x10, s0, s7, $0xb8;
	[tilespmem:$0x12000] =	vst v63  }
0x264: {  	s0 =	sld [smem:$0x7ED]  }
0x265: {  	[tilespmem:s30], [sflag:$0x1] =	stream.indirect.gather [hbm4b:s6+s7], $0x10, s18, s7, $0xb8;
	[tilespmem:$0x12000] =	vst v63  }
0x266: {  	s18 =	sld [smem:$0x7EE]  }
0x267: {  	[tilespmem:s23], [sflag:$0x1] =	stream.indirect.gather [hbm4b:s6+s7], $0x10, s0, s7, $0xb8;
	[tilespmem:$0x12000] =	vst v63  }
0x268: {  	s0 =	sld [smem:$0x7EF]  }
0x269: {  	[tilespmem:s25], [sflag:$0x1] =	stream.indirect.gather [hbm4b:s6+s7], $0x10, s18, s7, $0xb8;
	[tilespmem:$0x12000] =	vst v63  }
0x26a: {  	s18 =	sld [smem:$0x7F0]  }
0x26b: {  	[tilespmem:s2], [sflag:$0x1] =	stream.indirect.gather [hbm4b:s6+s7], $0x10, s0, s7, $0xb8;
	[tilespmem:$0x12000] =	vst v63  }
0x26c: {  	s17 =	sld [smem:$0x7F1];
	s0 =	simm.s32 $0xB000  }
0x26d: {  	[tilespmem:s0], [sflag:$0x1] =	stream.indirect.gather [hbm4b:s6+s7], $0x10, s18, s7, $0xb8;
	[tilespmem:$0x12000] =	vst v63  }
0x26e: {  	s18 =	sld [smem:$0x7F2]  }
0x26f: {  	[tilespmem:s28], [sflag:$0x1] =	stream.indirect.gather [hbm4b:s6+s7], $0x10, s17, s7, $0xb8;
	[tilespmem:$0x12000] =	vst v63  }
0x270: {  	s0 =	sld [smem:$0x7F3]  }
0x271: {  	[tilespmem:s31], [sflag:$0x1] =	stream.indirect.gather [hbm4b:s6+s7], $0x10, s18, s7, $0xb8;
	[tilespmem:$0x12000] =	vst v63  }
0x272: {  	s18 =	sld [smem:$0x7F4]  }
0x273: {  	[tilespmem:s3], [sflag:$0x1] =	stream.indirect.gather [hbm4b:s6+s7], $0x10, s0, s7, $0xb8;
	[tilespmem:$0x12000] =	vst v63  }
0x274: {  	s17 =	sld [smem:$0x7F5];
	s0 =	simm.s32 $0xD000  }
0x275: {  	[tilespmem:s0], [sflag:$0x1] =	stream.indirect.gather [hbm4b:s6+s7], $0x10, s18, s7, $0xb8;
	[tilespmem:$0x12000] =	vst v63  }
0x276: {  	s18 =	sld [smem:$0x7F6];
	s0 =	simm.s32 $0xD800  }
0x277: {  	[tilespmem:s0], [sflag:$0x1] =	stream.indirect.gather [hbm4b:s6+s7], $0x10, s17, s7, $0xb8;
	[tilespmem:$0x12000] =	vst v63  }
0x278: {  	s17 =	sld [smem:$0x7F7];
	s0 =	simm.s32 $0xE000  }
0x279: {  	[tilespmem:s0], [sflag:$0x1] =	stream.indirect.gather [hbm4b:s6+s7], $0x10, s18, s7, $0xb8;
	[tilespmem:$0x12000] =	vst v63  }
0x27a: {  	s18 =	sld [smem:$0x7F8];
	s0 =	simm.s32 $0xE800  }
0x27b: {  	[tilespmem:s0], [sflag:$0x1] =	stream.indirect.gather [hbm4b:s6+s7], $0x10, s17, s7, $0xb8;
	[tilespmem:$0x12000] =	vst v63  }
0x27c: {  	s0 =	sld [smem:$0x7F9]  }
0x27d: {  	[tilespmem:s14], [sflag:$0x1] =	stream.indirect.gather [hbm4b:s6+s7], $0x10, s18, s7, $0xb8;
	[tilespmem:$0x12000] =	vst v63  }
0x27e: {  	s18 =	sld [smem:$0x7FA]  }
0x27f: {  	[tilespmem:s13], [sflag:$0x1] =	stream.indirect.gather [hbm4b:s6+s7], $0x10, s0, s7, $0xb8;
	[tilespmem:$0x12000] =	vst v63  }
0x280: {  	s0 =	sld [smem:$0x7FB]  }
0x281: {  	[tilespmem:s12], [sflag:$0x1] =	stream.indirect.gather [hbm4b:s6+s7], $0x10, s18, s7, $0xb8;
	[tilespmem:$0x12000] =	vst v63  }
0x282: {  	s18 =	sld [smem:$0x7FC]  }
0x283: {  	[tilespmem:s11], [sflag:$0x1] =	stream.indirect.gather [hbm4b:s6+s7], $0x10, s0, s7, $0xb8;
	[tilespmem:$0x12000] =	vst v63  }
0x284: {  	s0 =	sld [smem:$0x7FD]  }
0x285: {  	[tilespmem:s10], [sflag:$0x1] =	stream.indirect.gather [hbm4b:s6+s7], $0x10, s18, s7, $0xb8;
	[tilespmem:$0x12000] =	vst v63  }
0x286: {  	_ = 	snop  }
0x287: {  	[tilespmem:s24], [sflag:$0x1] =	stream.indirect.gather [hbm4b:s6+s7], $0x10, s0, s7, $0xb8;
	[tilespmem:$0x12000] =	vst v63  }
0x288: {  	_ =	swait.ge [sflag:s5], $0x800  }
0x289: {  	[sflag:s5] =	ssyncset.done $0x0  }
0x28a: {  	[sflag:s5] =	ssyncadd.s32 $0xFFFFF800  }
0x28b: {  	_ =	swait.ge [sflag:s5], $0x800  }
0x28c: {  	[sflag:s5] =	ssyncset.done $0x0  }
0x28d: {  	[sflag:s5] =	ssyncadd.s32 $0xFFFFF800  }
0x28e: {  	_ =	swait.ge [sflag:s5], $0x800  }
0x28f: {  	[sflag:s5] =	ssyncset.done $0x0  }
0x290: {  	[sflag:s5] =	ssyncadd.s32 $0xFFFFF800  }
0x291: {  	_ =	swait.ge [sflag:s5], $0x800  }
0x292: {  	[sflag:s5] =	ssyncset.done $0x0  }
0x293: {  	[sflag:s5] =	ssyncadd.s32 $0xFFFFF800  }
0x294: {  	_ =	swait.ge [sflag:s5], $0x800  }
0x295: {  	[sflag:s5] =	ssyncset.done $0x0  }
0x296: {  	[sflag:s5] =	ssyncadd.s32 $0xFFFFF800  }
0x297: {  	_ =	swait.ge [sflag:s5], $0x800  }
0x298: {  	[sflag:s5] =	ssyncset.done $0x0  }
0x299: {  	[sflag:s5] =	ssyncadd.s32 $0xFFFFF800  }
0x29a: {  	_ =	swait.ge [sflag:s5], $0x800  }
0x29b: {  	[sflag:s5] =	ssyncset.done $0x0  }
0x29c: {  	[sflag:s5] =	ssyncadd.s32 $0xFFFFF800  }
0x29d: {  	_ =	swait.ge [sflag:s5], $0x800  }
0x29e: {  	[sflag:s5] =	ssyncset.done $0x0  }
0x29f: {  	[sflag:s5] =	ssyncadd.s32 $0xFFFFF800  }
0x2a0: {  	_ =	swait.ge [sflag:s5], $0x800  }
0x2a1: {  	[sflag:s5] =	ssyncset.done $0x0  }
0x2a2: {  	[sflag:s5] =	ssyncadd.s32 $0xFFFFF800  }
0x2a3: {  	_ =	swait.ge [sflag:s5], $0x800  }
0x2a4: {  	[sflag:s5] =	ssyncset.done $0x0  }
0x2a5: {  	[sflag:s5] =	ssyncadd.s32 $0xFFFFF800  }
0x2a6: {  	_ =	swait.ge [sflag:s5], $0x800  }
0x2a7: {  	[sflag:s5] =	ssyncset.done $0x0  }
0x2a8: {  	[sflag:s5] =	ssyncadd.s32 $0xFFFFF800  }
0x2a9: {  	_ =	swait.ge [sflag:s5], $0x800  }
0x2aa: {  	[sflag:s5] =	ssyncset.done $0x0  }
0x2ab: {  	[sflag:s5] =	ssyncadd.s32 $0xFFFFF800  }
0x2ac: {  	_ =	swait.ge [sflag:s5], $0x800  }
0x2ad: {  	[sflag:s5] =	ssyncset.done $0x0  }
0x2ae: {  	[sflag:s5] =	ssyncadd.s32 $0xFFFFF800  }
0x2af: {  	_ =	swait.ge [sflag:s5], $0x800  }
0x2b0: {  	[sflag:s5] =	ssyncset.done $0x0  }
0x2b1: {  	[sflag:s5] =	ssyncadd.s32 $0xFFFFF800  }
0x2b2: {  	_ =	swait.ge [sflag:s5], $0x800  }
0x2b3: {  	[sflag:s5] =	ssyncset.done $0x0  }
0x2b4: {  	[sflag:s5] =	ssyncadd.s32 $0xFFFFF800  }
0x2b5: {  	_ =	swait.ge [sflag:s5], $0x800  }
0x2b6: {  	[sflag:s5] =	ssyncset.done $0x0  }
0x2b7: {  	[sflag:s5] =	ssyncadd.s32 $0xFFFFF800  }
0x2b8: {  	_ =	swait.ge [sflag:s5], $0x800  }
0x2b9: {  	[sflag:s5] =	ssyncset.done $0x0  }
0x2ba: {  	[sflag:s5] =	ssyncadd.s32 $0xFFFFF800  }
0x2bb: {  	_ =	swait.ge [sflag:s5], $0x800  }
0x2bc: {  	[sflag:s5] =	ssyncset.done $0x0  }
0x2bd: {  	[sflag:s5] =	ssyncadd.s32 $0xFFFFF800  }
0x2be: {  	_ =	swait.ge [sflag:s5], $0x800  }
0x2bf: {  	[sflag:s5] =	ssyncset.done $0x0  }
0x2c0: {  	[sflag:s5] =	ssyncadd.s32 $0xFFFFF800  }
0x2c1: {  	_ =	swait.ge [sflag:s5], $0x800  }
0x2c2: {  	[sflag:s5] =	ssyncset.done $0x0  }
0x2c3: {  	[sflag:s5] =	ssyncadd.s32 $0xFFFFF800  }
0x2c4: {  	_ =	swait.ge [sflag:s5], $0x800  }
0x2c5: {  	[sflag:s5] =	ssyncset.done $0x0  }
0x2c6: {  	[sflag:s5] =	ssyncadd.s32 $0xFFFFF800  }
0x2c7: {  	_ =	swait.ge [sflag:s5], $0x800  }
0x2c8: {  	[sflag:s5] =	ssyncset.done $0x0  }
0x2c9: {  	[sflag:s5] =	ssyncadd.s32 $0xFFFFF800  }
0x2ca: {  	_ =	swait.ge [sflag:s5], $0x800  }
0x2cb: {  	[sflag:s5] =	ssyncset.done $0x0  }
0x2cc: {  	[sflag:s5] =	ssyncadd.s32 $0xFFFFF800  }
0x2cd: {  	_ =	swait.ge [sflag:s5], $0x800  }
0x2ce: {  	[sflag:s5] =	ssyncset.done $0x0  }
0x2cf: {  	[sflag:s5] =	ssyncadd.s32 $0xFFFFF800  }
0x2d0: {  	_ =	swait.ge [sflag:s5], $0x800  }
0x2d1: {  	[sflag:s5] =	ssyncset.done $0x0  }
0x2d2: {  	[sflag:s5] =	ssyncadd.s32 $0xFFFFF800  }
0x2d3: {  	_ =	swait.ge [sflag:s5], $0x800  }
0x2d4: {  	[sflag:s5] =	ssyncset.done $0x0  }
0x2d5: {  	[sflag:s5] =	ssyncadd.s32 $0xFFFFF800  }
0x2d6: {  	_ =	swait.ge [sflag:s5], $0x800  }
0x2d7: {  	[sflag:s5] =	ssyncset.done $0x0  }
0x2d8: {  	[sflag:s5] =	ssyncadd.s32 $0xFFFFF800  }
0x2d9: {  	_ =	swait.ge [sflag:s5], $0x800  }
0x2da: {  	[sflag:s5] =	ssyncset.done $0x0  }
0x2db: {  	[sflag:s5] =	ssyncadd.s32 $0xFFFFF800  }
0x2dc: {  	_ =	swait.ge [sflag:s5], $0x800  }
0x2dd: {  	[sflag:s5] =	ssyncset.done $0x0  }
0x2de: {  	[sflag:s5] =	ssyncadd.s32 $0xFFFFF800  }
0x2df: {  	_ =	swait.ge [sflag:s5], $0x800  }
0x2e0: {  	[sflag:s5] =	ssyncset.done $0x0  }
0x2e1: {  	[sflag:s5] =	ssyncadd.s32 $0xFFFFF800  }
0x2e2: {  	_ =	swait.ge [sflag:s5], $0x800  }
0x2e3: {  	[sflag:s5] =	ssyncset.done $0x0  }
0x2e4: {  	[sflag:s5] =	ssyncadd.s32 $0xFFFFF800  }
0x2e5: {  	p1 =	sne.s32 s16, $0x1;
	s4 =	simm.s32 $0x2000;
	_ =	swait.ge [sflag:s5], $0x800  }
.Ltmp2:
0x2e6: {  	s2 =	simm.s32 $0x0;
	[sflag:s5] =	ssyncset.done $0x0;
	(pc) =	sbr.rel @p1 .LBB2_3-.Ltmp2, $4  }
0x2e7: {  	s3 =	simm.s32 $0x2;
	s18 =	rddreg [dreg:$0x5];
	[sflag:s5] =	ssyncadd.s32 $0xFFFFF800  }
0x2e8: {  	[hbm4b:s18+s2] =	stream.linear.scatter [tilespmem:s4], [sflag:$0x2], $0x10000, $0x38;
	[tilespmem:$0x12000] =	vst v63  }
0x2e9: {  	_ =	swait.ge [sflag:s3], $0x10000  }
0x2ea: {  	s16 =	sadd.s32 $0xFFFFFFFF, s16;
	s17 =	rddreg [dreg:$0x2];
	[sflag:s3] =	ssyncset.done $0x0  }
0x2eb: {  	s18 =	simm.s32 $0x5800;
	s1 =	simm.s32 $0xE800;
	s8 =	simm.s32 $0x6000  }
0x2ec: {  	s9 =	simm.s32 $0xE000;
	s10 =	simm.s32 $0x6800;
	s11 =	simm.s32 $0xD800  }
0x2ed: {  	s12 =	simm.s32 $0x7000;
	s13 =	simm.s32 $0xD000;
	s14 =	simm.s32 $0x7800  }
.LBB2_5:
0x2ee: {  	[sflag:s3] =	ssyncadd.s32 @p0 $0xFFFF0000  }
0x2ef: {  	[tilespmem:s2], [sflag:$0x2] =	stream.linear.gather [hbm4b:s17+s2], $0x1000, $0x38;
	[tilespmem:$0x12000] =	vst v63  }
0x2f0: {  	_ =	swait.ge [sflag:s3], $0x1000  }
0x2f1: {  	[sflag:s3] =	ssyncset.done $0x0  }
0x2f2: {  	s0 =	simm.s32 $0x1000;
	s16 =	rddreg [dreg:$0x3];
	[sflag:s3] =	ssyncadd.s32 $0xFFFFF000  }
0x2f3: {  	[tilespmem:s0], [sflag:$0x2] =	stream.linear.gather [hbm4b:s16+s2], $0x1000, $0x38;
	[tilespmem:$0x12000] =	vst v63  }
0x2f4: {  	_ =	swait.ge [sflag:s3], $0x1000  }
0x2f5: {  	[sflag:s3] =	ssyncset.done $0x0  }
0x2f6: {  	[sflag:s3] =	ssyncadd.s32 $0xFFFFF000  }
0x2f7: {  	[tilespmem:s4], [sflag:$0x1] =	stream.indirect.gather [hbm4b:s15+s7], $0x10, s2, s7, $0xb8;
	[tilespmem:$0x12000] =	vst v63  }
0x2f8: {  	s20 =	simm.s32 $0x2800;
	s19 =	rddreg [dreg:$0x6]  }
0x2f9: {  	[tilespmem:s20], [sflag:$0x1] =	stream.indirect.gather [hbm4b:s15+s7], $0x10, s7, s7, $0xb8;
	[tilespmem:$0x12000] =	vst v63  }
0x2fa: {  	s21 =	simm.s32 $0x3000;
	s22 =	rddreg [dreg:$0x7]  }
0x2fb: {  	[tilespmem:s21], [sflag:$0x1] =	stream.indirect.gather [hbm4b:s15+s7], $0x10, s19, s7, $0xb8;
	[tilespmem:$0x12000] =	vst v63  }
0x2fc: {  	s24 =	simm.s32 $0x3800;
	s23 =	rddreg [dreg:$0x8]  }
0x2fd: {  	[tilespmem:s24], [sflag:$0x1] =	stream.indirect.gather [hbm4b:s15+s7], $0x10, s22, s7, $0xb8;
	[tilespmem:$0x12000] =	vst v63  }
0x2fe: {  	s26 =	simm.s32 $0x4000;
	s25 =	rddreg [dreg:$0x9]  }
0x2ff: {  	[tilespmem:s26], [sflag:$0x1] =	stream.indirect.gather [hbm4b:s15+s7], $0x10, s23, s7, $0xb8;
	[tilespmem:$0x12000] =	vst v63  }
0x300: {  	s29 =	simm.s32 $0x4800;
	s28 =	rddreg [dreg:$0xa]  }
0x301: {  	[tilespmem:s29], [sflag:$0x1] =	stream.indirect.gather [hbm4b:s15+s7], $0x10, s25, s7, $0xb8;
	[tilespmem:$0x12000] =	vst v63  }
0x302: {  	s31 =	simm.s32 $0x5000;
	s30 =	rddreg [dreg:$0xb]  }
0x303: {  	[tilespmem:s31], [sflag:$0x1] =	stream.indirect.gather [hbm4b:s15+s7], $0x10, s28, s7, $0xb8;
	[tilespmem:$0x12000] =	vst v63  }
0x304: {  	s0 =	rddreg [dreg:$0xc]  }
0x305: {  	[tilespmem:s18], [sflag:$0x1] =	stream.indirect.gather [hbm4b:s15+s7], $0x10, s30, s7, $0xb8;
	[tilespmem:$0x12000] =	vst v63  }
0x306: {  	s19 =	rddreg [dreg:$0xd]  }
0x307: {  	[tilespmem:s8], [sflag:$0x1] =	stream.indirect.gather [hbm4b:s15+s7], $0x10, s0, s7, $0xb8;
	[tilespmem:$0x12000] =	vst v63  }
0x308: {  	s22 =	rddreg [dreg:$0xe]  }
0x309: {  	[tilespmem:s10], [sflag:$0x1] =	stream.indirect.gather [hbm4b:s15+s7], $0x10, s19, s7, $0xb8;
	[tilespmem:$0x12000] =	vst v63  }
0x30a: {  	s23 =	rddreg [dreg:$0xf]  }
0x30b: {  	[tilespmem:s12], [sflag:$0x1] =	stream.indirect.gather [hbm4b:s15+s7], $0x10, s22, s7, $0xb8;
	[tilespmem:$0x12000] =	vst v63  }
0x30c: {  	s25 =	rddreg [dreg:$0x10]  }
0x30d: {  	[tilespmem:s14], [sflag:$0x1] =	stream.indirect.gather [hbm4b:s15+s7], $0x10, s23, s7, $0xb8;
	[tilespmem:$0x12000] =	vst v63  }
0x30e: {  	s28 =	rddreg [dreg:$0x11];
	s0 =	simm.s32 $0x8000  }
0x30f: {  	[tilespmem:s0], [sflag:$0x1] =	stream.indirect.gather [hbm4b:s15+s7], $0x10, s25, s7, $0xb8;
	[tilespmem:$0x12000] =	vst v63  }
0x310: {  	s30 =	rddreg [dreg:$0x12];
	s19 =	simm.s32 $0x8800  }
0x311: {  	[tilespmem:s19], [sflag:$0x1] =	stream.indirect.gather [hbm4b:s15+s7], $0x10, s28, s7, $0xb8;
	[tilespmem:$0x12000] =	vst v63  }
0x312: {  	s18 =	rddreg [dreg:$0x1d];
	s23 =	simm.s32 $0x9000  }
0x313: {  	[tilespmem:s23], [sflag:$0x1] =	stream.indirect.gather [hbm4b:s15+s7], $0x10, s30, s7, $0xb8;
	[tilespmem:$0x12000] =	vst v63  }
0x314: {  	s22 =	rddreg [dreg:$0x13];
	s28 =	simm.s32 $0x9800  }
0x315: {  	[tilespmem:s28], [sflag:$0x1] =	stream.indirect.gather [hbm4b:s15+s7], $0x10, s22, s7, $0xb8;
	[tilespmem:$0x12000] =	vst v63  }
0x316: {  	s25 =	rddreg [dreg:$0x14];
	s19 =	simm.s32 $0xA000  }
0x317: {  	[tilespmem:s19], [sflag:$0x1] =	stream.indirect.gather [hbm4b:s15+s7], $0x10, s25, s7, $0xb8;
	[tilespmem:$0x12000] =	vst v63  }
0x318: {  	s30 =	rddreg [dreg:$0x15];
	s23 =	simm.s32 $0xA800  }
0x319: {  	[tilespmem:s23], [sflag:$0x1] =	stream.indirect.gather [hbm4b:s15+s7], $0x10, s30, s7, $0xb8;
	[tilespmem:$0x12000] =	vst v63  }
0x31a: {  	s22 =	rddreg [dreg:$0x16];
	s28 =	simm.s32 $0xB000  }
0x31b: {  	[tilespmem:s28], [sflag:$0x1] =	stream.indirect.gather [hbm4b:s15+s7], $0x10, s22, s7, $0xb8;
	[tilespmem:$0x12000] =	vst v63  }
0x31c: {  	s25 =	rddreg [dreg:$0x17];
	s19 =	simm.s32 $0xB800  }
0x31d: {  	[tilespmem:s19], [sflag:$0x1] =	stream.indirect.gather [hbm4b:s15+s7], $0x10, s25, s7, $0xb8;
	[tilespmem:$0x12000] =	vst v63  }
0x31e: {  	s30 =	rddreg [dreg:$0x18];
	s23 =	simm.s32 $0xC000  }
0x31f: {  	[tilespmem:s23], [sflag:$0x1] =	stream.indirect.gather [hbm4b:s15+s7], $0x10, s30, s7, $0xb8;
	[tilespmem:$0x12000] =	vst v63  }
0x320: {  	s22 =	rddreg [dreg:$0x19];
	s19 =	simm.s32 $0xC800  }
0x321: {  	[tilespmem:s19], [sflag:$0x1] =	stream.indirect.gather [hbm4b:s15+s7], $0x10, s22, s7, $0xb8;
	[tilespmem:$0x12000] =	vst v63  }
0x322: {  	s25 =	rddreg [dreg:$0x1a]  }
0x323: {  	[tilespmem:s13], [sflag:$0x1] =	stream.indirect.gather [hbm4b:s15+s7], $0x10, s25, s7, $0xb8;
	[tilespmem:$0x12000] =	vst v63  }
0x324: {  	s28 =	rddreg [dreg:$0x1b]  }
0x325: {  	[tilespmem:s11], [sflag:$0x1] =	stream.indirect.gather [hbm4b:s15+s7], $0x10, s28, s7, $0xb8;
	[tilespmem:$0x12000] =	vst v63  }
0x326: {  	s30 =	rddreg [dreg:$0x1c]  }
0x327: {  	[tilespmem:s9], [sflag:$0x1] =	stream.indirect.gather [hbm4b:s15+s7], $0x10, s30, s7, $0xb8;
	[tilespmem:$0x12000] =	vst v63  }
0x328: {  	s23 =	rddreg [dreg:$0x1f]  }
0x329: {  	[tilespmem:s1], [sflag:$0x1] =	stream.indirect.gather [hbm4b:s15+s7], $0x10, s18, s7, $0xb8;
	[tilespmem:$0x12000] =	vst v63  }
0x32a: {  	s22 =	rddreg [dreg:$0x1e];
	s18 =	simm.s32 $0xF000  }
0x32b: {  	[tilespmem:s18], [sflag:$0x1] =	stream.indirect.gather [hbm4b:s15+s7], $0x10, s22, s7, $0xb8;
	[tilespmem:$0x12000] =	vst v63  }
0x32c: {  	s25 =	sld [smem:$0x7DB];
	s30 =	simm.s32 $0xF800  }
0x32d: {  	[tilespmem:s30], [sflag:$0x1] =	stream.indirect.gather [hbm4b:s15+s7], $0x10, s23, s7, $0xb8;
	[tilespmem:$0x12000] =	vst v63  }
0x32e: {  	s28 =	simm.s32 $0x10000;
	s22 =	sld [smem:$0x7DC]  }
0x32f: {  	[tilespmem:s28], [sflag:$0x1] =	stream.indirect.gather [hbm4b:s15+s7], $0x10, s25, s7, $0xb8;
	[tilespmem:$0x12000] =	vst v63  }
0x330: {  	s23 =	sld [smem:$0x7DD];
	s25 =	simm.s32 $0x10800  }
0x331: {  	[tilespmem:s25], [sflag:$0x1] =	stream.indirect.gather [hbm4b:s15+s7], $0x10, s22, s7, $0xb8;
	[tilespmem:$0x12000] =	vst v63  }
0x332: {  	s17 =	sld [smem:$0x7DE];
	s22 =	simm.s32 $0x11000  }
0x333: {  	[tilespmem:s22], [sflag:$0x1] =	stream.indirect.gather [hbm4b:s15+s7], $0x10, s23, s7, $0xb8;
	[tilespmem:$0x12000] =	vst v63  }
0x334: {  	s23 =	simm.s32 $0x11800  }
0x335: {  	[tilespmem:s23], [sflag:$0x1] =	stream.indirect.gather [hbm4b:s15+s7], $0x10, s17, s7, $0xb8;
	[tilespmem:$0x12000] =	vst v63  }
0x336: {  	_ =	swait.ge [sflag:s5], $0x800  }
0x337: {  	[sflag:s5] =	ssyncset.done $0x0  }
0x338: {  	[sflag:s5] =	ssyncadd.s32 $0xFFFFF800  }
0x339: {  	_ =	swait.ge [sflag:s5], $0x800  }
0x33a: {  	[sflag:s5] =	ssyncset.done $0x0  }
0x33b: {  	[sflag:s5] =	ssyncadd.s32 $0xFFFFF800  }
0x33c: {  	_ =	swait.ge [sflag:s5], $0x800  }
0x33d: {  	[sflag:s5] =	ssyncset.done $0x0  }
0x33e: {  	[sflag:s5] =	ssyncadd.s32 $0xFFFFF800  }
0x33f: {  	_ =	swait.ge [sflag:s5], $0x800  }
0x340: {  	[sflag:s5] =	ssyncset.done $0x0  }
0x341: {  	[sflag:s5] =	ssyncadd.s32 $0xFFFFF800  }
0x342: {  	_ =	swait.ge [sflag:s5], $0x800  }
0x343: {  	[sflag:s5] =	ssyncset.done $0x0  }
0x344: {  	[sflag:s5] =	ssyncadd.s32 $0xFFFFF800  }
0x345: {  	_ =	swait.ge [sflag:s5], $0x800  }
0x346: {  	[sflag:s5] =	ssyncset.done $0x0  }
0x347: {  	[sflag:s5] =	ssyncadd.s32 $0xFFFFF800  }
0x348: {  	_ =	swait.ge [sflag:s5], $0x800  }
0x349: {  	[sflag:s5] =	ssyncset.done $0x0  }
0x34a: {  	[sflag:s5] =	ssyncadd.s32 $0xFFFFF800  }
0x34b: {  	_ =	swait.ge [sflag:s5], $0x800  }
0x34c: {  	[sflag:s5] =	ssyncset.done $0x0  }
0x34d: {  	[sflag:s5] =	ssyncadd.s32 $0xFFFFF800  }
0x34e: {  	_ =	swait.ge [sflag:s5], $0x800  }
0x34f: {  	[sflag:s5] =	ssyncset.done $0x0  }
0x350: {  	[sflag:s5] =	ssyncadd.s32 $0xFFFFF800  }
0x351: {  	_ =	swait.ge [sflag:s5], $0x800  }
0x352: {  	[sflag:s5] =	ssyncset.done $0x0  }
0x353: {  	[sflag:s5] =	ssyncadd.s32 $0xFFFFF800  }
0x354: {  	_ =	swait.ge [sflag:s5], $0x800  }
0x355: {  	[sflag:s5] =	ssyncset.done $0x0  }
0x356: {  	[sflag:s5] =	ssyncadd.s32 $0xFFFFF800  }
0x357: {  	_ =	swait.ge [sflag:s5], $0x800  }
0x358: {  	[sflag:s5] =	ssyncset.done $0x0  }
0x359: {  	[sflag:s5] =	ssyncadd.s32 $0xFFFFF800  }
0x35a: {  	_ =	swait.ge [sflag:s5], $0x800  }
0x35b: {  	[sflag:s5] =	ssyncset.done $0x0  }
0x35c: {  	[sflag:s5] =	ssyncadd.s32 $0xFFFFF800  }
0x35d: {  	_ =	swait.ge [sflag:s5], $0x800  }
0x35e: {  	[sflag:s5] =	ssyncset.done $0x0  }
0x35f: {  	[sflag:s5] =	ssyncadd.s32 $0xFFFFF800  }
0x360: {  	_ =	swait.ge [sflag:s5], $0x800  }
0x361: {  	[sflag:s5] =	ssyncset.done $0x0  }
0x362: {  	[sflag:s5] =	ssyncadd.s32 $0xFFFFF800  }
0x363: {  	_ =	swait.ge [sflag:s5], $0x800  }
0x364: {  	[sflag:s5] =	ssyncset.done $0x0  }
0x365: {  	[sflag:s5] =	ssyncadd.s32 $0xFFFFF800  }
0x366: {  	_ =	swait.ge [sflag:s5], $0x800  }
0x367: {  	[sflag:s5] =	ssyncset.done $0x0  }
0x368: {  	[sflag:s5] =	ssyncadd.s32 $0xFFFFF800  }
0x369: {  	_ =	swait.ge [sflag:s5], $0x800  }
0x36a: {  	[sflag:s5] =	ssyncset.done $0x0  }
0x36b: {  	[sflag:s5] =	ssyncadd.s32 $0xFFFFF800  }
0x36c: {  	_ =	swait.ge [sflag:s5], $0x800  }
0x36d: {  	[sflag:s5] =	ssyncset.done $0x0  }
0x36e: {  	[sflag:s5] =	ssyncadd.s32 $0xFFFFF800  }
0x36f: {  	_ =	swait.ge [sflag:s5], $0x800  }
0x370: {  	[sflag:s5] =	ssyncset.done $0x0  }
0x371: {  	[sflag:s5] =	ssyncadd.s32 $0xFFFFF800  }
0x372: {  	_ =	swait.ge [sflag:s5], $0x800  }
0x373: {  	[sflag:s5] =	ssyncset.done $0x0  }
0x374: {  	[sflag:s5] =	ssyncadd.s32 $0xFFFFF800  }
0x375: {  	_ =	swait.ge [sflag:s5], $0x800  }
0x376: {  	[sflag:s5] =	ssyncset.done $0x0  }
0x377: {  	[sflag:s5] =	ssyncadd.s32 $0xFFFFF800  }
0x378: {  	_ =	swait.ge [sflag:s5], $0x800  }
0x379: {  	[sflag:s5] =	ssyncset.done $0x0  }
0x37a: {  	[sflag:s5] =	ssyncadd.s32 $0xFFFFF800  }
0x37b: {  	_ =	swait.ge [sflag:s5], $0x800  }
0x37c: {  	[sflag:s5] =	ssyncset.done $0x0  }
0x37d: {  	[sflag:s5] =	ssyncadd.s32 $0xFFFFF800  }
0x37e: {  	_ =	swait.ge [sflag:s5], $0x800  }
0x37f: {  	[sflag:s5] =	ssyncset.done $0x0  }
0x380: {  	[sflag:s5] =	ssyncadd.s32 $0xFFFFF800  }
0x381: {  	_ =	swait.ge [sflag:s5], $0x800  }
0x382: {  	[sflag:s5] =	ssyncset.done $0x0  }
0x383: {  	[sflag:s5] =	ssyncadd.s32 $0xFFFFF800  }
0x384: {  	_ =	swait.ge [sflag:s5], $0x800  }
0x385: {  	[sflag:s5] =	ssyncset.done $0x0  }
0x386: {  	[sflag:s5] =	ssyncadd.s32 $0xFFFFF800  }
0x387: {  	_ =	swait.ge [sflag:s5], $0x800  }
0x388: {  	[sflag:s5] =	ssyncset.done $0x0  }
0x389: {  	[sflag:s5] =	ssyncadd.s32 $0xFFFFF800  }
0x38a: {  	_ =	swait.ge [sflag:s5], $0x800  }
0x38b: {  	[sflag:s5] =	ssyncset.done $0x0  }
0x38c: {  	[sflag:s5] =	ssyncadd.s32 $0xFFFFF800  }
0x38d: {  	_ =	swait.ge [sflag:s5], $0x800  }
0x38e: {  	[sflag:s5] =	ssyncset.done $0x0  }
0x38f: {  	[sflag:s5] =	ssyncadd.s32 $0xFFFFF800  }
0x390: {  	_ =	swait.ge [sflag:s5], $0x800  }
0x391: {  	[sflag:s5] =	ssyncset.done $0x0  }
0x392: {  	[sflag:s5] =	ssyncadd.s32 $0xFFFFF800  }
0x393: {  	_ =	swait.ge [sflag:s5], $0x800  }
0x394: {  	[sflag:s5] =	ssyncset.done $0x0  }
0x395: {  	s16 =	rddreg [dreg:$0x4];
	[sflag:s5] =	ssyncadd.s32 $0xFFFFF800  }
0x396: {  	[hbm4b:s16+s2] =	stream.linear.scatter [tilespmem:s4], [sflag:$0x2], $0x10000, $0x38;
	[tilespmem:$0x12000] =	vst v63  }
0x397: {  	_ =	swait.ge [sflag:s3], $0x10000  }
0x398: {  	[sflag:s3] =	ssyncset.done $0x0  }
0x399: {  	s17 =	simm.s32 $0x1000;
	s15 =	sld [smem:$0x7DF];
	[sflag:s3] =	ssyncadd.s32 $0xFFFF0000  }
0x39a: {  	[tilespmem:s4], [sflag:$0x1] =	stream.indirect.gather [hbm4b:s6+s7], $0x10, s17, s7, $0xb8;
	[tilespmem:$0x12000] =	vst v63  }
0x39b: {  	s17 =	sld [smem:$0x7E0]  }
0x39c: {  	[tilespmem:s20], [sflag:$0x1] =	stream.indirect.gather [hbm4b:s6+s7], $0x10, s15, s7, $0xb8;
	[tilespmem:$0x12000] =	vst v63  }
0x39d: {  	s20 =	sld [smem:$0x7E1]  }
0x39e: {  	[tilespmem:s21], [sflag:$0x1] =	stream.indirect.gather [hbm4b:s6+s7], $0x10, s17, s7, $0xb8;
	[tilespmem:$0x12000] =	vst v63  }
0x39f: {  	s21 =	sld [smem:$0x7E2]  }
0x3a0: {  	[tilespmem:s24], [sflag:$0x1] =	stream.indirect.gather [hbm4b:s6+s7], $0x10, s20, s7, $0xb8;
	[tilespmem:$0x12000] =	vst v63  }
0x3a1: {  	s24 =	sld [smem:$0x7E3]  }
0x3a2: {  	[tilespmem:s26], [sflag:$0x1] =	stream.indirect.gather [hbm4b:s6+s7], $0x10, s21, s7, $0xb8;
	[tilespmem:$0x12000] =	vst v63  }
0x3a3: {  	s26 =	sld [smem:$0x7E4]  }
0x3a4: {  	[tilespmem:s29], [sflag:$0x1] =	stream.indirect.gather [hbm4b:s6+s7], $0x10, s24, s7, $0xb8;
	[tilespmem:$0x12000] =	vst v63  }
0x3a5: {  	s29 =	sld [smem:$0x7E5]  }
0x3a6: {  	[tilespmem:s31], [sflag:$0x1] =	stream.indirect.gather [hbm4b:s6+s7], $0x10, s26, s7, $0xb8;
	[tilespmem:$0x12000] =	vst v63  }
0x3a7: {  	s1 =	simm.s32 $0x5800;
	s31 =	sld [smem:$0x7E6]  }
0x3a8: {  	[tilespmem:s1], [sflag:$0x1] =	stream.indirect.gather [hbm4b:s6+s7], $0x10, s29, s7, $0xb8;
	[tilespmem:$0x12000] =	vst v63  }
0x3a9: {  	s1 =	sld [smem:$0x7E7]  }
0x3aa: {  	[tilespmem:s8], [sflag:$0x1] =	stream.indirect.gather [hbm4b:s6+s7], $0x10, s31, s7, $0xb8;
	[tilespmem:$0x12000] =	vst v63  }
0x3ab: {  	s17 =	sld [smem:$0x7E8]  }
0x3ac: {  	[tilespmem:s10], [sflag:$0x1] =	stream.indirect.gather [hbm4b:s6+s7], $0x10, s1, s7, $0xb8;
	[tilespmem:$0x12000] =	vst v63  }
0x3ad: {  	s20 =	sld [smem:$0x7E9]  }
0x3ae: {  	[tilespmem:s12], [sflag:$0x1] =	stream.indirect.gather [hbm4b:s6+s7], $0x10, s17, s7, $0xb8;
	[tilespmem:$0x12000] =	vst v63  }
0x3af: {  	s21 =	sld [smem:$0x7EA]  }
0x3b0: {  	[tilespmem:s14], [sflag:$0x1] =	stream.indirect.gather [hbm4b:s6+s7], $0x10, s20, s7, $0xb8;
	[tilespmem:$0x12000] =	vst v63  }
0x3b1: {  	s24 =	sld [smem:$0x7EB]  }
0x3b2: {  	[tilespmem:s0], [sflag:$0x1] =	stream.indirect.gather [hbm4b:s6+s7], $0x10, s21, s7, $0xb8;
	[tilespmem:$0x12000] =	vst v63  }
0x3b3: {  	s26 =	sld [smem:$0x7EC];
	s29 =	simm.s32 $0x8800  }
0x3b4: {  	[tilespmem:s29], [sflag:$0x1] =	stream.indirect.gather [hbm4b:s6+s7], $0x10, s24, s7, $0xb8;
	[tilespmem:$0x12000] =	vst v63  }
0x3b5: {  	s31 =	sld [smem:$0x7ED];
	s10 =	simm.s32 $0x9000  }
0x3b6: {  	[tilespmem:s10], [sflag:$0x1] =	stream.indirect.gather [hbm4b:s6+s7], $0x10, s26, s7, $0xb8;
	[tilespmem:$0x12000] =	vst v63  }
0x3b7: {  	s12 =	sld [smem:$0x7EE];
	s14 =	simm.s32 $0x9800  }
0x3b8: {  	[tilespmem:s14], [sflag:$0x1] =	stream.indirect.gather [hbm4b:s6+s7], $0x10, s31, s7, $0xb8;
	[tilespmem:$0x12000] =	vst v63  }
0x3b9: {  	s15 =	sld [smem:$0x7EF];
	s17 =	simm.s32 $0xA000  }
0x3ba: {  	[tilespmem:s17], [sflag:$0x1] =	stream.indirect.gather [hbm4b:s6+s7], $0x10, s12, s7, $0xb8;
	[tilespmem:$0x12000] =	vst v63  }
0x3bb: {  	s20 =	sld [smem:$0x7F0];
	s21 =	simm.s32 $0xA800  }
0x3bc: {  	[tilespmem:s21], [sflag:$0x1] =	stream.indirect.gather [hbm4b:s6+s7], $0x10, s15, s7, $0xb8;
	[tilespmem:$0x12000] =	vst v63  }
0x3bd: {  	s24 =	sld [smem:$0x7F1];
	s26 =	simm.s32 $0xB000  }
0x3be: {  	[tilespmem:s26], [sflag:$0x1] =	stream.indirect.gather [hbm4b:s6+s7], $0x10, s20, s7, $0xb8;
	[tilespmem:$0x12000] =	vst v63  }
0x3bf: {  	s29 =	sld [smem:$0x7F2];
	s31 =	simm.s32 $0xB800  }
0x3c0: {  	[tilespmem:s31], [sflag:$0x1] =	stream.indirect.gather [hbm4b:s6+s7], $0x10, s24, s7, $0xb8;
	[tilespmem:$0x12000] =	vst v63  }
0x3c1: {  	s10 =	sld [smem:$0x7F3];
	s12 =	simm.s32 $0xC000  }
0x3c2: {  	[tilespmem:s12], [sflag:$0x1] =	stream.indirect.gather [hbm4b:s6+s7], $0x10, s29, s7, $0xb8;
	[tilespmem:$0x12000] =	vst v63  }
0x3c3: {  	s14 =	sld [smem:$0x7F4]  }
0x3c4: {  	[tilespmem:s19], [sflag:$0x1] =	stream.indirect.gather [hbm4b:s6+s7], $0x10, s10, s7, $0xb8;
	[tilespmem:$0x12000] =	vst v63  }
0x3c5: {  	s15 =	sld [smem:$0x7F5]  }
0x3c6: {  	[tilespmem:s13], [sflag:$0x1] =	stream.indirect.gather [hbm4b:s6+s7], $0x10, s14, s7, $0xb8;
	[tilespmem:$0x12000] =	vst v63  }
0x3c7: {  	s17 =	sld [smem:$0x7F6]  }
0x3c8: {  	[tilespmem:s11], [sflag:$0x1] =	stream.indirect.gather [hbm4b:s6+s7], $0x10, s15, s7, $0xb8;
	[tilespmem:$0x12000] =	vst v63  }
0x3c9: {  	s19 =	sld [smem:$0x7F7]  }
0x3ca: {  	[tilespmem:s9], [sflag:$0x1] =	stream.indirect.gather [hbm4b:s6+s7], $0x10, s17, s7, $0xb8;
	[tilespmem:$0x12000] =	vst v63  }
0x3cb: {  	s16 =	simm.s32 $0xE800;
	s20 =	sld [smem:$0x7F8]  }
0x3cc: {  	[tilespmem:s16], [sflag:$0x1] =	stream.indirect.gather [hbm4b:s6+s7], $0x10, s19, s7, $0xb8;
	[tilespmem:$0x12000] =	vst v63  }
0x3cd: {  	s21 =	sld [smem:$0x7F9]  }
0x3ce: {  	[tilespmem:s18], [sflag:$0x1] =	stream.indirect.gather [hbm4b:s6+s7], $0x10, s20, s7, $0xb8;
	[tilespmem:$0x12000] =	vst v63  }
0x3cf: {  	s24 =	sld [smem:$0x7FA]  }
0x3d0: {  	[tilespmem:s30], [sflag:$0x1] =	stream.indirect.gather [hbm4b:s6+s7], $0x10, s21, s7, $0xb8;
	[tilespmem:$0x12000] =	vst v63  }
0x3d1: {  	s26 =	sld [smem:$0x7FB]  }
0x3d2: {  	[tilespmem:s28], [sflag:$0x1] =	stream.indirect.gather [hbm4b:s6+s7], $0x10, s24, s7, $0xb8;
	[tilespmem:$0x12000] =	vst v63  }
0x3d3: {  	s28 =	sld [smem:$0x7FC]  }
0x3d4: {  	[tilespmem:s25], [sflag:$0x1] =	stream.indirect.gather [hbm4b:s6+s7], $0x10, s26, s7, $0xb8;
	[tilespmem:$0x12000] =	vst v63  }
0x3d5: {  	s29 =	sld [smem:$0x7FD]  }
0x3d6: {  	[tilespmem:s22], [sflag:$0x1] =	stream.indirect.gather [hbm4b:s6+s7], $0x10, s28, s7, $0xb8;
	[tilespmem:$0x12000] =	vst v63  }
0x3d7: {  	_ = 	snop  }
0x3d8: {  	[tilespmem:s23], [sflag:$0x1] =	stream.indirect.gather [hbm4b:s6+s7], $0x10, s29, s7, $0xb8;
	[tilespmem:$0x12000] =	vst v63  }
0x3d9: {  	_ =	swait.ge [sflag:s5], $0x800  }
0x3da: {  	[sflag:s5] =	ssyncset.done $0x0  }
0x3db: {  	[sflag:s5] =	ssyncadd.s32 $0xFFFFF800  }
0x3dc: {  	_ =	swait.ge [sflag:s5], $0x800  }
0x3dd: {  	[sflag:s5] =	ssyncset.done $0x0  }
0x3de: {  	[sflag:s5] =	ssyncadd.s32 $0xFFFFF800  }
0x3df: {  	_ =	swait.ge [sflag:s5], $0x800  }
0x3e0: {  	[sflag:s5] =	ssyncset.done $0x0  }
0x3e1: {  	[sflag:s5] =	ssyncadd.s32 $0xFFFFF800  }
0x3e2: {  	_ =	swait.ge [sflag:s5], $0x800  }
0x3e3: {  	[sflag:s5] =	ssyncset.done $0x0  }
0x3e4: {  	[sflag:s5] =	ssyncadd.s32 $0xFFFFF800  }
0x3e5: {  	_ =	swait.ge [sflag:s5], $0x800  }
0x3e6: {  	[sflag:s5] =	ssyncset.done $0x0  }
0x3e7: {  	[sflag:s5] =	ssyncadd.s32 $0xFFFFF800  }
0x3e8: {  	_ =	swait.ge [sflag:s5], $0x800  }
0x3e9: {  	[sflag:s5] =	ssyncset.done $0x0  }
0x3ea: {  	[sflag:s5] =	ssyncadd.s32 $0xFFFFF800  }
0x3eb: {  	_ =	swait.ge [sflag:s5], $0x800  }
0x3ec: {  	[sflag:s5] =	ssyncset.done $0x0  }
0x3ed: {  	[sflag:s5] =	ssyncadd.s32 $0xFFFFF800  }
0x3ee: {  	_ =	swait.ge [sflag:s5], $0x800  }
0x3ef: {  	[sflag:s5] =	ssyncset.done $0x0  }
0x3f0: {  	[sflag:s5] =	ssyncadd.s32 $0xFFFFF800  }
0x3f1: {  	_ =	swait.ge [sflag:s5], $0x800  }
0x3f2: {  	[sflag:s5] =	ssyncset.done $0x0  }
0x3f3: {  	[sflag:s5] =	ssyncadd.s32 $0xFFFFF800  }
0x3f4: {  	_ =	swait.ge [sflag:s5], $0x800  }
0x3f5: {  	[sflag:s5] =	ssyncset.done $0x0  }
0x3f6: {  	[sflag:s5] =	ssyncadd.s32 $0xFFFFF800  }
0x3f7: {  	_ =	swait.ge [sflag:s5], $0x800  }
0x3f8: {  	[sflag:s5] =	ssyncset.done $0x0  }
0x3f9: {  	[sflag:s5] =	ssyncadd.s32 $0xFFFFF800  }
0x3fa: {  	_ =	swait.ge [sflag:s5], $0x800  }
0x3fb: {  	[sflag:s5] =	ssyncset.done $0x0  }
0x3fc: {  	[sflag:s5] =	ssyncadd.s32 $0xFFFFF800  }
0x3fd: {  	_ =	swait.ge [sflag:s5], $0x800  }
0x3fe: {  	[sflag:s5] =	ssyncset.done $0x0  }
0x3ff: {  	[sflag:s5] =	ssyncadd.s32 $0xFFFFF800  }
0x400: {  	_ =	swait.ge [sflag:s5], $0x800  }
0x401: {  	[sflag:s5] =	ssyncset.done $0x0  }
0x402: {  	[sflag:s5] =	ssyncadd.s32 $0xFFFFF800  }
0x403: {  	_ =	swait.ge [sflag:s5], $0x800  }
0x404: {  	[sflag:s5] =	ssyncset.done $0x0  }
0x405: {  	[sflag:s5] =	ssyncadd.s32 $0xFFFFF800  }
0x406: {  	_ =	swait.ge [sflag:s5], $0x800  }
0x407: {  	[sflag:s5] =	ssyncset.done $0x0  }
0x408: {  	[sflag:s5] =	ssyncadd.s32 $0xFFFFF800  }
0x409: {  	_ =	swait.ge [sflag:s5], $0x800  }
0x40a: {  	[sflag:s5] =	ssyncset.done $0x0  }
0x40b: {  	[sflag:s5] =	ssyncadd.s32 $0xFFFFF800  }
0x40c: {  	_ =	swait.ge [sflag:s5], $0x800  }
0x40d: {  	[sflag:s5] =	ssyncset.done $0x0  }
0x40e: {  	[sflag:s5] =	ssyncadd.s32 $0xFFFFF800  }
0x40f: {  	_ =	swait.ge [sflag:s5], $0x800  }
0x410: {  	[sflag:s5] =	ssyncset.done $0x0  }
0x411: {  	[sflag:s5] =	ssyncadd.s32 $0xFFFFF800  }
0x412: {  	_ =	swait.ge [sflag:s5], $0x800  }
0x413: {  	[sflag:s5] =	ssyncset.done $0x0  }
0x414: {  	[sflag:s5] =	ssyncadd.s32 $0xFFFFF800  }
0x415: {  	_ =	swait.ge [sflag:s5], $0x800  }
0x416: {  	[sflag:s5] =	ssyncset.done $0x0  }
0x417: {  	[sflag:s5] =	ssyncadd.s32 $0xFFFFF800  }
0x418: {  	_ =	swait.ge [sflag:s5], $0x800  }
0x419: {  	[sflag:s5] =	ssyncset.done $0x0  }
0x41a: {  	[sflag:s5] =	ssyncadd.s32 $0xFFFFF800  }
0x41b: {  	_ =	swait.ge [sflag:s5], $0x800  }
0x41c: {  	[sflag:s5] =	ssyncset.done $0x0  }
0x41d: {  	[sflag:s5] =	ssyncadd.s32 $0xFFFFF800  }
0x41e: {  	_ =	swait.ge [sflag:s5], $0x800  }
0x41f: {  	[sflag:s5] =	ssyncset.done $0x0  }
0x420: {  	[sflag:s5] =	ssyncadd.s32 $0xFFFFF800  }
0x421: {  	_ =	swait.ge [sflag:s5], $0x800  }
0x422: {  	[sflag:s5] =	ssyncset.done $0x0  }
0x423: {  	[sflag:s5] =	ssyncadd.s32 $0xFFFFF800  }
0x424: {  	_ =	swait.ge [sflag:s5], $0x800  }
0x425: {  	[sflag:s5] =	ssyncset.done $0x0  }
0x426: {  	[sflag:s5] =	ssyncadd.s32 $0xFFFFF800  }
0x427: {  	_ =	swait.ge [sflag:s5], $0x800  }
0x428: {  	[sflag:s5] =	ssyncset.done $0x0  }
0x429: {  	[sflag:s5] =	ssyncadd.s32 $0xFFFFF800  }
0x42a: {  	_ =	swait.ge [sflag:s5], $0x800  }
0x42b: {  	[sflag:s5] =	ssyncset.done $0x0  }
0x42c: {  	[sflag:s5] =	ssyncadd.s32 $0xFFFFF800  }
0x42d: {  	_ =	swait.ge [sflag:s5], $0x800  }
0x42e: {  	[sflag:s5] =	ssyncset.done $0x0  }
0x42f: {  	[sflag:s5] =	ssyncadd.s32 $0xFFFFF800  }
0x430: {  	_ =	swait.ge [sflag:s5], $0x800  }
0x431: {  	[sflag:s5] =	ssyncset.done $0x0  }
0x432: {  	[sflag:s5] =	ssyncadd.s32 $0xFFFFF800  }
0x433: {  	_ =	swait.ge [sflag:s5], $0x800  }
0x434: {  	[sflag:s5] =	ssyncset.done $0x0  }
0x435: {  	[sflag:s5] =	ssyncadd.s32 $0xFFFFF800  }
0x436: {  	_ =	swait.ge [sflag:s5], $0x800  }
0x437: {  	[sflag:s5] =	ssyncset.done $0x0  }
0x438: {  	s30 =	rddreg [dreg:$0x5];
	[sflag:s5] =	ssyncadd.s32 $0xFFFFF800  }
0x439: {  	[hbm4b:s30+s2] =	stream.linear.scatter [tilespmem:s4], [sflag:$0x2], $0x10000, $0x38;
	[tilespmem:$0x12000] =	vst v63  }
0x43a: {  	_ =	swait.ge [sflag:s3], $0x10000  }
0x43b: {  	[sflag:s3] =	ssyncset.done $0x0  }
0x43c: {  	[sflag:s3] =	ssyncadd.s32 $0xFFFF0000  }
0x43d: {  	_ =	sfence.sel $0x180000  }
0x43e: {  	[bflag:$0x0] =	sbarrier.arrive $0xFFFF  }
0x43f: {  	_ =	strace $0x90000047  }
0x440: {  	s31 =	stileid.u32;
	[bflag:$0x2] =	sbarrier.arrive $0xFFFF  }
0x441: {  	p0 =	sne.s32 s31, $0x0;
	s0 =	rddreg [dreg:$0x1]  }
0x442: {  	s0 =	sadd.s32 @!p0 $0x100000, s0  }
0x443: {  	[sflag:s0] =	ssyncadd.tile.s32 @!p0 $0x1;
	_ =	shalt  }
.LBB2_6:
.Ltmp3:
0x444: {  	(pc) =	sbr.rel .LBB2_5-.Ltmp3, $4  }
0x445: {  	_ = 	snop  }
0x446: {  	s18 =	simm.s32 $0x5800;
	s1 =	simm.s32 $0xE800;
	s8 =	simm.s32 $0x6000  }
0x447: {  	s9 =	simm.s32 $0xE000;
	s10 =	simm.s32 $0x6800;
	s11 =	simm.s32 $0xD800  }
0x448: {  	s12 =	simm.s32 $0x7000;
	s13 =	simm.s32 $0xD000;
	s14 =	simm.s32 $0x7800  }
.Lfunc_end2:
_tile_overlayer_lowered:
.L_overlay_start_2:
0x449: {  	(tag) =	ssettag $0x2  }
0x44a: {  	s0 =	rddreg [dreg:$0x0];
	s2 =	stileid.u32  }
0x44b: {  	s1 =	rddreg [dreg:$0x1];
	p0 =	sne.s32 s2, $0x0  }
0x44c: {  	s3 =	rddreg [dreg:$0x2];
	[bflag:$0x3] =	sbarrier.arrive $0xFFFF;
	s2 =	simm.s32 @!p0 $0x1C02  }
0x44d: {  	[timem:s3], [sflag:s2] =	dma.local @!p0 [hbm:s0], s1  }
0x44e: {  	s0 =	simm.s32 @!p0 $0x2  }
0x44f: {  	_ =	swait.ge @!p0 [sflag:s0], s1  }
0x450: {  	s1 =	ssub.s32 @!p0 $0x0, s1;
	[sflag:s0] =	ssyncset.done @!p0 $0x0  }
0x451: {  	[sflag:s0] =	ssyncadd.s32 @!p0 s1  }
0x452: {  	[bflag:$0x3] =	sbarrier.arrive $0xFFFF  }
0x453: {  	_ =	shalt  }

</sc_bundles>
